<compile_context>
chip_gen: v7x
topology: tpu7x:2x2x1
jax: 0.10.2.dev20260603
libtpu: 0.0.44.dev20260713+nightly
codegen_flags: <defaults>
</compile_context>

<pallas_src>
import functools

import jax
import jax.numpy as jnp
from jax import lax
from jax.experimental import pallas as pl
from jax.experimental.pallas import tpu as pltpu
from jax.experimental.pallas import tpu_sc as plsc

NUM_CORES = 2
NUM_SUBCORES = 16
NUM_WORKERS = NUM_CORES * NUM_SUBCORES
TOK_PER_CHUNK = 2
K = 8
G = 4


@functools.partial(jax.jit, static_argnums=(2,))
def _embedding_lookup(idx2d, table, seq):
    n_tokens = idx2d.shape[0] * TOK_PER_CHUNK
    dim = table.shape[1]
    chunk_idx = TOK_PER_CHUNK * seq
    n = idx2d.shape[0] // NUM_WORKERS
    assert n % K == 0
    mesh = plsc.VectorSubcoreMesh(core_axis_name="c", subcore_axis_name="s")

    @functools.partial(
        pl.kernel,
        mesh=mesh,
        out_type=jax.ShapeDtypeStruct((n_tokens, seq, dim), jnp.float32),
        scratch_types=[
            pltpu.VMEM((n, chunk_idx), jnp.int32),
            pltpu.VMEM((K, chunk_idx, dim), jnp.float32),
            pltpu.SemaphoreType.DMA((K,)),
            pltpu.SemaphoreType.DMA((K,)),
        ],
        compiler_params=pltpu.CompilerParams(use_tc_tiling_on_sc=False),
    )
    def emb_kernel(idx_hbm, table_hbm, out_hbm, idx_v, rows_v, gsem, wsem):
        wid = lax.axis_index("s") * NUM_CORES + lax.axis_index("c")
        chunk_base = wid * n
        tok_base = chunk_base * TOK_PER_CHUNK
        pltpu.sync_copy(idx_hbm.at[pl.ds(chunk_base, n)], idx_v)

        def fire_gather(j, b):
            pltpu.async_copy(table_hbm.at[idx_v.at[j]], rows_v.at[b], gsem.at[b])

        def wait_gather(j, b):
            pltpu.make_async_copy(
                table_hbm.at[idx_v.at[j]], rows_v.at[b], gsem.at[b]
            ).wait()

        def write_parts(j, b):
            tok = tok_base + j * TOK_PER_CHUNK
            return [
                (rows_v.at[b, pl.ds(t * seq, seq)], out_hbm.at[tok + t])
                for t in range(TOK_PER_CHUNK)
            ]

        def fire_write(j, b):
            for src, dst in write_parts(j, b):
                pltpu.async_copy(src, dst, wsem.at[b])

        def wait_write(j, b):
            for src, dst in write_parts(j, b):
                pltpu.make_async_copy(src, dst, wsem.at[b]).wait()

        for b in range(G):
            fire_gather(b, b)

        def group(g, _):
            for b in range(K):
                j = g * K + b
                bn = (b + G) % K
                wait_gather(j, b)
                fire_write(j, b)

                @pl.when(jnp.logical_and(j + G < n, j + G - K >= 0))
                def _():
                    wait_write(j + G - K, bn)

                @pl.when(j + G < n)
                def _():
                    fire_gather(j + G, bn)

            return 0

        lax.fori_loop(0, n // K, group, 0)
        for b in range(K):
            wait_write(n - K + b, b)

    return emb_kernel(idx2d, table)


def kernel(token_ids, embedding_matrix):
    n_tokens, seq = token_ids.shape
    flat = token_ids.reshape(-1).astype(jnp.int32)
    assert n_tokens % (NUM_WORKERS * TOK_PER_CHUNK) == 0
    idx2d = flat.reshape(n_tokens // TOK_PER_CHUNK, TOK_PER_CHUNK * seq)
    return _embedding_lookup(idx2d, embedding_matrix, seq)

# --- scband reference (transcript-rebuilt; emitter-appended) ---
"""Pipeline reference for scband-embedding-20873541058917 (READ-ONLY COPY).

The authoritative reference and input builder live on the scoring server;
editing this copy changes nothing except your own understanding.
"""

import jax, jax.numpy as jnp
import numpy as np

NUM_EMBEDDINGS = 1000000
EMBEDDING_DIM = 64

def setup_inputs(seed: int = 0) -> dict:
    key = jax.random.key(seed)
    k1, k2 = jax.random.split(key)
    token_ids = jax.random.randint(k1, (16384, 50), 0, NUM_EMBEDDINGS, dtype=jnp.int64 if jax.config.jax_enable_x64 else jnp.int32)
    # trunc_normal_(mean=0, std=1, a=-3, b=3)
    embedding_matrix = jax.random.truncated_normal(k2, -3.0, 3.0, (NUM_EMBEDDINGS, EMBEDDING_DIM), dtype=jnp.float32)
    return {"token_ids": token_ids, "embedding_matrix": embedding_matrix}

def reference(token_ids, embedding_matrix):
    # Faithful translation of: return self.embedding_matrix[token_ids]
    return jnp.take(embedding_matrix, token_ids, axis=0)

if __name__ == "__main__":
    import jax
    _d = setup_inputs()
    print(jax.jit(kernel)(*tuple(_d.values())))

</pallas_src>

<mosaic_0001>
#map = affine_map<(d0, d1) -> (0, 0)>
#map1 = affine_map<(d0, d1) -> (0, 0, 0)>
module attributes {stable_mosaic.version = 14 : i64} {
  func.func @emb_kernel(%arg0: i32, %arg1: i32, %arg2: memref<8192x100xi32, #tpu.memory_space<hbm>>, %arg3: memref<1000000x64xf32, #tpu.memory_space<hbm>>, %arg4: memref<16384x50x64xf32, #tpu.memory_space<hbm>>, %arg5: memref<256x100xi32, #tpu.memory_space<vmem>>, %arg6: memref<8x100x64xf32, #tpu.memory_space<vmem>>, %arg7: memref<8x!tpu.dma_semaphore, #tpu.memory_space<semaphore_mem>>, %arg8: memref<8x!tpu.dma_semaphore, #tpu.memory_space<semaphore_mem>>) attributes {dimension_semantics = [#tpu.dimension_semantics<core_parallel>, #tpu.dimension_semantics<subcore_parallel>], iteration_bounds = array<i64: 2, 16>, scalar_prefetch = 0 : i64, scratch_operands = 4 : i64, tpu.core_type = #tpu.core_type<sc_vector_subcore>, window_params = [{transform_indices = #map}, {transform_indices = #map}, {transform_indices = #map1}]} {
    %mul3A = arith.constant 2 : i32
    %mul3A_0 = arith.muli %arg1, %mul3A : i32
    %add3A = arith.addi %mul3A_0, %arg0 : i32
    %mul3A_1 = arith.constant 256 : i32
    %mul3A_2 = arith.muli %add3A, %mul3A_1 : i32
    %mul3A_3 = arith.constant 2 : i32
    %mul3A_4 = arith.muli %mul3A_2, %mul3A_3 : i32
    "tpu.region"() ({
      %run_scoped3A = tpu.sem_alloc : memref<!tpu.dma_semaphore, #tpu.memory_space<semaphore_mem>>
      %dma_start3A_437 = arith.constant 0 : i32
      %dma_start3A_438 = tpu.memref_slice %arg2[%mul3A_2, %dma_start3A_437] : memref<8192x100xi32, #tpu.memory_space<hbm>> -> memref<256x100xi32, #tpu.memory_space<hbm>>
      %dma_start3A_439 = arith.constant 0 : i32
      %dma_start3A_440 = tpu.memref_slice %arg2[%mul3A_2, %dma_start3A_439] : memref<8192x100xi32, #tpu.memory_space<hbm>> -> memref<256x100xi32, #tpu.memory_space<hbm>>
      tpu.enqueue_dma source(%dma_start3A_440 : memref<256x100xi32, #tpu.memory_space<hbm>>) target(%arg5 : memref<256x100xi32, #tpu.memory_space<vmem>>) target_semaphore(%run_scoped3A : memref<!tpu.dma_semaphore, #tpu.memory_space<semaphore_mem>>)
      %dma_wait3A_441 = arith.constant 0 : i32
      %dma_wait3A_442 = tpu.memref_slice %arg2[%mul3A_2, %dma_wait3A_441] : memref<8192x100xi32, #tpu.memory_space<hbm>> -> memref<256x100xi32, #tpu.memory_space<hbm>>
      %dma_wait3A_443 = arith.constant 0 : i32
      %dma_wait3A_444 = tpu.memref_slice %arg2[%mul3A_2, %dma_wait3A_443] : memref<8192x100xi32, #tpu.memory_space<hbm>> -> memref<256x100xi32, #tpu.memory_space<hbm>>
      tpu.wait_dma2 semaphore(%run_scoped3A : memref<!tpu.dma_semaphore, #tpu.memory_space<semaphore_mem>>) src(%dma_wait3A_444 : memref<256x100xi32, #tpu.memory_space<hbm>>) dst(%arg5 : memref<256x100xi32, #tpu.memory_space<vmem>>)
      tpu.yield
    }) : () -> ()
    %dma_start3A = arith.constant 0 : i32
    %dma_start3A_5 = arith.constant 0 : i32
    %dma_start3A_6 = arith.constant 0 : i32
    %dma_start3A_7 = arith.constant 0 : i32
    %dma_start3A_8 = arith.constant 0 : i32
    %dma_start3A_9 = tpu.memref_slice %arg6[%dma_start3A_5, %dma_start3A_7, %dma_start3A_8] : memref<8x100x64xf32, #tpu.memory_space<vmem>> -> memref<1x100x64xf32, #tpu.memory_space<vmem>>
    %dma_start3A_10 = tpu.memref_squeeze %dma_start3A_9 : memref<1x100x64xf32, #tpu.memory_space<vmem>> -> memref<100x64xf32, #tpu.memory_space<vmem>>
    %dma_start3A_11 = arith.constant 0 : i32
    %dma_start3A_12 = tpu.memref_slice %arg5[%dma_start3A, %dma_start3A_11] : memref<256x100xi32, #tpu.memory_space<vmem>> -> memref<1x100xi32, #tpu.memory_space<vmem>>
    %dma_start3A_13 = tpu.memref_squeeze %dma_start3A_12 : memref<1x100xi32, #tpu.memory_space<vmem>> -> memref<100xi32, #tpu.memory_space<vmem>>
    %dma_start3A_14 = arith.constant 0 : i32
    %dma_start3A_15 = arith.constant 0 : i32
    %dma_start3A_16 = tpu.memref_slice %arg3[%dma_start3A_14, %dma_start3A_15] : memref<1000000x64xf32, #tpu.memory_space<hbm>> -> memref<1000000x64xf32, #tpu.memory_space<hbm>>
    %dma_start3A_17 = tpu.memref_slice %arg7[%dma_start3A_6] : memref<8x!tpu.dma_semaphore, #tpu.memory_space<semaphore_mem>> -> memref<1x!tpu.dma_semaphore, #tpu.memory_space<semaphore_mem>>
    %dma_start3A_18 = tpu.memref_squeeze %dma_start3A_17 : memref<1x!tpu.dma_semaphore, #tpu.memory_space<semaphore_mem>> -> memref<!tpu.dma_semaphore, #tpu.memory_space<semaphore_mem>>
    tpu.enqueue_indirect_dma source(%dma_start3A_16 : memref<1000000x64xf32, #tpu.memory_space<hbm>>) target(%dma_start3A_10 : memref<100x64xf32, #tpu.memory_space<vmem>>) offsets(%dma_start3A_13 : memref<100xi32, #tpu.memory_space<vmem>>) semaphore(%dma_start3A_18 : memref<!tpu.dma_semaphore, #tpu.memory_space<semaphore_mem>>)
    %dma_start3A_19 = arith.constant 1 : i32
    %dma_start3A_20 = arith.constant 1 : i32
    %dma_start3A_21 = arith.constant 1 : i32
    %dma_start3A_22 = arith.constant 0 : i32
    %dma_start3A_23 = arith.constant 0 : i32
    %dma_start3A_24 = tpu.memref_slice %arg6[%dma_start3A_20, %dma_start3A_22, %dma_start3A_23] : memref<8x100x64xf32, #tpu.memory_space<vmem>> -> memref<1x100x64xf32, #tpu.memory_space<vmem>>
    %dma_start3A_25 = tpu.memref_squeeze %dma_start3A_24 : memref<1x100x64xf32, #tpu.memory_space<vmem>> -> memref<100x64xf32, #tpu.memory_space<vmem>>
    %dma_start3A_26 = arith.constant 0 : i32
    %dma_start3A_27 = tpu.memref_slice %arg5[%dma_start3A_19, %dma_start3A_26] : memref<256x100xi32, #tpu.memory_space<vmem>> -> memref<1x100xi32, #tpu.memory_space<vmem>>
    %dma_start3A_28 = tpu.memref_squeeze %dma_start3A_27 : memref<1x100xi32, #tpu.memory_space<vmem>> -> memref<100xi32, #tpu.memory_space<vmem>>
    %dma_start3A_29 = arith.constant 0 : i32
    %dma_start3A_30 = arith.constant 0 : i32
    %dma_start3A_31 = tpu.memref_slice %arg3[%dma_start3A_29, %dma_start3A_30] : memref<1000000x64xf32, #tpu.memory_space<hbm>> -> memref<1000000x64xf32, #tpu.memory_space<hbm>>
    %dma_start3A_32 = tpu.memref_slice %arg7[%dma_start3A_21] : memref<8x!tpu.dma_semaphore, #tpu.memory_space<semaphore_mem>> -> memref<1x!tpu.dma_semaphore, #tpu.memory_space<semaphore_mem>>
    %dma_start3A_33 = tpu.memref_squeeze %dma_start3A_32 : memref<1x!tpu.dma_semaphore, #tpu.memory_space<semaphore_mem>> -> memref<!tpu.dma_semaphore, #tpu.memory_space<semaphore_mem>>
    tpu.enqueue_indirect_dma source(%dma_start3A_31 : memref<1000000x64xf32, #tpu.memory_space<hbm>>) target(%dma_start3A_25 : memref<100x64xf32, #tpu.memory_space<vmem>>) offsets(%dma_start3A_28 : memref<100xi32, #tpu.memory_space<vmem>>) semaphore(%dma_start3A_33 : memref<!tpu.dma_semaphore, #tpu.memory_space<semaphore_mem>>)
    %dma_start3A_34 = arith.constant 2 : i32
    %dma_start3A_35 = arith.constant 2 : i32
    %dma_start3A_36 = arith.constant 2 : i32
    %dma_start3A_37 = arith.constant 0 : i32
    %dma_start3A_38 = arith.constant 0 : i32
    %dma_start3A_39 = tpu.memref_slice %arg6[%dma_start3A_35, %dma_start3A_37, %dma_start3A_38] : memref<8x100x64xf32, #tpu.memory_space<vmem>> -> memref<1x100x64xf32, #tpu.memory_space<vmem>>
    %dma_start3A_40 = tpu.memref_squeeze %dma_start3A_39 : memref<1x100x64xf32, #tpu.memory_space<vmem>> -> memref<100x64xf32, #tpu.memory_space<vmem>>
    %dma_start3A_41 = arith.constant 0 : i32
    %dma_start3A_42 = tpu.memref_slice %arg5[%dma_start3A_34, %dma_start3A_41] : memref<256x100xi32, #tpu.memory_space<vmem>> -> memref<1x100xi32, #tpu.memory_space<vmem>>
    %dma_start3A_43 = tpu.memref_squeeze %dma_start3A_42 : memref<1x100xi32, #tpu.memory_space<vmem>> -> memref<100xi32, #tpu.memory_space<vmem>>
    %dma_start3A_44 = arith.constant 0 : i32
    %dma_start3A_45 = arith.constant 0 : i32
    %dma_start3A_46 = tpu.memref_slice %arg3[%dma_start3A_44, %dma_start3A_45] : memref<1000000x64xf32, #tpu.memory_space<hbm>> -> memref<1000000x64xf32, #tpu.memory_space<hbm>>
    %dma_start3A_47 = tpu.memref_slice %arg7[%dma_start3A_36] : memref<8x!tpu.dma_semaphore, #tpu.memory_space<semaphore_mem>> -> memref<1x!tpu.dma_semaphore, #tpu.memory_space<semaphore_mem>>
    %dma_start3A_48 = tpu.memref_squeeze %dma_start3A_47 : memref<1x!tpu.dma_semaphore, #tpu.memory_space<semaphore_mem>> -> memref<!tpu.dma_semaphore, #tpu.memory_space<semaphore_mem>>
    tpu.enqueue_indirect_dma source(%dma_start3A_46 : memref<1000000x64xf32, #tpu.memory_space<hbm>>) target(%dma_start3A_40 : memref<100x64xf32, #tpu.memory_space<vmem>>) offsets(%dma_start3A_43 : memref<100xi32, #tpu.memory_space<vmem>>) semaphore(%dma_start3A_48 : memref<!tpu.dma_semaphore, #tpu.memory_space<semaphore_mem>>)
    %dma_start3A_49 = arith.constant 3 : i32
    %dma_start3A_50 = arith.constant 3 : i32
    %dma_start3A_51 = arith.constant 3 : i32
    %dma_start3A_52 = arith.constant 0 : i32
    %dma_start3A_53 = arith.constant 0 : i32
    %dma_start3A_54 = tpu.memref_slice %arg6[%dma_start3A_50, %dma_start3A_52, %dma_start3A_53] : memref<8x100x64xf32, #tpu.memory_space<vmem>> -> memref<1x100x64xf32, #tpu.memory_space<vmem>>
    %dma_start3A_55 = tpu.memref_squeeze %dma_start3A_54 : memref<1x100x64xf32, #tpu.memory_space<vmem>> -> memref<100x64xf32, #tpu.memory_space<vmem>>
    %dma_start3A_56 = arith.constant 0 : i32
    %dma_start3A_57 = tpu.memref_slice %arg5[%dma_start3A_49, %dma_start3A_56] : memref<256x100xi32, #tpu.memory_space<vmem>> -> memref<1x100xi32, #tpu.memory_space<vmem>>
    %dma_start3A_58 = tpu.memref_squeeze %dma_start3A_57 : memref<1x100xi32, #tpu.memory_space<vmem>> -> memref<100xi32, #tpu.memory_space<vmem>>
    %dma_start3A_59 = arith.constant 0 : i32
    %dma_start3A_60 = arith.constant 0 : i32
    %dma_start3A_61 = tpu.memref_slice %arg3[%dma_start3A_59, %dma_start3A_60] : memref<1000000x64xf32, #tpu.memory_space<hbm>> -> memref<1000000x64xf32, #tpu.memory_space<hbm>>
    %dma_start3A_62 = tpu.memref_slice %arg7[%dma_start3A_51] : memref<8x!tpu.dma_semaphore, #tpu.memory_space<semaphore_mem>> -> memref<1x!tpu.dma_semaphore, #tpu.memory_space<semaphore_mem>>
    %dma_start3A_63 = tpu.memref_squeeze %dma_start3A_62 : memref<1x!tpu.dma_semaphore, #tpu.memory_space<semaphore_mem>> -> memref<!tpu.dma_semaphore, #tpu.memory_space<semaphore_mem>>
    tpu.enqueue_indirect_dma source(%dma_start3A_61 : memref<1000000x64xf32, #tpu.memory_space<hbm>>) target(%dma_start3A_55 : memref<100x64xf32, #tpu.memory_space<vmem>>) offsets(%dma_start3A_58 : memref<100xi32, #tpu.memory_space<vmem>>) semaphore(%dma_start3A_63 : memref<!tpu.dma_semaphore, #tpu.memory_space<semaphore_mem>>)
    %scan3A = arith.constant 0 : i32
    %scan3A_64 = arith.constant 0 : i32
    %scan3A_65 = arith.constant 32 : i32
    %scan3A_66 = arith.addi %scan3A_64, %scan3A_65 : i32
    %scan3A_67 = arith.constant 1 : i32
    %scan3A_68 = scf.for %scan3A_437 = %scan3A_64 to %scan3A_66 step %scan3A_67 iter_args(%scan3A_438 = %scan3A) -> (i32)  : i32 {
      %mul3A_439 = arith.constant 8 : i32
      %mul3A_440 = arith.muli %scan3A_437, %mul3A_439 : i32
      %add3A_441 = arith.constant 0 : i32
      %add3A_442 = arith.addi %mul3A_440, %add3A_441 : i32
      %dma_wait3A_443 = arith.constant 0 : i32
      %dma_wait3A_444 = arith.constant 0 : i32
      %dma_wait3A_445 = arith.constant 0 : i32
      %dma_wait3A_446 = arith.constant 0 : i32
      %dma_wait3A_447 = tpu.memref_slice %arg6[%dma_wait3A_443, %dma_wait3A_445, %dma_wait3A_446] : memref<8x100x64xf32, #tpu.memory_space<vmem>> -> memref<1x100x64xf32, #tpu.memory_space<vmem>>
      %dma_wait3A_448 = tpu.memref_squeeze %dma_wait3A_447 : memref<1x100x64xf32, #tpu.memory_space<vmem>> -> memref<100x64xf32, #tpu.memory_space<vmem>>
      %dma_wait3A_449 = arith.constant 0 : i32
      %dma_wait3A_450 = tpu.memref_slice %arg5[%add3A_442, %dma_wait3A_449] : memref<256x100xi32, #tpu.memory_space<vmem>> -> memref<1x100xi32, #tpu.memory_space<vmem>>
      %dma_wait3A_451 = tpu.memref_squeeze %dma_wait3A_450 : memref<1x100xi32, #tpu.memory_space<vmem>> -> memref<100xi32, #tpu.memory_space<vmem>>
      %dma_wait3A_452 = arith.constant 0 : i32
      %dma_wait3A_453 = arith.constant 0 : i32
      %dma_wait3A_454 = tpu.memref_slice %arg3[%dma_wait3A_452, %dma_wait3A_453] : memref<1000000x64xf32, #tpu.memory_space<hbm>> -> memref<1000000x64xf32, #tpu.memory_space<hbm>>
      %dma_wait3A_455 = tpu.memref_slice %arg7[%dma_wait3A_444] : memref<8x!tpu.dma_semaphore, #tpu.memory_space<semaphore_mem>> -> memref<1x!tpu.dma_semaphore, #tpu.memory_space<semaphore_mem>>
      %dma_wait3A_456 = tpu.memref_squeeze %dma_wait3A_455 : memref<1x!tpu.dma_semaphore, #tpu.memory_space<semaphore_mem>> -> memref<!tpu.dma_semaphore, #tpu.memory_space<semaphore_mem>>
      tpu.wait_indirect_dma semaphore(%dma_wait3A_456 : memref<!tpu.dma_semaphore, #tpu.memory_space<semaphore_mem>>) src(%dma_wait3A_454 : memref<1000000x64xf32, #tpu.memory_space<hbm>>) dst(%dma_wait3A_448 : memref<100x64xf32, #tpu.memory_space<vmem>>)
      %mul3A_457 = arith.constant 2 : i32
      %mul3A_458 = arith.muli %add3A_442, %mul3A_457 : i32
      %add3A_459 = arith.addi %mul3A_4, %mul3A_458 : i32
      %add3A_460 = arith.constant 0 : i32
      %add3A_461 = arith.addi %add3A_459, %add3A_460 : i32
      %add3A_462 = arith.constant 1 : i32
      %add3A_463 = arith.addi %add3A_459, %add3A_462 : i32
      %dma_start3A_464 = arith.constant 0 : i32
      %dma_start3A_465 = arith.constant 0 : i32
      %dma_start3A_466 = arith.constant 0 : i32
      %dma_start3A_467 = arith.constant 0 : i32
      %dma_start3A_468 = tpu.memref_slice %arg6[%dma_start3A_464, %dma_start3A_466, %dma_start3A_467] : memref<8x100x64xf32, #tpu.memory_space<vmem>> -> memref<1x50x64xf32, #tpu.memory_space<vmem>>
      %dma_start3A_469 = tpu.memref_squeeze %dma_start3A_468 : memref<1x50x64xf32, #tpu.memory_space<vmem>> -> memref<50x64xf32, #tpu.memory_space<vmem>>
      %dma_start3A_470 = arith.constant 0 : i32
      %dma_start3A_471 = arith.constant 0 : i32
      %dma_start3A_472 = tpu.memref_slice %arg4[%add3A_461, %dma_start3A_470, %dma_start3A_471] : memref<16384x50x64xf32, #tpu.memory_space<hbm>> -> memref<1x50x64xf32, #tpu.memory_space<hbm>>
      %dma_start3A_473 = tpu.memref_squeeze %dma_start3A_472 : memref<1x50x64xf32, #tpu.memory_space<hbm>> -> memref<50x64xf32, #tpu.memory_space<hbm>>
      %dma_start3A_474 = tpu.memref_slice %arg8[%dma_start3A_465] : memref<8x!tpu.dma_semaphore, #tpu.memory_space<semaphore_mem>> -> memref<1x!tpu.dma_semaphore, #tpu.memory_space<semaphore_mem>>
      %dma_start3A_475 = tpu.memref_squeeze %dma_start3A_474 : memref<1x!tpu.dma_semaphore, #tpu.memory_space<semaphore_mem>> -> memref<!tpu.dma_semaphore, #tpu.memory_space<semaphore_mem>>
      %dma_start3A_476 = arith.constant 0 : i32
      %dma_start3A_477 = arith.constant 0 : i32
      %dma_start3A_478 = tpu.memref_slice %arg4[%add3A_461, %dma_start3A_476, %dma_start3A_477] : memref<16384x50x64xf32, #tpu.memory_space<hbm>> -> memref<1x50x64xf32, #tpu.memory_space<hbm>>
      %dma_start3A_479 = tpu.memref_squeeze %dma_start3A_478 : memref<1x50x64xf32, #tpu.memory_space<hbm>> -> memref<50x64xf32, #tpu.memory_space<hbm>>
      %dma_start3A_480 = arith.constant 0 : i32
      %dma_start3A_481 = arith.constant 0 : i32
      %dma_start3A_482 = tpu.memref_slice %arg6[%dma_start3A_464, %dma_start3A_480, %dma_start3A_481] : memref<8x100x64xf32, #tpu.memory_space<vmem>> -> memref<1x50x64xf32, #tpu.memory_space<vmem>>
      %dma_start3A_483 = tpu.memref_squeeze %dma_start3A_482 : memref<1x50x64xf32, #tpu.memory_space<vmem>> -> memref<50x64xf32, #tpu.memory_space<vmem>>
      tpu.enqueue_dma source(%dma_start3A_483 : memref<50x64xf32, #tpu.memory_space<vmem>>) target(%dma_start3A_479 : memref<50x64xf32, #tpu.memory_space<hbm>>) target_semaphore(%dma_start3A_475 : memref<!tpu.dma_semaphore, #tpu.memory_space<semaphore_mem>>)
      %dma_start3A_484 = arith.constant 0 : i32
      %dma_start3A_485 = arith.constant 0 : i32
      %dma_start3A_486 = arith.constant 50 : i32
      %dma_start3A_487 = arith.constant 0 : i32
      %dma_start3A_488 = tpu.memref_slice %arg6[%dma_start3A_484, %dma_start3A_486, %dma_start3A_487] : memref<8x100x64xf32, #tpu.memory_space<vmem>> -> memref<1x50x64xf32, #tpu.memory_space<vmem>>
      %dma_start3A_489 = tpu.memref_squeeze %dma_start3A_488 : memref<1x50x64xf32, #tpu.memory_space<vmem>> -> memref<50x64xf32, #tpu.memory_space<vmem>>
      %dma_start3A_490 = arith.constant 0 : i32
      %dma_start3A_491 = arith.constant 0 : i32
      %dma_start3A_492 = tpu.memref_slice %arg4[%add3A_463, %dma_start3A_490, %dma_start3A_491] : memref<16384x50x64xf32, #tpu.memory_space<hbm>> -> memref<1x50x64xf32, #tpu.memory_space<hbm>>
      %dma_start3A_493 = tpu.memref_squeeze %dma_start3A_492 : memref<1x50x64xf32, #tpu.memory_space<hbm>> -> memref<50x64xf32, #tpu.memory_space<hbm>>
      %dma_start3A_494 = tpu.memref_slice %arg8[%dma_start3A_485] : memref<8x!tpu.dma_semaphore, #tpu.memory_space<semaphore_mem>> -> memref<1x!tpu.dma_semaphore, #tpu.memory_space<semaphore_mem>>
      %dma_start3A_495 = tpu.memref_squeeze %dma_start3A_494 : memref<1x!tpu.dma_semaphore, #tpu.memory_space<semaphore_mem>> -> memref<!tpu.dma_semaphore, #tpu.memory_space<semaphore_mem>>
      %dma_start3A_496 = arith.constant 0 : i32
      %dma_start3A_497 = arith.constant 0 : i32
      %dma_start3A_498 = tpu.memref_slice %arg4[%add3A_463, %dma_start3A_496, %dma_start3A_497] : memref<16384x50x64xf32, #tpu.memory_space<hbm>> -> memref<1x50x64xf32, #tpu.memory_space<hbm>>
      %dma_start3A_499 = tpu.memref_squeeze %dma_start3A_498 : memref<1x50x64xf32, #tpu.memory_space<hbm>> -> memref<50x64xf32, #tpu.memory_space<hbm>>
      %dma_start3A_500 = arith.constant 50 : i32
      %dma_start3A_501 = arith.constant 0 : i32
      %dma_start3A_502 = tpu.memref_slice %arg6[%dma_start3A_484, %dma_start3A_500, %dma_start3A_501] : memref<8x100x64xf32, #tpu.memory_space<vmem>> -> memref<1x50x64xf32, #tpu.memory_space<vmem>>
      %dma_start3A_503 = tpu.memref_squeeze %dma_start3A_502 : memref<1x50x64xf32, #tpu.memory_space<vmem>> -> memref<50x64xf32, #tpu.memory_space<vmem>>
      tpu.enqueue_dma source(%dma_start3A_503 : memref<50x64xf32, #tpu.memory_space<vmem>>) target(%dma_start3A_499 : memref<50x64xf32, #tpu.memory_space<hbm>>) target_semaphore(%dma_start3A_495 : memref<!tpu.dma_semaphore, #tpu.memory_space<semaphore_mem>>)
      %add3A_504 = arith.constant 4 : i32
      %add3A_505 = arith.addi %add3A_442, %add3A_504 : i32
      %lt3A = arith.constant 256 : i32
      %lt3A_506 = arith.cmpi slt, %add3A_505, %lt3A : i32
      %add3A_507 = arith.constant 4 : i32
      %add3A_508 = arith.addi %add3A_442, %add3A_507 : i32
      %sub3A = arith.constant 8 : i32
      %sub3A_509 = arith.subi %add3A_508, %sub3A : i32
      %ge3A = arith.constant 0 : i32
      %ge3A_510 = arith.cmpi sge, %sub3A_509, %ge3A : i32
      %and3A = arith.andi %lt3A_506, %ge3A_510 : i1
      %convert_element_type3A = arith.extui %and3A : i1 to i32
      %cond3A = arith.constant 0 : i32
      %cond3A_511 = arith.cmpi ne, %convert_element_type3A, %cond3A : i32
      scf.if %cond3A_511 {
        %add3A_1122 = arith.constant 4 : i32
        %add3A_1123 = arith.addi %add3A_442, %add3A_1122 : i32
        %sub3A_1124 = arith.constant 8 : i32
        %sub3A_1125 = arith.subi %add3A_1123, %sub3A_1124 : i32
        %mul3A_1126 = arith.constant 2 : i32
        %mul3A_1127 = arith.muli %sub3A_1125, %mul3A_1126 : i32
        %add3A_1128 = arith.addi %mul3A_4, %mul3A_1127 : i32
        %add3A_1129 = arith.constant 0 : i32
        %add3A_1130 = arith.addi %add3A_1128, %add3A_1129 : i32
        %add3A_1131 = arith.constant 1 : i32
        %add3A_1132 = arith.addi %add3A_1128, %add3A_1131 : i32
        %dma_wait3A_1133 = arith.constant 4 : i32
        %dma_wait3A_1134 = arith.constant 4 : i32
        %dma_wait3A_1135 = arith.constant 0 : i32
        %dma_wait3A_1136 = arith.constant 0 : i32
        %dma_wait3A_1137 = tpu.memref_slice %arg6[%dma_wait3A_1133, %dma_wait3A_1135, %dma_wait3A_1136] : memref<8x100x64xf32, #tpu.memory_space<vmem>> -> memref<1x50x64xf32, #tpu.memory_space<vmem>>
        %dma_wait3A_1138 = tpu.memref_squeeze %dma_wait3A_1137 : memref<1x50x64xf32, #tpu.memory_space<vmem>> -> memref<50x64xf32, #tpu.memory_space<vmem>>
        %dma_wait3A_1139 = arith.constant 0 : i32
        %dma_wait3A_1140 = arith.constant 0 : i32
        %dma_wait3A_1141 = tpu.memref_slice %arg4[%add3A_1130, %dma_wait3A_1139, %dma_wait3A_1140] : memref<16384x50x64xf32, #tpu.memory_space<hbm>> -> memref<1x50x64xf32, #tpu.memory_space<hbm>>
        %dma_wait3A_1142 = tpu.memref_squeeze %dma_wait3A_1141 : memref<1x50x64xf32, #tpu.memory_space<hbm>> -> memref<50x64xf32, #tpu.memory_space<hbm>>
        %dma_wait3A_1143 = tpu.memref_slice %arg8[%dma_wait3A_1134] : memref<8x!tpu.dma_semaphore, #tpu.memory_space<semaphore_mem>> -> memref<1x!tpu.dma_semaphore, #tpu.memory_space<semaphore_mem>>
        %dma_wait3A_1144 = tpu.memref_squeeze %dma_wait3A_1143 : memref<1x!tpu.dma_semaphore, #tpu.memory_space<semaphore_mem>> -> memref<!tpu.dma_semaphore, #tpu.memory_space<semaphore_mem>>
        %dma_wait3A_1145 = arith.constant 0 : i32
        %dma_wait3A_1146 = arith.constant 0 : i32
        %dma_wait3A_1147 = tpu.memref_slice %arg4[%add3A_1130, %dma_wait3A_1145, %dma_wait3A_1146] : memref<16384x50x64xf32, #tpu.memory_space<hbm>> -> memref<1x50x64xf32, #tpu.memory_space<hbm>>
        %dma_wait3A_1148 = tpu.memref_squeeze %dma_wait3A_1147 : memref<1x50x64xf32, #tpu.memory_space<hbm>> -> memref<50x64xf32, #tpu.memory_space<hbm>>
        %dma_wait3A_1149 = arith.constant 0 : i32
        %dma_wait3A_1150 = arith.constant 0 : i32
        %dma_wait3A_1151 = tpu.memref_slice %arg6[%dma_wait3A_1133, %dma_wait3A_1149, %dma_wait3A_1150] : memref<8x100x64xf32, #tpu.memory_space<vmem>> -> memref<1x50x64xf32, #tpu.memory_space<vmem>>
        %dma_wait3A_1152 = tpu.memref_squeeze %dma_wait3A_1151 : memref<1x50x64xf32, #tpu.memory_space<vmem>> -> memref<50x64xf32, #tpu.memory_space<vmem>>
        tpu.wait_dma2 semaphore(%dma_wait3A_1144 : memref<!tpu.dma_semaphore, #tpu.memory_space<semaphore_mem>>) src(%dma_wait3A_1152 : memref<50x64xf32, #tpu.memory_space<vmem>>) dst(%dma_wait3A_1148 : memref<50x64xf32, #tpu.memory_space<hbm>>)
        %dma_wait3A_1153 = arith.constant 4 : i32
        %dma_wait3A_1154 = arith.constant 4 : i32
        %dma_wait3A_1155 = arith.constant 50 : i32
        %dma_wait3A_1156 = arith.constant 0 : i32
        %dma_wait3A_1157 = tpu.memref_slice %arg6[%dma_wait3A_1153, %dma_wait3A_1155, %dma_wait3A_1156] : memref<8x100x64xf32, #tpu.memory_space<vmem>> -> memref<1x50x64xf32, #tpu.memory_space<vmem>>
        %dma_wait3A_1158 = tpu.memref_squeeze %dma_wait3A_1157 : memref<1x50x64xf32, #tpu.memory_space<vmem>> -> memref<50x64xf32, #tpu.memory_space<vmem>>
        %dma_wait3A_1159 = arith.constant 0 : i32
        %dma_wait3A_1160 = arith.constant 0 : i32
        %dma_wait3A_1161 = tpu.memref_slice %arg4[%add3A_1132, %dma_wait3A_1159, %dma_wait3A_1160] : memref<16384x50x64xf32, #tpu.memory_space<hbm>> -> memref<1x50x64xf32, #tpu.memory_space<hbm>>
        %dma_wait3A_1162 = tpu.memref_squeeze %dma_wait3A_1161 : memref<1x50x64xf32, #tpu.memory_space<hbm>> -> memref<50x64xf32, #tpu.memory_space<hbm>>
        %dma_wait3A_1163 = tpu.memref_slice %arg8[%dma_wait3A_1154] : memref<8x!tpu.dma_semaphore, #tpu.memory_space<semaphore_mem>> -> memref<1x!tpu.dma_semaphore, #tpu.memory_space<semaphore_mem>>
        %dma_wait3A_1164 = tpu.memref_squeeze %dma_wait3A_1163 : memref<1x!tpu.dma_semaphore, #tpu.memory_space<semaphore_mem>> -> memref<!tpu.dma_semaphore, #tpu.memory_space<semaphore_mem>>
        %dma_wait3A_1165 = arith.constant 0 : i32
        %dma_wait3A_1166 = arith.constant 0 : i32
        %dma_wait3A_1167 = tpu.memref_slice %arg4[%add3A_1132, %dma_wait3A_1165, %dma_wait3A_1166] : memref<16384x50x64xf32, #tpu.memory_space<hbm>> -> memref<1x50x64xf32, #tpu.memory_space<hbm>>
        %dma_wait3A_1168 = tpu.memref_squeeze %dma_wait3A_1167 : memref<1x50x64xf32, #tpu.memory_space<hbm>> -> memref<50x64xf32, #tpu.memory_space<hbm>>
        %dma_wait3A_1169 = arith.constant 50 : i32
        %dma_wait3A_1170 = arith.constant 0 : i32
        %dma_wait3A_1171 = tpu.memref_slice %arg6[%dma_wait3A_1153, %dma_wait3A_1169, %dma_wait3A_1170] : memref<8x100x64xf32, #tpu.memory_space<vmem>> -> memref<1x50x64xf32, #tpu.memory_space<vmem>>
        %dma_wait3A_1172 = tpu.memref_squeeze %dma_wait3A_1171 : memref<1x50x64xf32, #tpu.memory_space<vmem>> -> memref<50x64xf32, #tpu.memory_space<vmem>>
        tpu.wait_dma2 semaphore(%dma_wait3A_1164 : memref<!tpu.dma_semaphore, #tpu.memory_space<semaphore_mem>>) src(%dma_wait3A_1172 : memref<50x64xf32, #tpu.memory_space<vmem>>) dst(%dma_wait3A_1168 : memref<50x64xf32, #tpu.memory_space<hbm>>)
      } else {
      }
      %add3A_512 = arith.constant 4 : i32
      %add3A_513 = arith.addi %add3A_442, %add3A_512 : i32
      %lt3A_514 = arith.constant 256 : i32
      %lt3A_515 = arith.cmpi slt, %add3A_513, %lt3A_514 : i32
      %convert_element_type3A_516 = arith.extui %lt3A_515 : i1 to i32
      %cond3A_517 = arith.constant 0 : i32
      %cond3A_518 = arith.cmpi ne, %convert_element_type3A_516, %cond3A_517 : i32
      scf.if %cond3A_518 {
        %add3A_1122 = arith.constant 4 : i32
        %add3A_1123 = arith.addi %add3A_442, %add3A_1122 : i32
        %dma_start3A_1124 = arith.constant 4 : i32
        %dma_start3A_1125 = arith.constant 4 : i32
        %dma_start3A_1126 = arith.constant 0 : i32
        %dma_start3A_1127 = arith.constant 0 : i32
        %dma_start3A_1128 = tpu.memref_slice %arg6[%dma_start3A_1124, %dma_start3A_1126, %dma_start3A_1127] : memref<8x100x64xf32, #tpu.memory_space<vmem>> -> memref<1x100x64xf32, #tpu.memory_space<vmem>>
        %dma_start3A_1129 = tpu.memref_squeeze %dma_start3A_1128 : memref<1x100x64xf32, #tpu.memory_space<vmem>> -> memref<100x64xf32, #tpu.memory_space<vmem>>
        %dma_start3A_1130 = arith.constant 0 : i32
        %dma_start3A_1131 = tpu.memref_slice %arg5[%add3A_1123, %dma_start3A_1130] : memref<256x100xi32, #tpu.memory_space<vmem>> -> memref<1x100xi32, #tpu.memory_space<vmem>>
        %dma_start3A_1132 = tpu.memref_squeeze %dma_start3A_1131 : memref<1x100xi32, #tpu.memory_space<vmem>> -> memref<100xi32, #tpu.memory_space<vmem>>
        %dma_start3A_1133 = arith.constant 0 : i32
        %dma_start3A_1134 = arith.constant 0 : i32
        %dma_start3A_1135 = tpu.memref_slice %arg3[%dma_start3A_1133, %dma_start3A_1134] : memref<1000000x64xf32, #tpu.memory_space<hbm>> -> memref<1000000x64xf32, #tpu.memory_space<hbm>>
        %dma_start3A_1136 = tpu.memref_slice %arg7[%dma_start3A_1125] : memref<8x!tpu.dma_semaphore, #tpu.memory_space<semaphore_mem>> -> memref<1x!tpu.dma_semaphore, #tpu.memory_space<semaphore_mem>>
        %dma_start3A_1137 = tpu.memref_squeeze %dma_start3A_1136 : memref<1x!tpu.dma_semaphore, #tpu.memory_space<semaphore_mem>> -> memref<!tpu.dma_semaphore, #tpu.memory_space<semaphore_mem>>
        tpu.enqueue_indirect_dma source(%dma_start3A_1135 : memref<1000000x64xf32, #tpu.memory_space<hbm>>) target(%dma_start3A_1129 : memref<100x64xf32, #tpu.memory_space<vmem>>) offsets(%dma_start3A_1132 : memref<100xi32, #tpu.memory_space<vmem>>) semaphore(%dma_start3A_1137 : memref<!tpu.dma_semaphore, #tpu.memory_space<semaphore_mem>>)
      } else {
      }
      %mul3A_519 = arith.constant 8 : i32
      %mul3A_520 = arith.muli %scan3A_437, %mul3A_519 : i32
      %add3A_521 = arith.constant 1 : i32
      %add3A_522 = arith.addi %mul3A_520, %add3A_521 : i32
      %dma_wait3A_523 = arith.constant 1 : i32
      %dma_wait3A_524 = arith.constant 1 : i32
      %dma_wait3A_525 = arith.constant 0 : i32
      %dma_wait3A_526 = arith.constant 0 : i32
      %dma_wait3A_527 = tpu.memref_slice %arg6[%dma_wait3A_523, %dma_wait3A_525, %dma_wait3A_526] : memref<8x100x64xf32, #tpu.memory_space<vmem>> -> memref<1x100x64xf32, #tpu.memory_space<vmem>>
      %dma_wait3A_528 = tpu.memref_squeeze %dma_wait3A_527 : memref<1x100x64xf32, #tpu.memory_space<vmem>> -> memref<100x64xf32, #tpu.memory_space<vmem>>
      %dma_wait3A_529 = arith.constant 0 : i32
      %dma_wait3A_530 = tpu.memref_slice %arg5[%add3A_522, %dma_wait3A_529] : memref<256x100xi32, #tpu.memory_space<vmem>> -> memref<1x100xi32, #tpu.memory_space<vmem>>
      %dma_wait3A_531 = tpu.memref_squeeze %dma_wait3A_530 : memref<1x100xi32, #tpu.memory_space<vmem>> -> memref<100xi32, #tpu.memory_space<vmem>>
      %dma_wait3A_532 = arith.constant 0 : i32
      %dma_wait3A_533 = arith.constant 0 : i32
      %dma_wait3A_534 = tpu.memref_slice %arg3[%dma_wait3A_532, %dma_wait3A_533] : memref<1000000x64xf32, #tpu.memory_space<hbm>> -> memref<1000000x64xf32, #tpu.memory_space<hbm>>
      %dma_wait3A_535 = tpu.memref_slice %arg7[%dma_wait3A_524] : memref<8x!tpu.dma_semaphore, #tpu.memory_space<semaphore_mem>> -> memref<1x!tpu.dma_semaphore, #tpu.memory_space<semaphore_mem>>
      %dma_wait3A_536 = tpu.memref_squeeze %dma_wait3A_535 : memref<1x!tpu.dma_semaphore, #tpu.memory_space<semaphore_mem>> -> memref<!tpu.dma_semaphore, #tpu.memory_space<semaphore_mem>>
      tpu.wait_indirect_dma semaphore(%dma_wait3A_536 : memref<!tpu.dma_semaphore, #tpu.memory_space<semaphore_mem>>) src(%dma_wait3A_534 : memref<1000000x64xf32, #tpu.memory_space<hbm>>) dst(%dma_wait3A_528 : memref<100x64xf32, #tpu.memory_space<vmem>>)
      %mul3A_537 = arith.constant 2 : i32
      %mul3A_538 = arith.muli %add3A_522, %mul3A_537 : i32
      %add3A_539 = arith.addi %mul3A_4, %mul3A_538 : i32
      %add3A_540 = arith.constant 0 : i32
      %add3A_541 = arith.addi %add3A_539, %add3A_540 : i32
      %add3A_542 = arith.constant 1 : i32
      %add3A_543 = arith.addi %add3A_539, %add3A_542 : i32
      %dma_start3A_544 = arith.constant 1 : i32
      %dma_start3A_545 = arith.constant 1 : i32
      %dma_start3A_546 = arith.constant 0 : i32
      %dma_start3A_547 = arith.constant 0 : i32
      %dma_start3A_548 = tpu.memref_slice %arg6[%dma_start3A_544, %dma_start3A_546, %dma_start3A_547] : memref<8x100x64xf32, #tpu.memory_space<vmem>> -> memref<1x50x64xf32, #tpu.memory_space<vmem>>
      %dma_start3A_549 = tpu.memref_squeeze %dma_start3A_548 : memref<1x50x64xf32, #tpu.memory_space<vmem>> -> memref<50x64xf32, #tpu.memory_space<vmem>>
      %dma_start3A_550 = arith.constant 0 : i32
      %dma_start3A_551 = arith.constant 0 : i32
      %dma_start3A_552 = tpu.memref_slice %arg4[%add3A_541, %dma_start3A_550, %dma_start3A_551] : memref<16384x50x64xf32, #tpu.memory_space<hbm>> -> memref<1x50x64xf32, #tpu.memory_space<hbm>>
      %dma_start3A_553 = tpu.memref_squeeze %dma_start3A_552 : memref<1x50x64xf32, #tpu.memory_space<hbm>> -> memref<50x64xf32, #tpu.memory_space<hbm>>
      %dma_start3A_554 = tpu.memref_slice %arg8[%dma_start3A_545] : memref<8x!tpu.dma_semaphore, #tpu.memory_space<semaphore_mem>> -> memref<1x!tpu.dma_semaphore, #tpu.memory_space<semaphore_mem>>
      %dma_start3A_555 = tpu.memref_squeeze %dma_start3A_554 : memref<1x!tpu.dma_semaphore, #tpu.memory_space<semaphore_mem>> -> memref<!tpu.dma_semaphore, #tpu.memory_space<semaphore_mem>>
      %dma_start3A_556 = arith.constant 0 : i32
      %dma_start3A_557 = arith.constant 0 : i32
      %dma_start3A_558 = tpu.memref_slice %arg4[%add3A_541, %dma_start3A_556, %dma_start3A_557] : memref<16384x50x64xf32, #tpu.memory_space<hbm>> -> memref<1x50x64xf32, #tpu.memory_space<hbm>>
      %dma_start3A_559 = tpu.memref_squeeze %dma_start3A_558 : memref<1x50x64xf32, #tpu.memory_space<hbm>> -> memref<50x64xf32, #tpu.memory_space<hbm>>
      %dma_start3A_560 = arith.constant 0 : i32
      %dma_start3A_561 = arith.constant 0 : i32
      %dma_start3A_562 = tpu.memref_slice %arg6[%dma_start3A_544, %dma_start3A_560, %dma_start3A_561] : memref<8x100x64xf32, #tpu.memory_space<vmem>> -> memref<1x50x64xf32, #tpu.memory_space<vmem>>
      %dma_start3A_563 = tpu.memref_squeeze %dma_start3A_562 : memref<1x50x64xf32, #tpu.memory_space<vmem>> -> memref<50x64xf32, #tpu.memory_space<vmem>>
      tpu.enqueue_dma source(%dma_start3A_563 : memref<50x64xf32, #tpu.memory_space<vmem>>) target(%dma_start3A_559 : memref<50x64xf32, #tpu.memory_space<hbm>>) target_semaphore(%dma_start3A_555 : memref<!tpu.dma_semaphore, #tpu.memory_space<semaphore_mem>>)
      %dma_start3A_564 = arith.constant 1 : i32
      %dma_start3A_565 = arith.constant 1 : i32
      %dma_start3A_566 = arith.constant 50 : i32
      %dma_start3A_567 = arith.constant 0 : i32
      %dma_start3A_568 = tpu.memref_slice %arg6[%dma_start3A_564, %dma_start3A_566, %dma_start3A_567] : memref<8x100x64xf32, #tpu.memory_space<vmem>> -> memref<1x50x64xf32, #tpu.memory_space<vmem>>
      %dma_start3A_569 = tpu.memref_squeeze %dma_start3A_568 : memref<1x50x64xf32, #tpu.memory_space<vmem>> -> memref<50x64xf32, #tpu.memory_space<vmem>>
      %dma_start3A_570 = arith.constant 0 : i32
      %dma_start3A_571 = arith.constant 0 : i32
      %dma_start3A_572 = tpu.memref_slice %arg4[%add3A_543, %dma_start3A_570, %dma_start3A_571] : memref<16384x50x64xf32, #tpu.memory_space<hbm>> -> memref<1x50x64xf32, #tpu.memory_space<hbm>>
      %dma_start3A_573 = tpu.memref_squeeze %dma_start3A_572 : memref<1x50x64xf32, #tpu.memory_space<hbm>> -> memref<50x64xf32, #tpu.memory_space<hbm>>
      %dma_start3A_574 = tpu.memref_slice %arg8[%dma_start3A_565] : memref<8x!tpu.dma_semaphore, #tpu.memory_space<semaphore_mem>> -> memref<1x!tpu.dma_semaphore, #tpu.memory_space<semaphore_mem>>
      %dma_start3A_575 = tpu.memref_squeeze %dma_start3A_574 : memref<1x!tpu.dma_semaphore, #tpu.memory_space<semaphore_mem>> -> memref<!tpu.dma_semaphore, #tpu.memory_space<semaphore_mem>>
      %dma_start3A_576 = arith.constant 0 : i32
      %dma_start3A_577 = arith.constant 0 : i32
      %dma_start3A_578 = tpu.memref_slice %arg4[%add3A_543, %dma_start3A_576, %dma_start3A_577] : memref<16384x50x64xf32, #tpu.memory_space<hbm>> -> memref<1x50x64xf32, #tpu.memory_space<hbm>>
      %dma_start3A_579 = tpu.memref_squeeze %dma_start3A_578 : memref<1x50x64xf32, #tpu.memory_space<hbm>> -> memref<50x64xf32, #tpu.memory_space<hbm>>
      %dma_start3A_580 = arith.constant 50 : i32
      %dma_start3A_581 = arith.constant 0 : i32
      %dma_start3A_582 = tpu.memref_slice %arg6[%dma_start3A_564, %dma_start3A_580, %dma_start3A_581] : memref<8x100x64xf32, #tpu.memory_space<vmem>> -> memref<1x50x64xf32, #tpu.memory_space<vmem>>
      %dma_start3A_583 = tpu.memref_squeeze %dma_start3A_582 : memref<1x50x64xf32, #tpu.memory_space<vmem>> -> memref<50x64xf32, #tpu.memory_space<vmem>>
      tpu.enqueue_dma source(%dma_start3A_583 : memref<50x64xf32, #tpu.memory_space<vmem>>) target(%dma_start3A_579 : memref<50x64xf32, #tpu.memory_space<hbm>>) target_semaphore(%dma_start3A_575 : memref<!tpu.dma_semaphore, #tpu.memory_space<semaphore_mem>>)
      %add3A_584 = arith.constant 4 : i32
      %add3A_585 = arith.addi %add3A_522, %add3A_584 : i32
      %lt3A_586 = arith.constant 256 : i32
      %lt3A_587 = arith.cmpi slt, %add3A_585, %lt3A_586 : i32
      %add3A_588 = arith.constant 4 : i32
      %add3A_589 = arith.addi %add3A_522, %add3A_588 : i32
      %sub3A_590 = arith.constant 8 : i32
      %sub3A_591 = arith.subi %add3A_589, %sub3A_590 : i32
      %ge3A_592 = arith.constant 0 : i32
      %ge3A_593 = arith.cmpi sge, %sub3A_591, %ge3A_592 : i32
      %and3A_594 = arith.andi %lt3A_587, %ge3A_593 : i1
      %convert_element_type3A_595 = arith.extui %and3A_594 : i1 to i32
      %cond3A_596 = arith.constant 0 : i32
      %cond3A_597 = arith.cmpi ne, %convert_element_type3A_595, %cond3A_596 : i32
      scf.if %cond3A_597 {
        %add3A_1122 = arith.constant 4 : i32
        %add3A_1123 = arith.addi %add3A_522, %add3A_1122 : i32
        %sub3A_1124 = arith.constant 8 : i32
        %sub3A_1125 = arith.subi %add3A_1123, %sub3A_1124 : i32
        %mul3A_1126 = arith.constant 2 : i32
        %mul3A_1127 = arith.muli %sub3A_1125, %mul3A_1126 : i32
        %add3A_1128 = arith.addi %mul3A_4, %mul3A_1127 : i32
        %add3A_1129 = arith.constant 0 : i32
        %add3A_1130 = arith.addi %add3A_1128, %add3A_1129 : i32
        %add3A_1131 = arith.constant 1 : i32
        %add3A_1132 = arith.addi %add3A_1128, %add3A_1131 : i32
        %dma_wait3A_1133 = arith.constant 5 : i32
        %dma_wait3A_1134 = arith.constant 5 : i32
        %dma_wait3A_1135 = arith.constant 0 : i32
        %dma_wait3A_1136 = arith.constant 0 : i32
        %dma_wait3A_1137 = tpu.memref_slice %arg6[%dma_wait3A_1133, %dma_wait3A_1135, %dma_wait3A_1136] : memref<8x100x64xf32, #tpu.memory_space<vmem>> -> memref<1x50x64xf32, #tpu.memory_space<vmem>>
        %dma_wait3A_1138 = tpu.memref_squeeze %dma_wait3A_1137 : memref<1x50x64xf32, #tpu.memory_space<vmem>> -> memref<50x64xf32, #tpu.memory_space<vmem>>
        %dma_wait3A_1139 = arith.constant 0 : i32
        %dma_wait3A_1140 = arith.constant 0 : i32
        %dma_wait3A_1141 = tpu.memref_slice %arg4[%add3A_1130, %dma_wait3A_1139, %dma_wait3A_1140] : memref<16384x50x64xf32, #tpu.memory_space<hbm>> -> memref<1x50x64xf32, #tpu.memory_space<hbm>>
        %dma_wait3A_1142 = tpu.memref_squeeze %dma_wait3A_1141 : memref<1x50x64xf32, #tpu.memory_space<hbm>> -> memref<50x64xf32, #tpu.memory_space<hbm>>
        %dma_wait3A_1143 = tpu.memref_slice %arg8[%dma_wait3A_1134] : memref<8x!tpu.dma_semaphore, #tpu.memory_space<semaphore_mem>> -> memref<1x!tpu.dma_semaphore, #tpu.memory_space<semaphore_mem>>
        %dma_wait3A_1144 = tpu.memref_squeeze %dma_wait3A_1143 : memref<1x!tpu.dma_semaphore, #tpu.memory_space<semaphore_mem>> -> memref<!tpu.dma_semaphore, #tpu.memory_space<semaphore_mem>>
        %dma_wait3A_1145 = arith.constant 0 : i32
        %dma_wait3A_1146 = arith.constant 0 : i32
        %dma_wait3A_1147 = tpu.memref_slice %arg4[%add3A_1130, %dma_wait3A_1145, %dma_wait3A_1146] : memref<16384x50x64xf32, #tpu.memory_space<hbm>> -> memref<1x50x64xf32, #tpu.memory_space<hbm>>
        %dma_wait3A_1148 = tpu.memref_squeeze %dma_wait3A_1147 : memref<1x50x64xf32, #tpu.memory_space<hbm>> -> memref<50x64xf32, #tpu.memory_space<hbm>>
        %dma_wait3A_1149 = arith.constant 0 : i32
        %dma_wait3A_1150 = arith.constant 0 : i32
        %dma_wait3A_1151 = tpu.memref_slice %arg6[%dma_wait3A_1133, %dma_wait3A_1149, %dma_wait3A_1150] : memref<8x100x64xf32, #tpu.memory_space<vmem>> -> memref<1x50x64xf32, #tpu.memory_space<vmem>>
        %dma_wait3A_1152 = tpu.memref_squeeze %dma_wait3A_1151 : memref<1x50x64xf32, #tpu.memory_space<vmem>> -> memref<50x64xf32, #tpu.memory_space<vmem>>
        tpu.wait_dma2 semaphore(%dma_wait3A_1144 : memref<!tpu.dma_semaphore, #tpu.memory_space<semaphore_mem>>) src(%dma_wait3A_1152 : memref<50x64xf32, #tpu.memory_space<vmem>>) dst(%dma_wait3A_1148 : memref<50x64xf32, #tpu.memory_space<hbm>>)
        %dma_wait3A_1153 = arith.constant 5 : i32
        %dma_wait3A_1154 = arith.constant 5 : i32
        %dma_wait3A_1155 = arith.constant 50 : i32
        %dma_wait3A_1156 = arith.constant 0 : i32
        %dma_wait3A_1157 = tpu.memref_slice %arg6[%dma_wait3A_1153, %dma_wait3A_1155, %dma_wait3A_1156] : memref<8x100x64xf32, #tpu.memory_space<vmem>> -> memref<1x50x64xf32, #tpu.memory_space<vmem>>
        %dma_wait3A_1158 = tpu.memref_squeeze %dma_wait3A_1157 : memref<1x50x64xf32, #tpu.memory_space<vmem>> -> memref<50x64xf32, #tpu.memory_space<vmem>>
        %dma_wait3A_1159 = arith.constant 0 : i32
        %dma_wait3A_1160 = arith.constant 0 : i32
        %dma_wait3A_1161 = tpu.memref_slice %arg4[%add3A_1132, %dma_wait3A_1159, %dma_wait3A_1160] : memref<16384x50x64xf32, #tpu.memory_space<hbm>> -> memref<1x50x64xf32, #tpu.memory_space<hbm>>
        %dma_wait3A_1162 = tpu.memref_squeeze %dma_wait3A_1161 : memref<1x50x64xf32, #tpu.memory_space<hbm>> -> memref<50x64xf32, #tpu.memory_space<hbm>>
        %dma_wait3A_1163 = tpu.memref_slice %arg8[%dma_wait3A_1154] : memref<8x!tpu.dma_semaphore, #tpu.memory_space<semaphore_mem>> -> memref<1x!tpu.dma_semaphore, #tpu.memory_space<semaphore_mem>>
        %dma_wait3A_1164 = tpu.memref_squeeze %dma_wait3A_1163 : memref<1x!tpu.dma_semaphore, #tpu.memory_space<semaphore_mem>> -> memref<!tpu.dma_semaphore, #tpu.memory_space<semaphore_mem>>
        %dma_wait3A_1165 = arith.constant 0 : i32
        %dma_wait3A_1166 = arith.constant 0 : i32
        %dma_wait3A_1167 = tpu.memref_slice %arg4[%add3A_1132, %dma_wait3A_1165, %dma_wait3A_1166] : memref<16384x50x64xf32, #tpu.memory_space<hbm>> -> memref<1x50x64xf32, #tpu.memory_space<hbm>>
        %dma_wait3A_1168 = tpu.memref_squeeze %dma_wait3A_1167 : memref<1x50x64xf32, #tpu.memory_space<hbm>> -> memref<50x64xf32, #tpu.memory_space<hbm>>
        %dma_wait3A_1169 = arith.constant 50 : i32
        %dma_wait3A_1170 = arith.constant 0 : i32
        %dma_wait3A_1171 = tpu.memref_slice %arg6[%dma_wait3A_1153, %dma_wait3A_1169, %dma_wait3A_1170] : memref<8x100x64xf32, #tpu.memory_space<vmem>> -> memref<1x50x64xf32, #tpu.memory_space<vmem>>
        %dma_wait3A_1172 = tpu.memref_squeeze %dma_wait3A_1171 : memref<1x50x64xf32, #tpu.memory_space<vmem>> -> memref<50x64xf32, #tpu.memory_space<vmem>>
        tpu.wait_dma2 semaphore(%dma_wait3A_1164 : memref<!tpu.dma_semaphore, #tpu.memory_space<semaphore_mem>>) src(%dma_wait3A_1172 : memref<50x64xf32, #tpu.memory_space<vmem>>) dst(%dma_wait3A_1168 : memref<50x64xf32, #tpu.memory_space<hbm>>)
      } else {
      }
      %add3A_598 = arith.constant 4 : i32
      %add3A_599 = arith.addi %add3A_522, %add3A_598 : i32
      %lt3A_600 = arith.constant 256 : i32
      %lt3A_601 = arith.cmpi slt, %add3A_599, %lt3A_600 : i32
      %convert_element_type3A_602 = arith.extui %lt3A_601 : i1 to i32
      %cond3A_603 = arith.constant 0 : i32
      %cond3A_604 = arith.cmpi ne, %convert_element_type3A_602, %cond3A_603 : i32
      scf.if %cond3A_604 {
        %add3A_1122 = arith.constant 4 : i32
        %add3A_1123 = arith.addi %add3A_522, %add3A_1122 : i32
        %dma_start3A_1124 = arith.constant 5 : i32
        %dma_start3A_1125 = arith.constant 5 : i32
        %dma_start3A_1126 = arith.constant 0 : i32
        %dma_start3A_1127 = arith.constant 0 : i32
        %dma_start3A_1128 = tpu.memref_slice %arg6[%dma_start3A_1124, %dma_start3A_1126, %dma_start3A_1127] : memref<8x100x64xf32, #tpu.memory_space<vmem>> -> memref<1x100x64xf32, #tpu.memory_space<vmem>>
        %dma_start3A_1129 = tpu.memref_squeeze %dma_start3A_1128 : memref<1x100x64xf32, #tpu.memory_space<vmem>> -> memref<100x64xf32, #tpu.memory_space<vmem>>
        %dma_start3A_1130 = arith.constant 0 : i32
        %dma_start3A_1131 = tpu.memref_slice %arg5[%add3A_1123, %dma_start3A_1130] : memref<256x100xi32, #tpu.memory_space<vmem>> -> memref<1x100xi32, #tpu.memory_space<vmem>>
        %dma_start3A_1132 = tpu.memref_squeeze %dma_start3A_1131 : memref<1x100xi32, #tpu.memory_space<vmem>> -> memref<100xi32, #tpu.memory_space<vmem>>
        %dma_start3A_1133 = arith.constant 0 : i32
        %dma_start3A_1134 = arith.constant 0 : i32
        %dma_start3A_1135 = tpu.memref_slice %arg3[%dma_start3A_1133, %dma_start3A_1134] : memref<1000000x64xf32, #tpu.memory_space<hbm>> -> memref<1000000x64xf32, #tpu.memory_space<hbm>>
        %dma_start3A_1136 = tpu.memref_slice %arg7[%dma_start3A_1125] : memref<8x!tpu.dma_semaphore, #tpu.memory_space<semaphore_mem>> -> memref<1x!tpu.dma_semaphore, #tpu.memory_space<semaphore_mem>>
        %dma_start3A_1137 = tpu.memref_squeeze %dma_start3A_1136 : memref<1x!tpu.dma_semaphore, #tpu.memory_space<semaphore_mem>> -> memref<!tpu.dma_semaphore, #tpu.memory_space<semaphore_mem>>
        tpu.enqueue_indirect_dma source(%dma_start3A_1135 : memref<1000000x64xf32, #tpu.memory_space<hbm>>) target(%dma_start3A_1129 : memref<100x64xf32, #tpu.memory_space<vmem>>) offsets(%dma_start3A_1132 : memref<100xi32, #tpu.memory_space<vmem>>) semaphore(%dma_start3A_1137 : memref<!tpu.dma_semaphore, #tpu.memory_space<semaphore_mem>>)
      } else {
      }
      %mul3A_605 = arith.constant 8 : i32
      %mul3A_606 = arith.muli %scan3A_437, %mul3A_605 : i32
      %add3A_607 = arith.constant 2 : i32
      %add3A_608 = arith.addi %mul3A_606, %add3A_607 : i32
      %dma_wait3A_609 = arith.constant 2 : i32
      %dma_wait3A_610 = arith.constant 2 : i32
      %dma_wait3A_611 = arith.constant 0 : i32
      %dma_wait3A_612 = arith.constant 0 : i32
      %dma_wait3A_613 = tpu.memref_slice %arg6[%dma_wait3A_609, %dma_wait3A_611, %dma_wait3A_612] : memref<8x100x64xf32, #tpu.memory_space<vmem>> -> memref<1x100x64xf32, #tpu.memory_space<vmem>>
      %dma_wait3A_614 = tpu.memref_squeeze %dma_wait3A_613 : memref<1x100x64xf32, #tpu.memory_space<vmem>> -> memref<100x64xf32, #tpu.memory_space<vmem>>
      %dma_wait3A_615 = arith.constant 0 : i32
      %dma_wait3A_616 = tpu.memref_slice %arg5[%add3A_608, %dma_wait3A_615] : memref<256x100xi32, #tpu.memory_space<vmem>> -> memref<1x100xi32, #tpu.memory_space<vmem>>
      %dma_wait3A_617 = tpu.memref_squeeze %dma_wait3A_616 : memref<1x100xi32, #tpu.memory_space<vmem>> -> memref<100xi32, #tpu.memory_space<vmem>>
      %dma_wait3A_618 = arith.constant 0 : i32
      %dma_wait3A_619 = arith.constant 0 : i32
      %dma_wait3A_620 = tpu.memref_slice %arg3[%dma_wait3A_618, %dma_wait3A_619] : memref<1000000x64xf32, #tpu.memory_space<hbm>> -> memref<1000000x64xf32, #tpu.memory_space<hbm>>
      %dma_wait3A_621 = tpu.memref_slice %arg7[%dma_wait3A_610] : memref<8x!tpu.dma_semaphore, #tpu.memory_space<semaphore_mem>> -> memref<1x!tpu.dma_semaphore, #tpu.memory_space<semaphore_mem>>
      %dma_wait3A_622 = tpu.memref_squeeze %dma_wait3A_621 : memref<1x!tpu.dma_semaphore, #tpu.memory_space<semaphore_mem>> -> memref<!tpu.dma_semaphore, #tpu.memory_space<semaphore_mem>>
      tpu.wait_indirect_dma semaphore(%dma_wait3A_622 : memref<!tpu.dma_semaphore, #tpu.memory_space<semaphore_mem>>) src(%dma_wait3A_620 : memref<1000000x64xf32, #tpu.memory_space<hbm>>) dst(%dma_wait3A_614 : memref<100x64xf32, #tpu.memory_space<vmem>>)
      %mul3A_623 = arith.constant 2 : i32
      %mul3A_624 = arith.muli %add3A_608, %mul3A_623 : i32
      %add3A_625 = arith.addi %mul3A_4, %mul3A_624 : i32
      %add3A_626 = arith.constant 0 : i32
      %add3A_627 = arith.addi %add3A_625, %add3A_626 : i32
      %add3A_628 = arith.constant 1 : i32
      %add3A_629 = arith.addi %add3A_625, %add3A_628 : i32
      %dma_start3A_630 = arith.constant 2 : i32
      %dma_start3A_631 = arith.constant 2 : i32
      %dma_start3A_632 = arith.constant 0 : i32
      %dma_start3A_633 = arith.constant 0 : i32
      %dma_start3A_634 = tpu.memref_slice %arg6[%dma_start3A_630, %dma_start3A_632, %dma_start3A_633] : memref<8x100x64xf32, #tpu.memory_space<vmem>> -> memref<1x50x64xf32, #tpu.memory_space<vmem>>
      %dma_start3A_635 = tpu.memref_squeeze %dma_start3A_634 : memref<1x50x64xf32, #tpu.memory_space<vmem>> -> memref<50x64xf32, #tpu.memory_space<vmem>>
      %dma_start3A_636 = arith.constant 0 : i32
      %dma_start3A_637 = arith.constant 0 : i32
      %dma_start3A_638 = tpu.memref_slice %arg4[%add3A_627, %dma_start3A_636, %dma_start3A_637] : memref<16384x50x64xf32, #tpu.memory_space<hbm>> -> memref<1x50x64xf32, #tpu.memory_space<hbm>>
      %dma_start3A_639 = tpu.memref_squeeze %dma_start3A_638 : memref<1x50x64xf32, #tpu.memory_space<hbm>> -> memref<50x64xf32, #tpu.memory_space<hbm>>
      %dma_start3A_640 = tpu.memref_slice %arg8[%dma_start3A_631] : memref<8x!tpu.dma_semaphore, #tpu.memory_space<semaphore_mem>> -> memref<1x!tpu.dma_semaphore, #tpu.memory_space<semaphore_mem>>
      %dma_start3A_641 = tpu.memref_squeeze %dma_start3A_640 : memref<1x!tpu.dma_semaphore, #tpu.memory_space<semaphore_mem>> -> memref<!tpu.dma_semaphore, #tpu.memory_space<semaphore_mem>>
      %dma_start3A_642 = arith.constant 0 : i32
      %dma_start3A_643 = arith.constant 0 : i32
      %dma_start3A_644 = tpu.memref_slice %arg4[%add3A_627, %dma_start3A_642, %dma_start3A_643] : memref<16384x50x64xf32, #tpu.memory_space<hbm>> -> memref<1x50x64xf32, #tpu.memory_space<hbm>>
      %dma_start3A_645 = tpu.memref_squeeze %dma_start3A_644 : memref<1x50x64xf32, #tpu.memory_space<hbm>> -> memref<50x64xf32, #tpu.memory_space<hbm>>
      %dma_start3A_646 = arith.constant 0 : i32
      %dma_start3A_647 = arith.constant 0 : i32
      %dma_start3A_648 = tpu.memref_slice %arg6[%dma_start3A_630, %dma_start3A_646, %dma_start3A_647] : memref<8x100x64xf32, #tpu.memory_space<vmem>> -> memref<1x50x64xf32, #tpu.memory_space<vmem>>
      %dma_start3A_649 = tpu.memref_squeeze %dma_start3A_648 : memref<1x50x64xf32, #tpu.memory_space<vmem>> -> memref<50x64xf32, #tpu.memory_space<vmem>>
      tpu.enqueue_dma source(%dma_start3A_649 : memref<50x64xf32, #tpu.memory_space<vmem>>) target(%dma_start3A_645 : memref<50x64xf32, #tpu.memory_space<hbm>>) target_semaphore(%dma_start3A_641 : memref<!tpu.dma_semaphore, #tpu.memory_space<semaphore_mem>>)
      %dma_start3A_650 = arith.constant 2 : i32
      %dma_start3A_651 = arith.constant 2 : i32
      %dma_start3A_652 = arith.constant 50 : i32
      %dma_start3A_653 = arith.constant 0 : i32
      %dma_start3A_654 = tpu.memref_slice %arg6[%dma_start3A_650, %dma_start3A_652, %dma_start3A_653] : memref<8x100x64xf32, #tpu.memory_space<vmem>> -> memref<1x50x64xf32, #tpu.memory_space<vmem>>
      %dma_start3A_655 = tpu.memref_squeeze %dma_start3A_654 : memref<1x50x64xf32, #tpu.memory_space<vmem>> -> memref<50x64xf32, #tpu.memory_space<vmem>>
      %dma_start3A_656 = arith.constant 0 : i32
      %dma_start3A_657 = arith.constant 0 : i32
      %dma_start3A_658 = tpu.memref_slice %arg4[%add3A_629, %dma_start3A_656, %dma_start3A_657] : memref<16384x50x64xf32, #tpu.memory_space<hbm>> -> memref<1x50x64xf32, #tpu.memory_space<hbm>>
      %dma_start3A_659 = tpu.memref_squeeze %dma_start3A_658 : memref<1x50x64xf32, #tpu.memory_space<hbm>> -> memref<50x64xf32, #tpu.memory_space<hbm>>
      %dma_start3A_660 = tpu.memref_slice %arg8[%dma_start3A_651] : memref<8x!tpu.dma_semaphore, #tpu.memory_space<semaphore_mem>> -> memref<1x!tpu.dma_semaphore, #tpu.memory_space<semaphore_mem>>
      %dma_start3A_661 = tpu.memref_squeeze %dma_start3A_660 : memref<1x!tpu.dma_semaphore, #tpu.memory_space<semaphore_mem>> -> memref<!tpu.dma_semaphore, #tpu.memory_space<semaphore_mem>>
      %dma_start3A_662 = arith.constant 0 : i32
      %dma_start3A_663 = arith.constant 0 : i32
      %dma_start3A_664 = tpu.memref_slice %arg4[%add3A_629, %dma_start3A_662, %dma_start3A_663] : memref<16384x50x64xf32, #tpu.memory_space<hbm>> -> memref<1x50x64xf32, #tpu.memory_space<hbm>>
      %dma_start3A_665 = tpu.memref_squeeze %dma_start3A_664 : memref<1x50x64xf32, #tpu.memory_space<hbm>> -> memref<50x64xf32, #tpu.memory_space<hbm>>
      %dma_start3A_666 = arith.constant 50 : i32
      %dma_start3A_667 = arith.constant 0 : i32
      %dma_start3A_668 = tpu.memref_slice %arg6[%dma_start3A_650, %dma_start3A_666, %dma_start3A_667] : memref<8x100x64xf32, #tpu.memory_space<vmem>> -> memref<1x50x64xf32, #tpu.memory_space<vmem>>
      %dma_start3A_669 = tpu.memref_squeeze %dma_start3A_668 : memref<1x50x64xf32, #tpu.memory_space<vmem>> -> memref<50x64xf32, #tpu.memory_space<vmem>>
      tpu.enqueue_dma source(%dma_start3A_669 : memref<50x64xf32, #tpu.memory_space<vmem>>) target(%dma_start3A_665 : memref<50x64xf32, #tpu.memory_space<hbm>>) target_semaphore(%dma_start3A_661 : memref<!tpu.dma_semaphore, #tpu.memory_space<semaphore_mem>>)
      %add3A_670 = arith.constant 4 : i32
      %add3A_671 = arith.addi %add3A_608, %add3A_670 : i32
      %lt3A_672 = arith.constant 256 : i32
      %lt3A_673 = arith.cmpi slt, %add3A_671, %lt3A_672 : i32
      %add3A_674 = arith.constant 4 : i32
      %add3A_675 = arith.addi %add3A_608, %add3A_674 : i32
      %sub3A_676 = arith.constant 8 : i32
      %sub3A_677 = arith.subi %add3A_675, %sub3A_676 : i32
      %ge3A_678 = arith.constant 0 : i32
      %ge3A_679 = arith.cmpi sge, %sub3A_677, %ge3A_678 : i32
      %and3A_680 = arith.andi %lt3A_673, %ge3A_679 : i1
      %convert_element_type3A_681 = arith.extui %and3A_680 : i1 to i32
      %cond3A_682 = arith.constant 0 : i32
      %cond3A_683 = arith.cmpi ne, %convert_element_type3A_681, %cond3A_682 : i32
      scf.if %cond3A_683 {
        %add3A_1122 = arith.constant 4 : i32
        %add3A_1123 = arith.addi %add3A_608, %add3A_1122 : i32
        %sub3A_1124 = arith.constant 8 : i32
        %sub3A_1125 = arith.subi %add3A_1123, %sub3A_1124 : i32
        %mul3A_1126 = arith.constant 2 : i32
        %mul3A_1127 = arith.muli %sub3A_1125, %mul3A_1126 : i32
        %add3A_1128 = arith.addi %mul3A_4, %mul3A_1127 : i32
        %add3A_1129 = arith.constant 0 : i32
        %add3A_1130 = arith.addi %add3A_1128, %add3A_1129 : i32
        %add3A_1131 = arith.constant 1 : i32
        %add3A_1132 = arith.addi %add3A_1128, %add3A_1131 : i32
        %dma_wait3A_1133 = arith.constant 6 : i32
        %dma_wait3A_1134 = arith.constant 6 : i32
        %dma_wait3A_1135 = arith.constant 0 : i32
        %dma_wait3A_1136 = arith.constant 0 : i32
        %dma_wait3A_1137 = tpu.memref_slice %arg6[%dma_wait3A_1133, %dma_wait3A_1135, %dma_wait3A_1136] : memref<8x100x64xf32, #tpu.memory_space<vmem>> -> memref<1x50x64xf32, #tpu.memory_space<vmem>>
        %dma_wait3A_1138 = tpu.memref_squeeze %dma_wait3A_1137 : memref<1x50x64xf32, #tpu.memory_space<vmem>> -> memref<50x64xf32, #tpu.memory_space<vmem>>
        %dma_wait3A_1139 = arith.constant 0 : i32
        %dma_wait3A_1140 = arith.constant 0 : i32
        %dma_wait3A_1141 = tpu.memref_slice %arg4[%add3A_1130, %dma_wait3A_1139, %dma_wait3A_1140] : memref<16384x50x64xf32, #tpu.memory_space<hbm>> -> memref<1x50x64xf32, #tpu.memory_space<hbm>>
        %dma_wait3A_1142 = tpu.memref_squeeze %dma_wait3A_1141 : memref<1x50x64xf32, #tpu.memory_space<hbm>> -> memref<50x64xf32, #tpu.memory_space<hbm>>
        %dma_wait3A_1143 = tpu.memref_slice %arg8[%dma_wait3A_1134] : memref<8x!tpu.dma_semaphore, #tpu.memory_space<semaphore_mem>> -> memref<1x!tpu.dma_semaphore, #tpu.memory_space<semaphore_mem>>
        %dma_wait3A_1144 = tpu.memref_squeeze %dma_wait3A_1143 : memref<1x!tpu.dma_semaphore, #tpu.memory_space<semaphore_mem>> -> memref<!tpu.dma_semaphore, #tpu.memory_space<semaphore_mem>>
        %dma_wait3A_1145 = arith.constant 0 : i32
        %dma_wait3A_1146 = arith.constant 0 : i32
        %dma_wait3A_1147 = tpu.memref_slice %arg4[%add3A_1130, %dma_wait3A_1145, %dma_wait3A_1146] : memref<16384x50x64xf32, #tpu.memory_space<hbm>> -> memref<1x50x64xf32, #tpu.memory_space<hbm>>
        %dma_wait3A_1148 = tpu.memref_squeeze %dma_wait3A_1147 : memref<1x50x64xf32, #tpu.memory_space<hbm>> -> memref<50x64xf32, #tpu.memory_space<hbm>>
        %dma_wait3A_1149 = arith.constant 0 : i32
        %dma_wait3A_1150 = arith.constant 0 : i32
        %dma_wait3A_1151 = tpu.memref_slice %arg6[%dma_wait3A_1133, %dma_wait3A_1149, %dma_wait3A_1150] : memref<8x100x64xf32, #tpu.memory_space<vmem>> -> memref<1x50x64xf32, #tpu.memory_space<vmem>>
        %dma_wait3A_1152 = tpu.memref_squeeze %dma_wait3A_1151 : memref<1x50x64xf32, #tpu.memory_space<vmem>> -> memref<50x64xf32, #tpu.memory_space<vmem>>
        tpu.wait_dma2 semaphore(%dma_wait3A_1144 : memref<!tpu.dma_semaphore, #tpu.memory_space<semaphore_mem>>) src(%dma_wait3A_1152 : memref<50x64xf32, #tpu.memory_space<vmem>>) dst(%dma_wait3A_1148 : memref<50x64xf32, #tpu.memory_space<hbm>>)
        %dma_wait3A_1153 = arith.constant 6 : i32
        %dma_wait3A_1154 = arith.constant 6 : i32
        %dma_wait3A_1155 = arith.constant 50 : i32
        %dma_wait3A_1156 = arith.constant 0 : i32
        %dma_wait3A_1157 = tpu.memref_slice %arg6[%dma_wait3A_1153, %dma_wait3A_1155, %dma_wait3A_1156] : memref<8x100x64xf32, #tpu.memory_space<vmem>> -> memref<1x50x64xf32, #tpu.memory_space<vmem>>
        %dma_wait3A_1158 = tpu.memref_squeeze %dma_wait3A_1157 : memref<1x50x64xf32, #tpu.memory_space<vmem>> -> memref<50x64xf32, #tpu.memory_space<vmem>>
        %dma_wait3A_1159 = arith.constant 0 : i32
        %dma_wait3A_1160 = arith.constant 0 : i32
        %dma_wait3A_1161 = tpu.memref_slice %arg4[%add3A_1132, %dma_wait3A_1159, %dma_wait3A_1160] : memref<16384x50x64xf32, #tpu.memory_space<hbm>> -> memref<1x50x64xf32, #tpu.memory_space<hbm>>
        %dma_wait3A_1162 = tpu.memref_squeeze %dma_wait3A_1161 : memref<1x50x64xf32, #tpu.memory_space<hbm>> -> memref<50x64xf32, #tpu.memory_space<hbm>>
        %dma_wait3A_1163 = tpu.memref_slice %arg8[%dma_wait3A_1154] : memref<8x!tpu.dma_semaphore, #tpu.memory_space<semaphore_mem>> -> memref<1x!tpu.dma_semaphore, #tpu.memory_space<semaphore_mem>>
        %dma_wait3A_1164 = tpu.memref_squeeze %dma_wait3A_1163 : memref<1x!tpu.dma_semaphore, #tpu.memory_space<semaphore_mem>> -> memref<!tpu.dma_semaphore, #tpu.memory_space<semaphore_mem>>
        %dma_wait3A_1165 = arith.constant 0 : i32
        %dma_wait3A_1166 = arith.constant 0 : i32
        %dma_wait3A_1167 = tpu.memref_slice %arg4[%add3A_1132, %dma_wait3A_1165, %dma_wait3A_1166] : memref<16384x50x64xf32, #tpu.memory_space<hbm>> -> memref<1x50x64xf32, #tpu.memory_space<hbm>>
        %dma_wait3A_1168 = tpu.memref_squeeze %dma_wait3A_1167 : memref<1x50x64xf32, #tpu.memory_space<hbm>> -> memref<50x64xf32, #tpu.memory_space<hbm>>
        %dma_wait3A_1169 = arith.constant 50 : i32
        %dma_wait3A_1170 = arith.constant 0 : i32
        %dma_wait3A_1171 = tpu.memref_slice %arg6[%dma_wait3A_1153, %dma_wait3A_1169, %dma_wait3A_1170] : memref<8x100x64xf32, #tpu.memory_space<vmem>> -> memref<1x50x64xf32, #tpu.memory_space<vmem>>
        %dma_wait3A_1172 = tpu.memref_squeeze %dma_wait3A_1171 : memref<1x50x64xf32, #tpu.memory_space<vmem>> -> memref<50x64xf32, #tpu.memory_space<vmem>>
        tpu.wait_dma2 semaphore(%dma_wait3A_1164 : memref<!tpu.dma_semaphore, #tpu.memory_space<semaphore_mem>>) src(%dma_wait3A_1172 : memref<50x64xf32, #tpu.memory_space<vmem>>) dst(%dma_wait3A_1168 : memref<50x64xf32, #tpu.memory_space<hbm>>)
      } else {
      }
      %add3A_684 = arith.constant 4 : i32
      %add3A_685 = arith.addi %add3A_608, %add3A_684 : i32
      %lt3A_686 = arith.constant 256 : i32
      %lt3A_687 = arith.cmpi slt, %add3A_685, %lt3A_686 : i32
      %convert_element_type3A_688 = arith.extui %lt3A_687 : i1 to i32
      %cond3A_689 = arith.constant 0 : i32
      %cond3A_690 = arith.cmpi ne, %convert_element_type3A_688, %cond3A_689 : i32
      scf.if %cond3A_690 {
        %add3A_1122 = arith.constant 4 : i32
        %add3A_1123 = arith.addi %add3A_608, %add3A_1122 : i32
        %dma_start3A_1124 = arith.constant 6 : i32
        %dma_start3A_1125 = arith.constant 6 : i32
        %dma_start3A_1126 = arith.constant 0 : i32
        %dma_start3A_1127 = arith.constant 0 : i32
        %dma_start3A_1128 = tpu.memref_slice %arg6[%dma_start3A_1124, %dma_start3A_1126, %dma_start3A_1127] : memref<8x100x64xf32, #tpu.memory_space<vmem>> -> memref<1x100x64xf32, #tpu.memory_space<vmem>>
        %dma_start3A_1129 = tpu.memref_squeeze %dma_start3A_1128 : memref<1x100x64xf32, #tpu.memory_space<vmem>> -> memref<100x64xf32, #tpu.memory_space<vmem>>
        %dma_start3A_1130 = arith.constant 0 : i32
        %dma_start3A_1131 = tpu.memref_slice %arg5[%add3A_1123, %dma_start3A_1130] : memref<256x100xi32, #tpu.memory_space<vmem>> -> memref<1x100xi32, #tpu.memory_space<vmem>>
        %dma_start3A_1132 = tpu.memref_squeeze %dma_start3A_1131 : memref<1x100xi32, #tpu.memory_space<vmem>> -> memref<100xi32, #tpu.memory_space<vmem>>
        %dma_start3A_1133 = arith.constant 0 : i32
        %dma_start3A_1134 = arith.constant 0 : i32
        %dma_start3A_1135 = tpu.memref_slice %arg3[%dma_start3A_1133, %dma_start3A_1134] : memref<1000000x64xf32, #tpu.memory_space<hbm>> -> memref<1000000x64xf32, #tpu.memory_space<hbm>>
        %dma_start3A_1136 = tpu.memref_slice %arg7[%dma_start3A_1125] : memref<8x!tpu.dma_semaphore, #tpu.memory_space<semaphore_mem>> -> memref<1x!tpu.dma_semaphore, #tpu.memory_space<semaphore_mem>>
        %dma_start3A_1137 = tpu.memref_squeeze %dma_start3A_1136 : memref<1x!tpu.dma_semaphore, #tpu.memory_space<semaphore_mem>> -> memref<!tpu.dma_semaphore, #tpu.memory_space<semaphore_mem>>
        tpu.enqueue_indirect_dma source(%dma_start3A_1135 : memref<1000000x64xf32, #tpu.memory_space<hbm>>) target(%dma_start3A_1129 : memref<100x64xf32, #tpu.memory_space<vmem>>) offsets(%dma_start3A_1132 : memref<100xi32, #tpu.memory_space<vmem>>) semaphore(%dma_start3A_1137 : memref<!tpu.dma_semaphore, #tpu.memory_space<semaphore_mem>>)
      } else {
      }
      %mul3A_691 = arith.constant 8 : i32
      %mul3A_692 = arith.muli %scan3A_437, %mul3A_691 : i32
      %add3A_693 = arith.constant 3 : i32
      %add3A_694 = arith.addi %mul3A_692, %add3A_693 : i32
      %dma_wait3A_695 = arith.constant 3 : i32
      %dma_wait3A_696 = arith.constant 3 : i32
      %dma_wait3A_697 = arith.constant 0 : i32
      %dma_wait3A_698 = arith.constant 0 : i32
      %dma_wait3A_699 = tpu.memref_slice %arg6[%dma_wait3A_695, %dma_wait3A_697, %dma_wait3A_698] : memref<8x100x64xf32, #tpu.memory_space<vmem>> -> memref<1x100x64xf32, #tpu.memory_space<vmem>>
      %dma_wait3A_700 = tpu.memref_squeeze %dma_wait3A_699 : memref<1x100x64xf32, #tpu.memory_space<vmem>> -> memref<100x64xf32, #tpu.memory_space<vmem>>
      %dma_wait3A_701 = arith.constant 0 : i32
      %dma_wait3A_702 = tpu.memref_slice %arg5[%add3A_694, %dma_wait3A_701] : memref<256x100xi32, #tpu.memory_space<vmem>> -> memref<1x100xi32, #tpu.memory_space<vmem>>
      %dma_wait3A_703 = tpu.memref_squeeze %dma_wait3A_702 : memref<1x100xi32, #tpu.memory_space<vmem>> -> memref<100xi32, #tpu.memory_space<vmem>>
      %dma_wait3A_704 = arith.constant 0 : i32
      %dma_wait3A_705 = arith.constant 0 : i32
      %dma_wait3A_706 = tpu.memref_slice %arg3[%dma_wait3A_704, %dma_wait3A_705] : memref<1000000x64xf32, #tpu.memory_space<hbm>> -> memref<1000000x64xf32, #tpu.memory_space<hbm>>
      %dma_wait3A_707 = tpu.memref_slice %arg7[%dma_wait3A_696] : memref<8x!tpu.dma_semaphore, #tpu.memory_space<semaphore_mem>> -> memref<1x!tpu.dma_semaphore, #tpu.memory_space<semaphore_mem>>
      %dma_wait3A_708 = tpu.memref_squeeze %dma_wait3A_707 : memref<1x!tpu.dma_semaphore, #tpu.memory_space<semaphore_mem>> -> memref<!tpu.dma_semaphore, #tpu.memory_space<semaphore_mem>>
      tpu.wait_indirect_dma semaphore(%dma_wait3A_708 : memref<!tpu.dma_semaphore, #tpu.memory_space<semaphore_mem>>) src(%dma_wait3A_706 : memref<1000000x64xf32, #tpu.memory_space<hbm>>) dst(%dma_wait3A_700 : memref<100x64xf32, #tpu.memory_space<vmem>>)
      %mul3A_709 = arith.constant 2 : i32
      %mul3A_710 = arith.muli %add3A_694, %mul3A_709 : i32
      %add3A_711 = arith.addi %mul3A_4, %mul3A_710 : i32
      %add3A_712 = arith.constant 0 : i32
      %add3A_713 = arith.addi %add3A_711, %add3A_712 : i32
      %add3A_714 = arith.constant 1 : i32
      %add3A_715 = arith.addi %add3A_711, %add3A_714 : i32
      %dma_start3A_716 = arith.constant 3 : i32
      %dma_start3A_717 = arith.constant 3 : i32
      %dma_start3A_718 = arith.constant 0 : i32
      %dma_start3A_719 = arith.constant 0 : i32
      %dma_start3A_720 = tpu.memref_slice %arg6[%dma_start3A_716, %dma_start3A_718, %dma_start3A_719] : memref<8x100x64xf32, #tpu.memory_space<vmem>> -> memref<1x50x64xf32, #tpu.memory_space<vmem>>
      %dma_start3A_721 = tpu.memref_squeeze %dma_start3A_720 : memref<1x50x64xf32, #tpu.memory_space<vmem>> -> memref<50x64xf32, #tpu.memory_space<vmem>>
      %dma_start3A_722 = arith.constant 0 : i32
      %dma_start3A_723 = arith.constant 0 : i32
      %dma_start3A_724 = tpu.memref_slice %arg4[%add3A_713, %dma_start3A_722, %dma_start3A_723] : memref<16384x50x64xf32, #tpu.memory_space<hbm>> -> memref<1x50x64xf32, #tpu.memory_space<hbm>>
      %dma_start3A_725 = tpu.memref_squeeze %dma_start3A_724 : memref<1x50x64xf32, #tpu.memory_space<hbm>> -> memref<50x64xf32, #tpu.memory_space<hbm>>
      %dma_start3A_726 = tpu.memref_slice %arg8[%dma_start3A_717] : memref<8x!tpu.dma_semaphore, #tpu.memory_space<semaphore_mem>> -> memref<1x!tpu.dma_semaphore, #tpu.memory_space<semaphore_mem>>
      %dma_start3A_727 = tpu.memref_squeeze %dma_start3A_726 : memref<1x!tpu.dma_semaphore, #tpu.memory_space<semaphore_mem>> -> memref<!tpu.dma_semaphore, #tpu.memory_space<semaphore_mem>>
      %dma_start3A_728 = arith.constant 0 : i32
      %dma_start3A_729 = arith.constant 0 : i32
      %dma_start3A_730 = tpu.memref_slice %arg4[%add3A_713, %dma_start3A_728, %dma_start3A_729] : memref<16384x50x64xf32, #tpu.memory_space<hbm>> -> memref<1x50x64xf32, #tpu.memory_space<hbm>>
      %dma_start3A_731 = tpu.memref_squeeze %dma_start3A_730 : memref<1x50x64xf32, #tpu.memory_space<hbm>> -> memref<50x64xf32, #tpu.memory_space<hbm>>
      %dma_start3A_732 = arith.constant 0 : i32
      %dma_start3A_733 = arith.constant 0 : i32
      %dma_start3A_734 = tpu.memref_slice %arg6[%dma_start3A_716, %dma_start3A_732, %dma_start3A_733] : memref<8x100x64xf32, #tpu.memory_space<vmem>> -> memref<1x50x64xf32, #tpu.memory_space<vmem>>
      %dma_start3A_735 = tpu.memref_squeeze %dma_start3A_734 : memref<1x50x64xf32, #tpu.memory_space<vmem>> -> memref<50x64xf32, #tpu.memory_space<vmem>>
      tpu.enqueue_dma source(%dma_start3A_735 : memref<50x64xf32, #tpu.memory_space<vmem>>) target(%dma_start3A_731 : memref<50x64xf32, #tpu.memory_space<hbm>>) target_semaphore(%dma_start3A_727 : memref<!tpu.dma_semaphore, #tpu.memory_space<semaphore_mem>>)
      %dma_start3A_736 = arith.constant 3 : i32
      %dma_start3A_737 = arith.constant 3 : i32
      %dma_start3A_738 = arith.constant 50 : i32
      %dma_start3A_739 = arith.constant 0 : i32
      %dma_start3A_740 = tpu.memref_slice %arg6[%dma_start3A_736, %dma_start3A_738, %dma_start3A_739] : memref<8x100x64xf32, #tpu.memory_space<vmem>> -> memref<1x50x64xf32, #tpu.memory_space<vmem>>
      %dma_start3A_741 = tpu.memref_squeeze %dma_start3A_740 : memref<1x50x64xf32, #tpu.memory_space<vmem>> -> memref<50x64xf32, #tpu.memory_space<vmem>>
      %dma_start3A_742 = arith.constant 0 : i32
      %dma_start3A_743 = arith.constant 0 : i32
      %dma_start3A_744 = tpu.memref_slice %arg4[%add3A_715, %dma_start3A_742, %dma_start3A_743] : memref<16384x50x64xf32, #tpu.memory_space<hbm>> -> memref<1x50x64xf32, #tpu.memory_space<hbm>>
      %dma_start3A_745 = tpu.memref_squeeze %dma_start3A_744 : memref<1x50x64xf32, #tpu.memory_space<hbm>> -> memref<50x64xf32, #tpu.memory_space<hbm>>
      %dma_start3A_746 = tpu.memref_slice %arg8[%dma_start3A_737] : memref<8x!tpu.dma_semaphore, #tpu.memory_space<semaphore_mem>> -> memref<1x!tpu.dma_semaphore, #tpu.memory_space<semaphore_mem>>
      %dma_start3A_747 = tpu.memref_squeeze %dma_start3A_746 : memref<1x!tpu.dma_semaphore, #tpu.memory_space<semaphore_mem>> -> memref<!tpu.dma_semaphore, #tpu.memory_space<semaphore_mem>>
      %dma_start3A_748 = arith.constant 0 : i32
      %dma_start3A_749 = arith.constant 0 : i32
      %dma_start3A_750 = tpu.memref_slice %arg4[%add3A_715, %dma_start3A_748, %dma_start3A_749] : memref<16384x50x64xf32, #tpu.memory_space<hbm>> -> memref<1x50x64xf32, #tpu.memory_space<hbm>>
      %dma_start3A_751 = tpu.memref_squeeze %dma_start3A_750 : memref<1x50x64xf32, #tpu.memory_space<hbm>> -> memref<50x64xf32, #tpu.memory_space<hbm>>
      %dma_start3A_752 = arith.constant 50 : i32
      %dma_start3A_753 = arith.constant 0 : i32
      %dma_start3A_754 = tpu.memref_slice %arg6[%dma_start3A_736, %dma_start3A_752, %dma_start3A_753] : memref<8x100x64xf32, #tpu.memory_space<vmem>> -> memref<1x50x64xf32, #tpu.memory_space<vmem>>
      %dma_start3A_755 = tpu.memref_squeeze %dma_start3A_754 : memref<1x50x64xf32, #tpu.memory_space<vmem>> -> memref<50x64xf32, #tpu.memory_space<vmem>>
      tpu.enqueue_dma source(%dma_start3A_755 : memref<50x64xf32, #tpu.memory_space<vmem>>) target(%dma_start3A_751 : memref<50x64xf32, #tpu.memory_space<hbm>>) target_semaphore(%dma_start3A_747 : memref<!tpu.dma_semaphore, #tpu.memory_space<semaphore_mem>>)
      %add3A_756 = arith.constant 4 : i32
      %add3A_757 = arith.addi %add3A_694, %add3A_756 : i32
      %lt3A_758 = arith.constant 256 : i32
      %lt3A_759 = arith.cmpi slt, %add3A_757, %lt3A_758 : i32
      %add3A_760 = arith.constant 4 : i32
      %add3A_761 = arith.addi %add3A_694, %add3A_760 : i32
      %sub3A_762 = arith.constant 8 : i32
      %sub3A_763 = arith.subi %add3A_761, %sub3A_762 : i32
      %ge3A_764 = arith.constant 0 : i32
      %ge3A_765 = arith.cmpi sge, %sub3A_763, %ge3A_764 : i32
      %and3A_766 = arith.andi %lt3A_759, %ge3A_765 : i1
      %convert_element_type3A_767 = arith.extui %and3A_766 : i1 to i32
      %cond3A_768 = arith.constant 0 : i32
      %cond3A_769 = arith.cmpi ne, %convert_element_type3A_767, %cond3A_768 : i32
      scf.if %cond3A_769 {
        %add3A_1122 = arith.constant 4 : i32
        %add3A_1123 = arith.addi %add3A_694, %add3A_1122 : i32
        %sub3A_1124 = arith.constant 8 : i32
        %sub3A_1125 = arith.subi %add3A_1123, %sub3A_1124 : i32
        %mul3A_1126 = arith.constant 2 : i32
        %mul3A_1127 = arith.muli %sub3A_1125, %mul3A_1126 : i32
        %add3A_1128 = arith.addi %mul3A_4, %mul3A_1127 : i32
        %add3A_1129 = arith.constant 0 : i32
        %add3A_1130 = arith.addi %add3A_1128, %add3A_1129 : i32
        %add3A_1131 = arith.constant 1 : i32
        %add3A_1132 = arith.addi %add3A_1128, %add3A_1131 : i32
        %dma_wait3A_1133 = arith.constant 7 : i32
        %dma_wait3A_1134 = arith.constant 7 : i32
        %dma_wait3A_1135 = arith.constant 0 : i32
        %dma_wait3A_1136 = arith.constant 0 : i32
        %dma_wait3A_1137 = tpu.memref_slice %arg6[%dma_wait3A_1133, %dma_wait3A_1135, %dma_wait3A_1136] : memref<8x100x64xf32, #tpu.memory_space<vmem>> -> memref<1x50x64xf32, #tpu.memory_space<vmem>>
        %dma_wait3A_1138 = tpu.memref_squeeze %dma_wait3A_1137 : memref<1x50x64xf32, #tpu.memory_space<vmem>> -> memref<50x64xf32, #tpu.memory_space<vmem>>
        %dma_wait3A_1139 = arith.constant 0 : i32
        %dma_wait3A_1140 = arith.constant 0 : i32
        %dma_wait3A_1141 = tpu.memref_slice %arg4[%add3A_1130, %dma_wait3A_1139, %dma_wait3A_1140] : memref<16384x50x64xf32, #tpu.memory_space<hbm>> -> memref<1x50x64xf32, #tpu.memory_space<hbm>>
        %dma_wait3A_1142 = tpu.memref_squeeze %dma_wait3A_1141 : memref<1x50x64xf32, #tpu.memory_space<hbm>> -> memref<50x64xf32, #tpu.memory_space<hbm>>
        %dma_wait3A_1143 = tpu.memref_slice %arg8[%dma_wait3A_1134] : memref<8x!tpu.dma_semaphore, #tpu.memory_space<semaphore_mem>> -> memref<1x!tpu.dma_semaphore, #tpu.memory_space<semaphore_mem>>
        %dma_wait3A_1144 = tpu.memref_squeeze %dma_wait3A_1143 : memref<1x!tpu.dma_semaphore, #tpu.memory_space<semaphore_mem>> -> memref<!tpu.dma_semaphore, #tpu.memory_space<semaphore_mem>>
        %dma_wait3A_1145 = arith.constant 0 : i32
        %dma_wait3A_1146 = arith.constant 0 : i32
        %dma_wait3A_1147 = tpu.memref_slice %arg4[%add3A_1130, %dma_wait3A_1145, %dma_wait3A_1146] : memref<16384x50x64xf32, #tpu.memory_space<hbm>> -> memref<1x50x64xf32, #tpu.memory_space<hbm>>
        %dma_wait3A_1148 = tpu.memref_squeeze %dma_wait3A_1147 : memref<1x50x64xf32, #tpu.memory_space<hbm>> -> memref<50x64xf32, #tpu.memory_space<hbm>>
        %dma_wait3A_1149 = arith.constant 0 : i32
        %dma_wait3A_1150 = arith.constant 0 : i32
        %dma_wait3A_1151 = tpu.memref_slice %arg6[%dma_wait3A_1133, %dma_wait3A_1149, %dma_wait3A_1150] : memref<8x100x64xf32, #tpu.memory_space<vmem>> -> memref<1x50x64xf32, #tpu.memory_space<vmem>>
        %dma_wait3A_1152 = tpu.memref_squeeze %dma_wait3A_1151 : memref<1x50x64xf32, #tpu.memory_space<vmem>> -> memref<50x64xf32, #tpu.memory_space<vmem>>
        tpu.wait_dma2 semaphore(%dma_wait3A_1144 : memref<!tpu.dma_semaphore, #tpu.memory_space<semaphore_mem>>) src(%dma_wait3A_1152 : memref<50x64xf32, #tpu.memory_space<vmem>>) dst(%dma_wait3A_1148 : memref<50x64xf32, #tpu.memory_space<hbm>>)
        %dma_wait3A_1153 = arith.constant 7 : i32
        %dma_wait3A_1154 = arith.constant 7 : i32
        %dma_wait3A_1155 = arith.constant 50 : i32
        %dma_wait3A_1156 = arith.constant 0 : i32
        %dma_wait3A_1157 = tpu.memref_slice %arg6[%dma_wait3A_1153, %dma_wait3A_1155, %dma_wait3A_1156] : memref<8x100x64xf32, #tpu.memory_space<vmem>> -> memref<1x50x64xf32, #tpu.memory_space<vmem>>
        %dma_wait3A_1158 = tpu.memref_squeeze %dma_wait3A_1157 : memref<1x50x64xf32, #tpu.memory_space<vmem>> -> memref<50x64xf32, #tpu.memory_space<vmem>>
        %dma_wait3A_1159 = arith.constant 0 : i32
        %dma_wait3A_1160 = arith.constant 0 : i32
        %dma_wait3A_1161 = tpu.memref_slice %arg4[%add3A_1132, %dma_wait3A_1159, %dma_wait3A_1160] : memref<16384x50x64xf32, #tpu.memory_space<hbm>> -> memref<1x50x64xf32, #tpu.memory_space<hbm>>
        %dma_wait3A_1162 = tpu.memref_squeeze %dma_wait3A_1161 : memref<1x50x64xf32, #tpu.memory_space<hbm>> -> memref<50x64xf32, #tpu.memory_space<hbm>>
        %dma_wait3A_1163 = tpu.memref_slice %arg8[%dma_wait3A_1154] : memref<8x!tpu.dma_semaphore, #tpu.memory_space<semaphore_mem>> -> memref<1x!tpu.dma_semaphore, #tpu.memory_space<semaphore_mem>>
        %dma_wait3A_1164 = tpu.memref_squeeze %dma_wait3A_1163 : memref<1x!tpu.dma_semaphore, #tpu.memory_space<semaphore_mem>> -> memref<!tpu.dma_semaphore, #tpu.memory_space<semaphore_mem>>
        %dma_wait3A_1165 = arith.constant 0 : i32
        %dma_wait3A_1166 = arith.constant 0 : i32
        %dma_wait3A_1167 = tpu.memref_slice %arg4[%add3A_1132, %dma_wait3A_1165, %dma_wait3A_1166] : memref<16384x50x64xf32, #tpu.memory_space<hbm>> -> memref<1x50x64xf32, #tpu.memory_space<hbm>>
        %dma_wait3A_1168 = tpu.memref_squeeze %dma_wait3A_1167 : memref<1x50x64xf32, #tpu.memory_space<hbm>> -> memref<50x64xf32, #tpu.memory_space<hbm>>
        %dma_wait3A_1169 = arith.constant 50 : i32
        %dma_wait3A_1170 = arith.constant 0 : i32
        %dma_wait3A_1171 = tpu.memref_slice %arg6[%dma_wait3A_1153, %dma_wait3A_1169, %dma_wait3A_1170] : memref<8x100x64xf32, #tpu.memory_space<vmem>> -> memref<1x50x64xf32, #tpu.memory_space<vmem>>
        %dma_wait3A_1172 = tpu.memref_squeeze %dma_wait3A_1171 : memref<1x50x64xf32, #tpu.memory_space<vmem>> -> memref<50x64xf32, #tpu.memory_space<vmem>>
        tpu.wait_dma2 semaphore(%dma_wait3A_1164 : memref<!tpu.dma_semaphore, #tpu.memory_space<semaphore_mem>>) src(%dma_wait3A_1172 : memref<50x64xf32, #tpu.memory_space<vmem>>) dst(%dma_wait3A_1168 : memref<50x64xf32, #tpu.memory_space<hbm>>)
      } else {
      }
      %add3A_770 = arith.constant 4 : i32
      %add3A_771 = arith.addi %add3A_694, %add3A_770 : i32
      %lt3A_772 = arith.constant 256 : i32
      %lt3A_773 = arith.cmpi slt, %add3A_771, %lt3A_772 : i32
      %convert_element_type3A_774 = arith.extui %lt3A_773 : i1 to i32
      %cond3A_775 = arith.constant 0 : i32
      %cond3A_776 = arith.cmpi ne, %convert_element_type3A_774, %cond3A_775 : i32
      scf.if %cond3A_776 {
        %add3A_1122 = arith.constant 4 : i32
        %add3A_1123 = arith.addi %add3A_694, %add3A_1122 : i32
        %dma_start3A_1124 = arith.constant 7 : i32
        %dma_start3A_1125 = arith.constant 7 : i32
        %dma_start3A_1126 = arith.constant 0 : i32
        %dma_start3A_1127 = arith.constant 0 : i32
        %dma_start3A_1128 = tpu.memref_slice %arg6[%dma_start3A_1124, %dma_start3A_1126, %dma_start3A_1127] : memref<8x100x64xf32, #tpu.memory_space<vmem>> -> memref<1x100x64xf32, #tpu.memory_space<vmem>>
        %dma_start3A_1129 = tpu.memref_squeeze %dma_start3A_1128 : memref<1x100x64xf32, #tpu.memory_space<vmem>> -> memref<100x64xf32, #tpu.memory_space<vmem>>
        %dma_start3A_1130 = arith.constant 0 : i32
        %dma_start3A_1131 = tpu.memref_slice %arg5[%add3A_1123, %dma_start3A_1130] : memref<256x100xi32, #tpu.memory_space<vmem>> -> memref<1x100xi32, #tpu.memory_space<vmem>>
        %dma_start3A_1132 = tpu.memref_squeeze %dma_start3A_1131 : memref<1x100xi32, #tpu.memory_space<vmem>> -> memref<100xi32, #tpu.memory_space<vmem>>
        %dma_start3A_1133 = arith.constant 0 : i32
        %dma_start3A_1134 = arith.constant 0 : i32
        %dma_start3A_1135 = tpu.memref_slice %arg3[%dma_start3A_1133, %dma_start3A_1134] : memref<1000000x64xf32, #tpu.memory_space<hbm>> -> memref<1000000x64xf32, #tpu.memory_space<hbm>>
        %dma_start3A_1136 = tpu.memref_slice %arg7[%dma_start3A_1125] : memref<8x!tpu.dma_semaphore, #tpu.memory_space<semaphore_mem>> -> memref<1x!tpu.dma_semaphore, #tpu.memory_space<semaphore_mem>>
        %dma_start3A_1137 = tpu.memref_squeeze %dma_start3A_1136 : memref<1x!tpu.dma_semaphore, #tpu.memory_space<semaphore_mem>> -> memref<!tpu.dma_semaphore, #tpu.memory_space<semaphore_mem>>
        tpu.enqueue_indirect_dma source(%dma_start3A_1135 : memref<1000000x64xf32, #tpu.memory_space<hbm>>) target(%dma_start3A_1129 : memref<100x64xf32, #tpu.memory_space<vmem>>) offsets(%dma_start3A_1132 : memref<100xi32, #tpu.memory_space<vmem>>) semaphore(%dma_start3A_1137 : memref<!tpu.dma_semaphore, #tpu.memory_space<semaphore_mem>>)
      } else {
      }
      %mul3A_777 = arith.constant 8 : i32
      %mul3A_778 = arith.muli %scan3A_437, %mul3A_777 : i32
      %add3A_779 = arith.constant 4 : i32
      %add3A_780 = arith.addi %mul3A_778, %add3A_779 : i32
      %dma_wait3A_781 = arith.constant 4 : i32
      %dma_wait3A_782 = arith.constant 4 : i32
      %dma_wait3A_783 = arith.constant 0 : i32
      %dma_wait3A_784 = arith.constant 0 : i32
      %dma_wait3A_785 = tpu.memref_slice %arg6[%dma_wait3A_781, %dma_wait3A_783, %dma_wait3A_784] : memref<8x100x64xf32, #tpu.memory_space<vmem>> -> memref<1x100x64xf32, #tpu.memory_space<vmem>>
      %dma_wait3A_786 = tpu.memref_squeeze %dma_wait3A_785 : memref<1x100x64xf32, #tpu.memory_space<vmem>> -> memref<100x64xf32, #tpu.memory_space<vmem>>
      %dma_wait3A_787 = arith.constant 0 : i32
      %dma_wait3A_788 = tpu.memref_slice %arg5[%add3A_780, %dma_wait3A_787] : memref<256x100xi32, #tpu.memory_space<vmem>> -> memref<1x100xi32, #tpu.memory_space<vmem>>
      %dma_wait3A_789 = tpu.memref_squeeze %dma_wait3A_788 : memref<1x100xi32, #tpu.memory_space<vmem>> -> memref<100xi32, #tpu.memory_space<vmem>>
      %dma_wait3A_790 = arith.constant 0 : i32
      %dma_wait3A_791 = arith.constant 0 : i32
      %dma_wait3A_792 = tpu.memref_slice %arg3[%dma_wait3A_790, %dma_wait3A_791] : memref<1000000x64xf32, #tpu.memory_space<hbm>> -> memref<1000000x64xf32, #tpu.memory_space<hbm>>
      %dma_wait3A_793 = tpu.memref_slice %arg7[%dma_wait3A_782] : memref<8x!tpu.dma_semaphore, #tpu.memory_space<semaphore_mem>> -> memref<1x!tpu.dma_semaphore, #tpu.memory_space<semaphore_mem>>
      %dma_wait3A_794 = tpu.memref_squeeze %dma_wait3A_793 : memref<1x!tpu.dma_semaphore, #tpu.memory_space<semaphore_mem>> -> memref<!tpu.dma_semaphore, #tpu.memory_space<semaphore_mem>>
      tpu.wait_indirect_dma semaphore(%dma_wait3A_794 : memref<!tpu.dma_semaphore, #tpu.memory_space<semaphore_mem>>) src(%dma_wait3A_792 : memref<1000000x64xf32, #tpu.memory_space<hbm>>) dst(%dma_wait3A_786 : memref<100x64xf32, #tpu.memory_space<vmem>>)
      %mul3A_795 = arith.constant 2 : i32
      %mul3A_796 = arith.muli %add3A_780, %mul3A_795 : i32
      %add3A_797 = arith.addi %mul3A_4, %mul3A_796 : i32
      %add3A_798 = arith.constant 0 : i32
      %add3A_799 = arith.addi %add3A_797, %add3A_798 : i32
      %add3A_800 = arith.constant 1 : i32
      %add3A_801 = arith.addi %add3A_797, %add3A_800 : i32
      %dma_start3A_802 = arith.constant 4 : i32
      %dma_start3A_803 = arith.constant 4 : i32
      %dma_start3A_804 = arith.constant 0 : i32
      %dma_start3A_805 = arith.constant 0 : i32
      %dma_start3A_806 = tpu.memref_slice %arg6[%dma_start3A_802, %dma_start3A_804, %dma_start3A_805] : memref<8x100x64xf32, #tpu.memory_space<vmem>> -> memref<1x50x64xf32, #tpu.memory_space<vmem>>
      %dma_start3A_807 = tpu.memref_squeeze %dma_start3A_806 : memref<1x50x64xf32, #tpu.memory_space<vmem>> -> memref<50x64xf32, #tpu.memory_space<vmem>>
      %dma_start3A_808 = arith.constant 0 : i32
      %dma_start3A_809 = arith.constant 0 : i32
      %dma_start3A_810 = tpu.memref_slice %arg4[%add3A_799, %dma_start3A_808, %dma_start3A_809] : memref<16384x50x64xf32, #tpu.memory_space<hbm>> -> memref<1x50x64xf32, #tpu.memory_space<hbm>>
      %dma_start3A_811 = tpu.memref_squeeze %dma_start3A_810 : memref<1x50x64xf32, #tpu.memory_space<hbm>> -> memref<50x64xf32, #tpu.memory_space<hbm>>
      %dma_start3A_812 = tpu.memref_slice %arg8[%dma_start3A_803] : memref<8x!tpu.dma_semaphore, #tpu.memory_space<semaphore_mem>> -> memref<1x!tpu.dma_semaphore, #tpu.memory_space<semaphore_mem>>
      %dma_start3A_813 = tpu.memref_squeeze %dma_start3A_812 : memref<1x!tpu.dma_semaphore, #tpu.memory_space<semaphore_mem>> -> memref<!tpu.dma_semaphore, #tpu.memory_space<semaphore_mem>>
      %dma_start3A_814 = arith.constant 0 : i32
      %dma_start3A_815 = arith.constant 0 : i32
      %dma_start3A_816 = tpu.memref_slice %arg4[%add3A_799, %dma_start3A_814, %dma_start3A_815] : memref<16384x50x64xf32, #tpu.memory_space<hbm>> -> memref<1x50x64xf32, #tpu.memory_space<hbm>>
      %dma_start3A_817 = tpu.memref_squeeze %dma_start3A_816 : memref<1x50x64xf32, #tpu.memory_space<hbm>> -> memref<50x64xf32, #tpu.memory_space<hbm>>
      %dma_start3A_818 = arith.constant 0 : i32
      %dma_start3A_819 = arith.constant 0 : i32
      %dma_start3A_820 = tpu.memref_slice %arg6[%dma_start3A_802, %dma_start3A_818, %dma_start3A_819] : memref<8x100x64xf32, #tpu.memory_space<vmem>> -> memref<1x50x64xf32, #tpu.memory_space<vmem>>
      %dma_start3A_821 = tpu.memref_squeeze %dma_start3A_820 : memref<1x50x64xf32, #tpu.memory_space<vmem>> -> memref<50x64xf32, #tpu.memory_space<vmem>>
      tpu.enqueue_dma source(%dma_start3A_821 : memref<50x64xf32, #tpu.memory_space<vmem>>) target(%dma_start3A_817 : memref<50x64xf32, #tpu.memory_space<hbm>>) target_semaphore(%dma_start3A_813 : memref<!tpu.dma_semaphore, #tpu.memory_space<semaphore_mem>>)
      %dma_start3A_822 = arith.constant 4 : i32
      %dma_start3A_823 = arith.constant 4 : i32
      %dma_start3A_824 = arith.constant 50 : i32
      %dma_start3A_825 = arith.constant 0 : i32
      %dma_start3A_826 = tpu.memref_slice %arg6[%dma_start3A_822, %dma_start3A_824, %dma_start3A_825] : memref<8x100x64xf32, #tpu.memory_space<vmem>> -> memref<1x50x64xf32, #tpu.memory_space<vmem>>
      %dma_start3A_827 = tpu.memref_squeeze %dma_start3A_826 : memref<1x50x64xf32, #tpu.memory_space<vmem>> -> memref<50x64xf32, #tpu.memory_space<vmem>>
      %dma_start3A_828 = arith.constant 0 : i32
      %dma_start3A_829 = arith.constant 0 : i32
      %dma_start3A_830 = tpu.memref_slice %arg4[%add3A_801, %dma_start3A_828, %dma_start3A_829] : memref<16384x50x64xf32, #tpu.memory_space<hbm>> -> memref<1x50x64xf32, #tpu.memory_space<hbm>>
      %dma_start3A_831 = tpu.memref_squeeze %dma_start3A_830 : memref<1x50x64xf32, #tpu.memory_space<hbm>> -> memref<50x64xf32, #tpu.memory_space<hbm>>
      %dma_start3A_832 = tpu.memref_slice %arg8[%dma_start3A_823] : memref<8x!tpu.dma_semaphore, #tpu.memory_space<semaphore_mem>> -> memref<1x!tpu.dma_semaphore, #tpu.memory_space<semaphore_mem>>
      %dma_start3A_833 = tpu.memref_squeeze %dma_start3A_832 : memref<1x!tpu.dma_semaphore, #tpu.memory_space<semaphore_mem>> -> memref<!tpu.dma_semaphore, #tpu.memory_space<semaphore_mem>>
      %dma_start3A_834 = arith.constant 0 : i32
      %dma_start3A_835 = arith.constant 0 : i32
      %dma_start3A_836 = tpu.memref_slice %arg4[%add3A_801, %dma_start3A_834, %dma_start3A_835] : memref<16384x50x64xf32, #tpu.memory_space<hbm>> -> memref<1x50x64xf32, #tpu.memory_space<hbm>>
      %dma_start3A_837 = tpu.memref_squeeze %dma_start3A_836 : memref<1x50x64xf32, #tpu.memory_space<hbm>> -> memref<50x64xf32, #tpu.memory_space<hbm>>
      %dma_start3A_838 = arith.constant 50 : i32
      %dma_start3A_839 = arith.constant 0 : i32
      %dma_start3A_840 = tpu.memref_slice %arg6[%dma_start3A_822, %dma_start3A_838, %dma_start3A_839] : memref<8x100x64xf32, #tpu.memory_space<vmem>> -> memref<1x50x64xf32, #tpu.memory_space<vmem>>
      %dma_start3A_841 = tpu.memref_squeeze %dma_start3A_840 : memref<1x50x64xf32, #tpu.memory_space<vmem>> -> memref<50x64xf32, #tpu.memory_space<vmem>>
      tpu.enqueue_dma source(%dma_start3A_841 : memref<50x64xf32, #tpu.memory_space<vmem>>) target(%dma_start3A_837 : memref<50x64xf32, #tpu.memory_space<hbm>>) target_semaphore(%dma_start3A_833 : memref<!tpu.dma_semaphore, #tpu.memory_space<semaphore_mem>>)
      %add3A_842 = arith.constant 4 : i32
      %add3A_843 = arith.addi %add3A_780, %add3A_842 : i32
      %lt3A_844 = arith.constant 256 : i32
      %lt3A_845 = arith.cmpi slt, %add3A_843, %lt3A_844 : i32
      %add3A_846 = arith.constant 4 : i32
      %add3A_847 = arith.addi %add3A_780, %add3A_846 : i32
      %sub3A_848 = arith.constant 8 : i32
      %sub3A_849 = arith.subi %add3A_847, %sub3A_848 : i32
      %ge3A_850 = arith.constant 0 : i32
      %ge3A_851 = arith.cmpi sge, %sub3A_849, %ge3A_850 : i32
      %and3A_852 = arith.andi %lt3A_845, %ge3A_851 : i1
      %convert_element_type3A_853 = arith.extui %and3A_852 : i1 to i32
      %cond3A_854 = arith.constant 0 : i32
      %cond3A_855 = arith.cmpi ne, %convert_element_type3A_853, %cond3A_854 : i32
      scf.if %cond3A_855 {
        %add3A_1122 = arith.constant 4 : i32
        %add3A_1123 = arith.addi %add3A_780, %add3A_1122 : i32
        %sub3A_1124 = arith.constant 8 : i32
        %sub3A_1125 = arith.subi %add3A_1123, %sub3A_1124 : i32
        %mul3A_1126 = arith.constant 2 : i32
        %mul3A_1127 = arith.muli %sub3A_1125, %mul3A_1126 : i32
        %add3A_1128 = arith.addi %mul3A_4, %mul3A_1127 : i32
        %add3A_1129 = arith.constant 0 : i32
        %add3A_1130 = arith.addi %add3A_1128, %add3A_1129 : i32
        %add3A_1131 = arith.constant 1 : i32
        %add3A_1132 = arith.addi %add3A_1128, %add3A_1131 : i32
        %dma_wait3A_1133 = arith.constant 0 : i32
        %dma_wait3A_1134 = arith.constant 0 : i32
        %dma_wait3A_1135 = arith.constant 0 : i32
        %dma_wait3A_1136 = arith.constant 0 : i32
        %dma_wait3A_1137 = tpu.memref_slice %arg6[%dma_wait3A_1133, %dma_wait3A_1135, %dma_wait3A_1136] : memref<8x100x64xf32, #tpu.memory_space<vmem>> -> memref<1x50x64xf32, #tpu.memory_space<vmem>>
        %dma_wait3A_1138 = tpu.memref_squeeze %dma_wait3A_1137 : memref<1x50x64xf32, #tpu.memory_space<vmem>> -> memref<50x64xf32, #tpu.memory_space<vmem>>
        %dma_wait3A_1139 = arith.constant 0 : i32
        %dma_wait3A_1140 = arith.constant 0 : i32
        %dma_wait3A_1141 = tpu.memref_slice %arg4[%add3A_1130, %dma_wait3A_1139, %dma_wait3A_1140] : memref<16384x50x64xf32, #tpu.memory_space<hbm>> -> memref<1x50x64xf32, #tpu.memory_space<hbm>>
        %dma_wait3A_1142 = tpu.memref_squeeze %dma_wait3A_1141 : memref<1x50x64xf32, #tpu.memory_space<hbm>> -> memref<50x64xf32, #tpu.memory_space<hbm>>
        %dma_wait3A_1143 = tpu.memref_slice %arg8[%dma_wait3A_1134] : memref<8x!tpu.dma_semaphore, #tpu.memory_space<semaphore_mem>> -> memref<1x!tpu.dma_semaphore, #tpu.memory_space<semaphore_mem>>
        %dma_wait3A_1144 = tpu.memref_squeeze %dma_wait3A_1143 : memref<1x!tpu.dma_semaphore, #tpu.memory_space<semaphore_mem>> -> memref<!tpu.dma_semaphore, #tpu.memory_space<semaphore_mem>>
        %dma_wait3A_1145 = arith.constant 0 : i32
        %dma_wait3A_1146 = arith.constant 0 : i32
        %dma_wait3A_1147 = tpu.memref_slice %arg4[%add3A_1130, %dma_wait3A_1145, %dma_wait3A_1146] : memref<16384x50x64xf32, #tpu.memory_space<hbm>> -> memref<1x50x64xf32, #tpu.memory_space<hbm>>
        %dma_wait3A_1148 = tpu.memref_squeeze %dma_wait3A_1147 : memref<1x50x64xf32, #tpu.memory_space<hbm>> -> memref<50x64xf32, #tpu.memory_space<hbm>>
        %dma_wait3A_1149 = arith.constant 0 : i32
        %dma_wait3A_1150 = arith.constant 0 : i32
        %dma_wait3A_1151 = tpu.memref_slice %arg6[%dma_wait3A_1133, %dma_wait3A_1149, %dma_wait3A_1150] : memref<8x100x64xf32, #tpu.memory_space<vmem>> -> memref<1x50x64xf32, #tpu.memory_space<vmem>>
        %dma_wait3A_1152 = tpu.memref_squeeze %dma_wait3A_1151 : memref<1x50x64xf32, #tpu.memory_space<vmem>> -> memref<50x64xf32, #tpu.memory_space<vmem>>
        tpu.wait_dma2 semaphore(%dma_wait3A_1144 : memref<!tpu.dma_semaphore, #tpu.memory_space<semaphore_mem>>) src(%dma_wait3A_1152 : memref<50x64xf32, #tpu.memory_space<vmem>>) dst(%dma_wait3A_1148 : memref<50x64xf32, #tpu.memory_space<hbm>>)
        %dma_wait3A_1153 = arith.constant 0 : i32
        %dma_wait3A_1154 = arith.constant 0 : i32
        %dma_wait3A_1155 = arith.constant 50 : i32
        %dma_wait3A_1156 = arith.constant 0 : i32
        %dma_wait3A_1157 = tpu.memref_slice %arg6[%dma_wait3A_1153, %dma_wait3A_1155, %dma_wait3A_1156] : memref<8x100x64xf32, #tpu.memory_space<vmem>> -> memref<1x50x64xf32, #tpu.memory_space<vmem>>
        %dma_wait3A_1158 = tpu.memref_squeeze %dma_wait3A_1157 : memref<1x50x64xf32, #tpu.memory_space<vmem>> -> memref<50x64xf32, #tpu.memory_space<vmem>>
        %dma_wait3A_1159 = arith.constant 0 : i32
        %dma_wait3A_1160 = arith.constant 0 : i32
        %dma_wait3A_1161 = tpu.memref_slice %arg4[%add3A_1132, %dma_wait3A_1159, %dma_wait3A_1160] : memref<16384x50x64xf32, #tpu.memory_space<hbm>> -> memref<1x50x64xf32, #tpu.memory_space<hbm>>
        %dma_wait3A_1162 = tpu.memref_squeeze %dma_wait3A_1161 : memref<1x50x64xf32, #tpu.memory_space<hbm>> -> memref<50x64xf32, #tpu.memory_space<hbm>>
        %dma_wait3A_1163 = tpu.memref_slice %arg8[%dma_wait3A_1154] : memref<8x!tpu.dma_semaphore, #tpu.memory_space<semaphore_mem>> -> memref<1x!tpu.dma_semaphore, #tpu.memory_space<semaphore_mem>>
        %dma_wait3A_1164 = tpu.memref_squeeze %dma_wait3A_1163 : memref<1x!tpu.dma_semaphore, #tpu.memory_space<semaphore_mem>> -> memref<!tpu.dma_semaphore, #tpu.memory_space<semaphore_mem>>
        %dma_wait3A_1165 = arith.constant 0 : i32
        %dma_wait3A_1166 = arith.constant 0 : i32
        %dma_wait3A_1167 = tpu.memref_slice %arg4[%add3A_1132, %dma_wait3A_1165, %dma_wait3A_1166] : memref<16384x50x64xf32, #tpu.memory_space<hbm>> -> memref<1x50x64xf32, #tpu.memory_space<hbm>>
        %dma_wait3A_1168 = tpu.memref_squeeze %dma_wait3A_1167 : memref<1x50x64xf32, #tpu.memory_space<hbm>> -> memref<50x64xf32, #tpu.memory_space<hbm>>
        %dma_wait3A_1169 = arith.constant 50 : i32
        %dma_wait3A_1170 = arith.constant 0 : i32
        %dma_wait3A_1171 = tpu.memref_slice %arg6[%dma_wait3A_1153, %dma_wait3A_1169, %dma_wait3A_1170] : memref<8x100x64xf32, #tpu.memory_space<vmem>> -> memref<1x50x64xf32, #tpu.memory_space<vmem>>
        %dma_wait3A_1172 = tpu.memref_squeeze %dma_wait3A_1171 : memref<1x50x64xf32, #tpu.memory_space<vmem>> -> memref<50x64xf32, #tpu.memory_space<vmem>>
        tpu.wait_dma2 semaphore(%dma_wait3A_1164 : memref<!tpu.dma_semaphore, #tpu.memory_space<semaphore_mem>>) src(%dma_wait3A_1172 : memref<50x64xf32, #tpu.memory_space<vmem>>) dst(%dma_wait3A_1168 : memref<50x64xf32, #tpu.memory_space<hbm>>)
      } else {
      }
      %add3A_856 = arith.constant 4 : i32
      %add3A_857 = arith.addi %add3A_780, %add3A_856 : i32
      %lt3A_858 = arith.constant 256 : i32
      %lt3A_859 = arith.cmpi slt, %add3A_857, %lt3A_858 : i32
      %convert_element_type3A_860 = arith.extui %lt3A_859 : i1 to i32
      %cond3A_861 = arith.constant 0 : i32
      %cond3A_862 = arith.cmpi ne, %convert_element_type3A_860, %cond3A_861 : i32
      scf.if %cond3A_862 {
        %add3A_1122 = arith.constant 4 : i32
        %add3A_1123 = arith.addi %add3A_780, %add3A_1122 : i32
        %dma_start3A_1124 = arith.constant 0 : i32
        %dma_start3A_1125 = arith.constant 0 : i32
        %dma_start3A_1126 = arith.constant 0 : i32
        %dma_start3A_1127 = arith.constant 0 : i32
        %dma_start3A_1128 = tpu.memref_slice %arg6[%dma_start3A_1124, %dma_start3A_1126, %dma_start3A_1127] : memref<8x100x64xf32, #tpu.memory_space<vmem>> -> memref<1x100x64xf32, #tpu.memory_space<vmem>>
        %dma_start3A_1129 = tpu.memref_squeeze %dma_start3A_1128 : memref<1x100x64xf32, #tpu.memory_space<vmem>> -> memref<100x64xf32, #tpu.memory_space<vmem>>
        %dma_start3A_1130 = arith.constant 0 : i32
        %dma_start3A_1131 = tpu.memref_slice %arg5[%add3A_1123, %dma_start3A_1130] : memref<256x100xi32, #tpu.memory_space<vmem>> -> memref<1x100xi32, #tpu.memory_space<vmem>>
        %dma_start3A_1132 = tpu.memref_squeeze %dma_start3A_1131 : memref<1x100xi32, #tpu.memory_space<vmem>> -> memref<100xi32, #tpu.memory_space<vmem>>
        %dma_start3A_1133 = arith.constant 0 : i32
        %dma_start3A_1134 = arith.constant 0 : i32
        %dma_start3A_1135 = tpu.memref_slice %arg3[%dma_start3A_1133, %dma_start3A_1134] : memref<1000000x64xf32, #tpu.memory_space<hbm>> -> memref<1000000x64xf32, #tpu.memory_space<hbm>>
        %dma_start3A_1136 = tpu.memref_slice %arg7[%dma_start3A_1125] : memref<8x!tpu.dma_semaphore, #tpu.memory_space<semaphore_mem>> -> memref<1x!tpu.dma_semaphore, #tpu.memory_space<semaphore_mem>>
        %dma_start3A_1137 = tpu.memref_squeeze %dma_start3A_1136 : memref<1x!tpu.dma_semaphore, #tpu.memory_space<semaphore_mem>> -> memref<!tpu.dma_semaphore, #tpu.memory_space<semaphore_mem>>
        tpu.enqueue_indirect_dma source(%dma_start3A_1135 : memref<1000000x64xf32, #tpu.memory_space<hbm>>) target(%dma_start3A_1129 : memref<100x64xf32, #tpu.memory_space<vmem>>) offsets(%dma_start3A_1132 : memref<100xi32, #tpu.memory_space<vmem>>) semaphore(%dma_start3A_1137 : memref<!tpu.dma_semaphore, #tpu.memory_space<semaphore_mem>>)
      } else {
      }
      %mul3A_863 = arith.constant 8 : i32
      %mul3A_864 = arith.muli %scan3A_437, %mul3A_863 : i32
      %add3A_865 = arith.constant 5 : i32
      %add3A_866 = arith.addi %mul3A_864, %add3A_865 : i32
      %dma_wait3A_867 = arith.constant 5 : i32
      %dma_wait3A_868 = arith.constant 5 : i32
      %dma_wait3A_869 = arith.constant 0 : i32
      %dma_wait3A_870 = arith.constant 0 : i32
      %dma_wait3A_871 = tpu.memref_slice %arg6[%dma_wait3A_867, %dma_wait3A_869, %dma_wait3A_870] : memref<8x100x64xf32, #tpu.memory_space<vmem>> -> memref<1x100x64xf32, #tpu.memory_space<vmem>>
      %dma_wait3A_872 = tpu.memref_squeeze %dma_wait3A_871 : memref<1x100x64xf32, #tpu.memory_space<vmem>> -> memref<100x64xf32, #tpu.memory_space<vmem>>
      %dma_wait3A_873 = arith.constant 0 : i32
      %dma_wait3A_874 = tpu.memref_slice %arg5[%add3A_866, %dma_wait3A_873] : memref<256x100xi32, #tpu.memory_space<vmem>> -> memref<1x100xi32, #tpu.memory_space<vmem>>
      %dma_wait3A_875 = tpu.memref_squeeze %dma_wait3A_874 : memref<1x100xi32, #tpu.memory_space<vmem>> -> memref<100xi32, #tpu.memory_space<vmem>>
      %dma_wait3A_876 = arith.constant 0 : i32
      %dma_wait3A_877 = arith.constant 0 : i32
      %dma_wait3A_878 = tpu.memref_slice %arg3[%dma_wait3A_876, %dma_wait3A_877] : memref<1000000x64xf32, #tpu.memory_space<hbm>> -> memref<1000000x64xf32, #tpu.memory_space<hbm>>
      %dma_wait3A_879 = tpu.memref_slice %arg7[%dma_wait3A_868] : memref<8x!tpu.dma_semaphore, #tpu.memory_space<semaphore_mem>> -> memref<1x!tpu.dma_semaphore, #tpu.memory_space<semaphore_mem>>
      %dma_wait3A_880 = tpu.memref_squeeze %dma_wait3A_879 : memref<1x!tpu.dma_semaphore, #tpu.memory_space<semaphore_mem>> -> memref<!tpu.dma_semaphore, #tpu.memory_space<semaphore_mem>>
      tpu.wait_indirect_dma semaphore(%dma_wait3A_880 : memref<!tpu.dma_semaphore, #tpu.memory_space<semaphore_mem>>) src(%dma_wait3A_878 : memref<1000000x64xf32, #tpu.memory_space<hbm>>) dst(%dma_wait3A_872 : memref<100x64xf32, #tpu.memory_space<vmem>>)
      %mul3A_881 = arith.constant 2 : i32
      %mul3A_882 = arith.muli %add3A_866, %mul3A_881 : i32
      %add3A_883 = arith.addi %mul3A_4, %mul3A_882 : i32
      %add3A_884 = arith.constant 0 : i32
      %add3A_885 = arith.addi %add3A_883, %add3A_884 : i32
      %add3A_886 = arith.constant 1 : i32
      %add3A_887 = arith.addi %add3A_883, %add3A_886 : i32
      %dma_start3A_888 = arith.constant 5 : i32
      %dma_start3A_889 = arith.constant 5 : i32
      %dma_start3A_890 = arith.constant 0 : i32
      %dma_start3A_891 = arith.constant 0 : i32
      %dma_start3A_892 = tpu.memref_slice %arg6[%dma_start3A_888, %dma_start3A_890, %dma_start3A_891] : memref<8x100x64xf32, #tpu.memory_space<vmem>> -> memref<1x50x64xf32, #tpu.memory_space<vmem>>
      %dma_start3A_893 = tpu.memref_squeeze %dma_start3A_892 : memref<1x50x64xf32, #tpu.memory_space<vmem>> -> memref<50x64xf32, #tpu.memory_space<vmem>>
      %dma_start3A_894 = arith.constant 0 : i32
      %dma_start3A_895 = arith.constant 0 : i32
      %dma_start3A_896 = tpu.memref_slice %arg4[%add3A_885, %dma_start3A_894, %dma_start3A_895] : memref<16384x50x64xf32, #tpu.memory_space<hbm>> -> memref<1x50x64xf32, #tpu.memory_space<hbm>>
      %dma_start3A_897 = tpu.memref_squeeze %dma_start3A_896 : memref<1x50x64xf32, #tpu.memory_space<hbm>> -> memref<50x64xf32, #tpu.memory_space<hbm>>
      %dma_start3A_898 = tpu.memref_slice %arg8[%dma_start3A_889] : memref<8x!tpu.dma_semaphore, #tpu.memory_space<semaphore_mem>> -> memref<1x!tpu.dma_semaphore, #tpu.memory_space<semaphore_mem>>
      %dma_start3A_899 = tpu.memref_squeeze %dma_start3A_898 : memref<1x!tpu.dma_semaphore, #tpu.memory_space<semaphore_mem>> -> memref<!tpu.dma_semaphore, #tpu.memory_space<semaphore_mem>>
      %dma_start3A_900 = arith.constant 0 : i32
      %dma_start3A_901 = arith.constant 0 : i32
      %dma_start3A_902 = tpu.memref_slice %arg4[%add3A_885, %dma_start3A_900, %dma_start3A_901] : memref<16384x50x64xf32, #tpu.memory_space<hbm>> -> memref<1x50x64xf32, #tpu.memory_space<hbm>>
      %dma_start3A_903 = tpu.memref_squeeze %dma_start3A_902 : memref<1x50x64xf32, #tpu.memory_space<hbm>> -> memref<50x64xf32, #tpu.memory_space<hbm>>
      %dma_start3A_904 = arith.constant 0 : i32
      %dma_start3A_905 = arith.constant 0 : i32
      %dma_start3A_906 = tpu.memref_slice %arg6[%dma_start3A_888, %dma_start3A_904, %dma_start3A_905] : memref<8x100x64xf32, #tpu.memory_space<vmem>> -> memref<1x50x64xf32, #tpu.memory_space<vmem>>
      %dma_start3A_907 = tpu.memref_squeeze %dma_start3A_906 : memref<1x50x64xf32, #tpu.memory_space<vmem>> -> memref<50x64xf32, #tpu.memory_space<vmem>>
      tpu.enqueue_dma source(%dma_start3A_907 : memref<50x64xf32, #tpu.memory_space<vmem>>) target(%dma_start3A_903 : memref<50x64xf32, #tpu.memory_space<hbm>>) target_semaphore(%dma_start3A_899 : memref<!tpu.dma_semaphore, #tpu.memory_space<semaphore_mem>>)
      %dma_start3A_908 = arith.constant 5 : i32
      %dma_start3A_909 = arith.constant 5 : i32
      %dma_start3A_910 = arith.constant 50 : i32
      %dma_start3A_911 = arith.constant 0 : i32
      %dma_start3A_912 = tpu.memref_slice %arg6[%dma_start3A_908, %dma_start3A_910, %dma_start3A_911] : memref<8x100x64xf32, #tpu.memory_space<vmem>> -> memref<1x50x64xf32, #tpu.memory_space<vmem>>
      %dma_start3A_913 = tpu.memref_squeeze %dma_start3A_912 : memref<1x50x64xf32, #tpu.memory_space<vmem>> -> memref<50x64xf32, #tpu.memory_space<vmem>>
      %dma_start3A_914 = arith.constant 0 : i32
      %dma_start3A_915 = arith.constant 0 : i32
      %dma_start3A_916 = tpu.memref_slice %arg4[%add3A_887, %dma_start3A_914, %dma_start3A_915] : memref<16384x50x64xf32, #tpu.memory_space<hbm>> -> memref<1x50x64xf32, #tpu.memory_space<hbm>>
      %dma_start3A_917 = tpu.memref_squeeze %dma_start3A_916 : memref<1x50x64xf32, #tpu.memory_space<hbm>> -> memref<50x64xf32, #tpu.memory_space<hbm>>
      %dma_start3A_918 = tpu.memref_slice %arg8[%dma_start3A_909] : memref<8x!tpu.dma_semaphore, #tpu.memory_space<semaphore_mem>> -> memref<1x!tpu.dma_semaphore, #tpu.memory_space<semaphore_mem>>
      %dma_start3A_919 = tpu.memref_squeeze %dma_start3A_918 : memref<1x!tpu.dma_semaphore, #tpu.memory_space<semaphore_mem>> -> memref<!tpu.dma_semaphore, #tpu.memory_space<semaphore_mem>>
      %dma_start3A_920 = arith.constant 0 : i32
      %dma_start3A_921 = arith.constant 0 : i32
      %dma_start3A_922 = tpu.memref_slice %arg4[%add3A_887, %dma_start3A_920, %dma_start3A_921] : memref<16384x50x64xf32, #tpu.memory_space<hbm>> -> memref<1x50x64xf32, #tpu.memory_space<hbm>>
      %dma_start3A_923 = tpu.memref_squeeze %dma_start3A_922 : memref<1x50x64xf32, #tpu.memory_space<hbm>> -> memref<50x64xf32, #tpu.memory_space<hbm>>
      %dma_start3A_924 = arith.constant 50 : i32
      %dma_start3A_925 = arith.constant 0 : i32
      %dma_start3A_926 = tpu.memref_slice %arg6[%dma_start3A_908, %dma_start3A_924, %dma_start3A_925] : memref<8x100x64xf32, #tpu.memory_space<vmem>> -> memref<1x50x64xf32, #tpu.memory_space<vmem>>
      %dma_start3A_927 = tpu.memref_squeeze %dma_start3A_926 : memref<1x50x64xf32, #tpu.memory_space<vmem>> -> memref<50x64xf32, #tpu.memory_space<vmem>>
      tpu.enqueue_dma source(%dma_start3A_927 : memref<50x64xf32, #tpu.memory_space<vmem>>) target(%dma_start3A_923 : memref<50x64xf32, #tpu.memory_space<hbm>>) target_semaphore(%dma_start3A_919 : memref<!tpu.dma_semaphore, #tpu.memory_space<semaphore_mem>>)
      %add3A_928 = arith.constant 4 : i32
      %add3A_929 = arith.addi %add3A_866, %add3A_928 : i32
      %lt3A_930 = arith.constant 256 : i32
      %lt3A_931 = arith.cmpi slt, %add3A_929, %lt3A_930 : i32
      %add3A_932 = arith.constant 4 : i32
      %add3A_933 = arith.addi %add3A_866, %add3A_932 : i32
      %sub3A_934 = arith.constant 8 : i32
      %sub3A_935 = arith.subi %add3A_933, %sub3A_934 : i32
      %ge3A_936 = arith.constant 0 : i32
      %ge3A_937 = arith.cmpi sge, %sub3A_935, %ge3A_936 : i32
      %and3A_938 = arith.andi %lt3A_931, %ge3A_937 : i1
      %convert_element_type3A_939 = arith.extui %and3A_938 : i1 to i32
      %cond3A_940 = arith.constant 0 : i32
      %cond3A_941 = arith.cmpi ne, %convert_element_type3A_939, %cond3A_940 : i32
      scf.if %cond3A_941 {
        %add3A_1122 = arith.constant 4 : i32
        %add3A_1123 = arith.addi %add3A_866, %add3A_1122 : i32
        %sub3A_1124 = arith.constant 8 : i32
        %sub3A_1125 = arith.subi %add3A_1123, %sub3A_1124 : i32
        %mul3A_1126 = arith.constant 2 : i32
        %mul3A_1127 = arith.muli %sub3A_1125, %mul3A_1126 : i32
        %add3A_1128 = arith.addi %mul3A_4, %mul3A_1127 : i32
        %add3A_1129 = arith.constant 0 : i32
        %add3A_1130 = arith.addi %add3A_1128, %add3A_1129 : i32
        %add3A_1131 = arith.constant 1 : i32
        %add3A_1132 = arith.addi %add3A_1128, %add3A_1131 : i32
        %dma_wait3A_1133 = arith.constant 1 : i32
        %dma_wait3A_1134 = arith.constant 1 : i32
        %dma_wait3A_1135 = arith.constant 0 : i32
        %dma_wait3A_1136 = arith.constant 0 : i32
        %dma_wait3A_1137 = tpu.memref_slice %arg6[%dma_wait3A_1133, %dma_wait3A_1135, %dma_wait3A_1136] : memref<8x100x64xf32, #tpu.memory_space<vmem>> -> memref<1x50x64xf32, #tpu.memory_space<vmem>>
        %dma_wait3A_1138 = tpu.memref_squeeze %dma_wait3A_1137 : memref<1x50x64xf32, #tpu.memory_space<vmem>> -> memref<50x64xf32, #tpu.memory_space<vmem>>
        %dma_wait3A_1139 = arith.constant 0 : i32
        %dma_wait3A_1140 = arith.constant 0 : i32
        %dma_wait3A_1141 = tpu.memref_slice %arg4[%add3A_1130, %dma_wait3A_1139, %dma_wait3A_1140] : memref<16384x50x64xf32, #tpu.memory_space<hbm>> -> memref<1x50x64xf32, #tpu.memory_space<hbm>>
        %dma_wait3A_1142 = tpu.memref_squeeze %dma_wait3A_1141 : memref<1x50x64xf32, #tpu.memory_space<hbm>> -> memref<50x64xf32, #tpu.memory_space<hbm>>
        %dma_wait3A_1143 = tpu.memref_slice %arg8[%dma_wait3A_1134] : memref<8x!tpu.dma_semaphore, #tpu.memory_space<semaphore_mem>> -> memref<1x!tpu.dma_semaphore, #tpu.memory_space<semaphore_mem>>
        %dma_wait3A_1144 = tpu.memref_squeeze %dma_wait3A_1143 : memref<1x!tpu.dma_semaphore, #tpu.memory_space<semaphore_mem>> -> memref<!tpu.dma_semaphore, #tpu.memory_space<semaphore_mem>>
        %dma_wait3A_1145 = arith.constant 0 : i32
        %dma_wait3A_1146 = arith.constant 0 : i32
        %dma_wait3A_1147 = tpu.memref_slice %arg4[%add3A_1130, %dma_wait3A_1145, %dma_wait3A_1146] : memref<16384x50x64xf32, #tpu.memory_space<hbm>> -> memref<1x50x64xf32, #tpu.memory_space<hbm>>
        %dma_wait3A_1148 = tpu.memref_squeeze %dma_wait3A_1147 : memref<1x50x64xf32, #tpu.memory_space<hbm>> -> memref<50x64xf32, #tpu.memory_space<hbm>>
        %dma_wait3A_1149 = arith.constant 0 : i32
        %dma_wait3A_1150 = arith.constant 0 : i32
        %dma_wait3A_1151 = tpu.memref_slice %arg6[%dma_wait3A_1133, %dma_wait3A_1149, %dma_wait3A_1150] : memref<8x100x64xf32, #tpu.memory_space<vmem>> -> memref<1x50x64xf32, #tpu.memory_space<vmem>>
        %dma_wait3A_1152 = tpu.memref_squeeze %dma_wait3A_1151 : memref<1x50x64xf32, #tpu.memory_space<vmem>> -> memref<50x64xf32, #tpu.memory_space<vmem>>
        tpu.wait_dma2 semaphore(%dma_wait3A_1144 : memref<!tpu.dma_semaphore, #tpu.memory_space<semaphore_mem>>) src(%dma_wait3A_1152 : memref<50x64xf32, #tpu.memory_space<vmem>>) dst(%dma_wait3A_1148 : memref<50x64xf32, #tpu.memory_space<hbm>>)
        %dma_wait3A_1153 = arith.constant 1 : i32
        %dma_wait3A_1154 = arith.constant 1 : i32
        %dma_wait3A_1155 = arith.constant 50 : i32
        %dma_wait3A_1156 = arith.constant 0 : i32
        %dma_wait3A_1157 = tpu.memref_slice %arg6[%dma_wait3A_1153, %dma_wait3A_1155, %dma_wait3A_1156] : memref<8x100x64xf32, #tpu.memory_space<vmem>> -> memref<1x50x64xf32, #tpu.memory_space<vmem>>
        %dma_wait3A_1158 = tpu.memref_squeeze %dma_wait3A_1157 : memref<1x50x64xf32, #tpu.memory_space<vmem>> -> memref<50x64xf32, #tpu.memory_space<vmem>>
        %dma_wait3A_1159 = arith.constant 0 : i32
        %dma_wait3A_1160 = arith.constant 0 : i32
        %dma_wait3A_1161 = tpu.memref_slice %arg4[%add3A_1132, %dma_wait3A_1159, %dma_wait3A_1160] : memref<16384x50x64xf32, #tpu.memory_space<hbm>> -> memref<1x50x64xf32, #tpu.memory_space<hbm>>
        %dma_wait3A_1162 = tpu.memref_squeeze %dma_wait3A_1161 : memref<1x50x64xf32, #tpu.memory_space<hbm>> -> memref<50x64xf32, #tpu.memory_space<hbm>>
        %dma_wait3A_1163 = tpu.memref_slice %arg8[%dma_wait3A_1154] : memref<8x!tpu.dma_semaphore, #tpu.memory_space<semaphore_mem>> -> memref<1x!tpu.dma_semaphore, #tpu.memory_space<semaphore_mem>>
        %dma_wait3A_1164 = tpu.memref_squeeze %dma_wait3A_1163 : memref<1x!tpu.dma_semaphore, #tpu.memory_space<semaphore_mem>> -> memref<!tpu.dma_semaphore, #tpu.memory_space<semaphore_mem>>
        %dma_wait3A_1165 = arith.constant 0 : i32
        %dma_wait3A_1166 = arith.constant 0 : i32
        %dma_wait3A_1167 = tpu.memref_slice %arg4[%add3A_1132, %dma_wait3A_1165, %dma_wait3A_1166] : memref<16384x50x64xf32, #tpu.memory_space<hbm>> -> memref<1x50x64xf32, #tpu.memory_space<hbm>>
        %dma_wait3A_1168 = tpu.memref_squeeze %dma_wait3A_1167 : memref<1x50x64xf32, #tpu.memory_space<hbm>> -> memref<50x64xf32, #tpu.memory_space<hbm>>
        %dma_wait3A_1169 = arith.constant 50 : i32
        %dma_wait3A_1170 = arith.constant 0 : i32
        %dma_wait3A_1171 = tpu.memref_slice %arg6[%dma_wait3A_1153, %dma_wait3A_1169, %dma_wait3A_1170] : memref<8x100x64xf32, #tpu.memory_space<vmem>> -> memref<1x50x64xf32, #tpu.memory_space<vmem>>
        %dma_wait3A_1172 = tpu.memref_squeeze %dma_wait3A_1171 : memref<1x50x64xf32, #tpu.memory_space<vmem>> -> memref<50x64xf32, #tpu.memory_space<vmem>>
        tpu.wait_dma2 semaphore(%dma_wait3A_1164 : memref<!tpu.dma_semaphore, #tpu.memory_space<semaphore_mem>>) src(%dma_wait3A_1172 : memref<50x64xf32, #tpu.memory_space<vmem>>) dst(%dma_wait3A_1168 : memref<50x64xf32, #tpu.memory_space<hbm>>)
      } else {
      }
      %add3A_942 = arith.constant 4 : i32
      %add3A_943 = arith.addi %add3A_866, %add3A_942 : i32
      %lt3A_944 = arith.constant 256 : i32
      %lt3A_945 = arith.cmpi slt, %add3A_943, %lt3A_944 : i32
      %convert_element_type3A_946 = arith.extui %lt3A_945 : i1 to i32
      %cond3A_947 = arith.constant 0 : i32
      %cond3A_948 = arith.cmpi ne, %convert_element_type3A_946, %cond3A_947 : i32
      scf.if %cond3A_948 {
        %add3A_1122 = arith.constant 4 : i32
        %add3A_1123 = arith.addi %add3A_866, %add3A_1122 : i32
        %dma_start3A_1124 = arith.constant 1 : i32
        %dma_start3A_1125 = arith.constant 1 : i32
        %dma_start3A_1126 = arith.constant 0 : i32
        %dma_start3A_1127 = arith.constant 0 : i32
        %dma_start3A_1128 = tpu.memref_slice %arg6[%dma_start3A_1124, %dma_start3A_1126, %dma_start3A_1127] : memref<8x100x64xf32, #tpu.memory_space<vmem>> -> memref<1x100x64xf32, #tpu.memory_space<vmem>>
        %dma_start3A_1129 = tpu.memref_squeeze %dma_start3A_1128 : memref<1x100x64xf32, #tpu.memory_space<vmem>> -> memref<100x64xf32, #tpu.memory_space<vmem>>
        %dma_start3A_1130 = arith.constant 0 : i32
        %dma_start3A_1131 = tpu.memref_slice %arg5[%add3A_1123, %dma_start3A_1130] : memref<256x100xi32, #tpu.memory_space<vmem>> -> memref<1x100xi32, #tpu.memory_space<vmem>>
        %dma_start3A_1132 = tpu.memref_squeeze %dma_start3A_1131 : memref<1x100xi32, #tpu.memory_space<vmem>> -> memref<100xi32, #tpu.memory_space<vmem>>
        %dma_start3A_1133 = arith.constant 0 : i32
        %dma_start3A_1134 = arith.constant 0 : i32
        %dma_start3A_1135 = tpu.memref_slice %arg3[%dma_start3A_1133, %dma_start3A_1134] : memref<1000000x64xf32, #tpu.memory_space<hbm>> -> memref<1000000x64xf32, #tpu.memory_space<hbm>>
        %dma_start3A_1136 = tpu.memref_slice %arg7[%dma_start3A_1125] : memref<8x!tpu.dma_semaphore, #tpu.memory_space<semaphore_mem>> -> memref<1x!tpu.dma_semaphore, #tpu.memory_space<semaphore_mem>>
        %dma_start3A_1137 = tpu.memref_squeeze %dma_start3A_1136 : memref<1x!tpu.dma_semaphore, #tpu.memory_space<semaphore_mem>> -> memref<!tpu.dma_semaphore, #tpu.memory_space<semaphore_mem>>
        tpu.enqueue_indirect_dma source(%dma_start3A_1135 : memref<1000000x64xf32, #tpu.memory_space<hbm>>) target(%dma_start3A_1129 : memref<100x64xf32, #tpu.memory_space<vmem>>) offsets(%dma_start3A_1132 : memref<100xi32, #tpu.memory_space<vmem>>) semaphore(%dma_start3A_1137 : memref<!tpu.dma_semaphore, #tpu.memory_space<semaphore_mem>>)
      } else {
      }
      %mul3A_949 = arith.constant 8 : i32
      %mul3A_950 = arith.muli %scan3A_437, %mul3A_949 : i32
      %add3A_951 = arith.constant 6 : i32
      %add3A_952 = arith.addi %mul3A_950, %add3A_951 : i32
      %dma_wait3A_953 = arith.constant 6 : i32
      %dma_wait3A_954 = arith.constant 6 : i32
      %dma_wait3A_955 = arith.constant 0 : i32
      %dma_wait3A_956 = arith.constant 0 : i32
      %dma_wait3A_957 = tpu.memref_slice %arg6[%dma_wait3A_953, %dma_wait3A_955, %dma_wait3A_956] : memref<8x100x64xf32, #tpu.memory_space<vmem>> -> memref<1x100x64xf32, #tpu.memory_space<vmem>>
      %dma_wait3A_958 = tpu.memref_squeeze %dma_wait3A_957 : memref<1x100x64xf32, #tpu.memory_space<vmem>> -> memref<100x64xf32, #tpu.memory_space<vmem>>
      %dma_wait3A_959 = arith.constant 0 : i32
      %dma_wait3A_960 = tpu.memref_slice %arg5[%add3A_952, %dma_wait3A_959] : memref<256x100xi32, #tpu.memory_space<vmem>> -> memref<1x100xi32, #tpu.memory_space<vmem>>
      %dma_wait3A_961 = tpu.memref_squeeze %dma_wait3A_960 : memref<1x100xi32, #tpu.memory_space<vmem>> -> memref<100xi32, #tpu.memory_space<vmem>>
      %dma_wait3A_962 = arith.constant 0 : i32
      %dma_wait3A_963 = arith.constant 0 : i32
      %dma_wait3A_964 = tpu.memref_slice %arg3[%dma_wait3A_962, %dma_wait3A_963] : memref<1000000x64xf32, #tpu.memory_space<hbm>> -> memref<1000000x64xf32, #tpu.memory_space<hbm>>
      %dma_wait3A_965 = tpu.memref_slice %arg7[%dma_wait3A_954] : memref<8x!tpu.dma_semaphore, #tpu.memory_space<semaphore_mem>> -> memref<1x!tpu.dma_semaphore, #tpu.memory_space<semaphore_mem>>
      %dma_wait3A_966 = tpu.memref_squeeze %dma_wait3A_965 : memref<1x!tpu.dma_semaphore, #tpu.memory_space<semaphore_mem>> -> memref<!tpu.dma_semaphore, #tpu.memory_space<semaphore_mem>>
      tpu.wait_indirect_dma semaphore(%dma_wait3A_966 : memref<!tpu.dma_semaphore, #tpu.memory_space<semaphore_mem>>) src(%dma_wait3A_964 : memref<1000000x64xf32, #tpu.memory_space<hbm>>) dst(%dma_wait3A_958 : memref<100x64xf32, #tpu.memory_space<vmem>>)
      %mul3A_967 = arith.constant 2 : i32
      %mul3A_968 = arith.muli %add3A_952, %mul3A_967 : i32
      %add3A_969 = arith.addi %mul3A_4, %mul3A_968 : i32
      %add3A_970 = arith.constant 0 : i32
      %add3A_971 = arith.addi %add3A_969, %add3A_970 : i32
      %add3A_972 = arith.constant 1 : i32
      %add3A_973 = arith.addi %add3A_969, %add3A_972 : i32
      %dma_start3A_974 = arith.constant 6 : i32
      %dma_start3A_975 = arith.constant 6 : i32
      %dma_start3A_976 = arith.constant 0 : i32
      %dma_start3A_977 = arith.constant 0 : i32
      %dma_start3A_978 = tpu.memref_slice %arg6[%dma_start3A_974, %dma_start3A_976, %dma_start3A_977] : memref<8x100x64xf32, #tpu.memory_space<vmem>> -> memref<1x50x64xf32, #tpu.memory_space<vmem>>
      %dma_start3A_979 = tpu.memref_squeeze %dma_start3A_978 : memref<1x50x64xf32, #tpu.memory_space<vmem>> -> memref<50x64xf32, #tpu.memory_space<vmem>>
      %dma_start3A_980 = arith.constant 0 : i32
      %dma_start3A_981 = arith.constant 0 : i32
      %dma_start3A_982 = tpu.memref_slice %arg4[%add3A_971, %dma_start3A_980, %dma_start3A_981] : memref<16384x50x64xf32, #tpu.memory_space<hbm>> -> memref<1x50x64xf32, #tpu.memory_space<hbm>>
      %dma_start3A_983 = tpu.memref_squeeze %dma_start3A_982 : memref<1x50x64xf32, #tpu.memory_space<hbm>> -> memref<50x64xf32, #tpu.memory_space<hbm>>
      %dma_start3A_984 = tpu.memref_slice %arg8[%dma_start3A_975] : memref<8x!tpu.dma_semaphore, #tpu.memory_space<semaphore_mem>> -> memref<1x!tpu.dma_semaphore, #tpu.memory_space<semaphore_mem>>
      %dma_start3A_985 = tpu.memref_squeeze %dma_start3A_984 : memref<1x!tpu.dma_semaphore, #tpu.memory_space<semaphore_mem>> -> memref<!tpu.dma_semaphore, #tpu.memory_space<semaphore_mem>>
      %dma_start3A_986 = arith.constant 0 : i32
      %dma_start3A_987 = arith.constant 0 : i32
      %dma_start3A_988 = tpu.memref_slice %arg4[%add3A_971, %dma_start3A_986, %dma_start3A_987] : memref<16384x50x64xf32, #tpu.memory_space<hbm>> -> memref<1x50x64xf32, #tpu.memory_space<hbm>>
      %dma_start3A_989 = tpu.memref_squeeze %dma_start3A_988 : memref<1x50x64xf32, #tpu.memory_space<hbm>> -> memref<50x64xf32, #tpu.memory_space<hbm>>
      %dma_start3A_990 = arith.constant 0 : i32
      %dma_start3A_991 = arith.constant 0 : i32
      %dma_start3A_992 = tpu.memref_slice %arg6[%dma_start3A_974, %dma_start3A_990, %dma_start3A_991] : memref<8x100x64xf32, #tpu.memory_space<vmem>> -> memref<1x50x64xf32, #tpu.memory_space<vmem>>
      %dma_start3A_993 = tpu.memref_squeeze %dma_start3A_992 : memref<1x50x64xf32, #tpu.memory_space<vmem>> -> memref<50x64xf32, #tpu.memory_space<vmem>>
      tpu.enqueue_dma source(%dma_start3A_993 : memref<50x64xf32, #tpu.memory_space<vmem>>) target(%dma_start3A_989 : memref<50x64xf32, #tpu.memory_space<hbm>>) target_semaphore(%dma_start3A_985 : memref<!tpu.dma_semaphore, #tpu.memory_space<semaphore_mem>>)
      %dma_start3A_994 = arith.constant 6 : i32
      %dma_start3A_995 = arith.constant 6 : i32
      %dma_start3A_996 = arith.constant 50 : i32
      %dma_start3A_997 = arith.constant 0 : i32
      %dma_start3A_998 = tpu.memref_slice %arg6[%dma_start3A_994, %dma_start3A_996, %dma_start3A_997] : memref<8x100x64xf32, #tpu.memory_space<vmem>> -> memref<1x50x64xf32, #tpu.memory_space<vmem>>
      %dma_start3A_999 = tpu.memref_squeeze %dma_start3A_998 : memref<1x50x64xf32, #tpu.memory_space<vmem>> -> memref<50x64xf32, #tpu.memory_space<vmem>>
      %dma_start3A_1000 = arith.constant 0 : i32
      %dma_start3A_1001 = arith.constant 0 : i32
      %dma_start3A_1002 = tpu.memref_slice %arg4[%add3A_973, %dma_start3A_1000, %dma_start3A_1001] : memref<16384x50x64xf32, #tpu.memory_space<hbm>> -> memref<1x50x64xf32, #tpu.memory_space<hbm>>
      %dma_start3A_1003 = tpu.memref_squeeze %dma_start3A_1002 : memref<1x50x64xf32, #tpu.memory_space<hbm>> -> memref<50x64xf32, #tpu.memory_space<hbm>>
      %dma_start3A_1004 = tpu.memref_slice %arg8[%dma_start3A_995] : memref<8x!tpu.dma_semaphore, #tpu.memory_space<semaphore_mem>> -> memref<1x!tpu.dma_semaphore, #tpu.memory_space<semaphore_mem>>
      %dma_start3A_1005 = tpu.memref_squeeze %dma_start3A_1004 : memref<1x!tpu.dma_semaphore, #tpu.memory_space<semaphore_mem>> -> memref<!tpu.dma_semaphore, #tpu.memory_space<semaphore_mem>>
      %dma_start3A_1006 = arith.constant 0 : i32
      %dma_start3A_1007 = arith.constant 0 : i32
      %dma_start3A_1008 = tpu.memref_slice %arg4[%add3A_973, %dma_start3A_1006, %dma_start3A_1007] : memref<16384x50x64xf32, #tpu.memory_space<hbm>> -> memref<1x50x64xf32, #tpu.memory_space<hbm>>
      %dma_start3A_1009 = tpu.memref_squeeze %dma_start3A_1008 : memref<1x50x64xf32, #tpu.memory_space<hbm>> -> memref<50x64xf32, #tpu.memory_space<hbm>>
      %dma_start3A_1010 = arith.constant 50 : i32
      %dma_start3A_1011 = arith.constant 0 : i32
      %dma_start3A_1012 = tpu.memref_slice %arg6[%dma_start3A_994, %dma_start3A_1010, %dma_start3A_1011] : memref<8x100x64xf32, #tpu.memory_space<vmem>> -> memref<1x50x64xf32, #tpu.memory_space<vmem>>
      %dma_start3A_1013 = tpu.memref_squeeze %dma_start3A_1012 : memref<1x50x64xf32, #tpu.memory_space<vmem>> -> memref<50x64xf32, #tpu.memory_space<vmem>>
      tpu.enqueue_dma source(%dma_start3A_1013 : memref<50x64xf32, #tpu.memory_space<vmem>>) target(%dma_start3A_1009 : memref<50x64xf32, #tpu.memory_space<hbm>>) target_semaphore(%dma_start3A_1005 : memref<!tpu.dma_semaphore, #tpu.memory_space<semaphore_mem>>)
      %add3A_1014 = arith.constant 4 : i32
      %add3A_1015 = arith.addi %add3A_952, %add3A_1014 : i32
      %lt3A_1016 = arith.constant 256 : i32
      %lt3A_1017 = arith.cmpi slt, %add3A_1015, %lt3A_1016 : i32
      %add3A_1018 = arith.constant 4 : i32
      %add3A_1019 = arith.addi %add3A_952, %add3A_1018 : i32
      %sub3A_1020 = arith.constant 8 : i32
      %sub3A_1021 = arith.subi %add3A_1019, %sub3A_1020 : i32
      %ge3A_1022 = arith.constant 0 : i32
      %ge3A_1023 = arith.cmpi sge, %sub3A_1021, %ge3A_1022 : i32
      %and3A_1024 = arith.andi %lt3A_1017, %ge3A_1023 : i1
      %convert_element_type3A_1025 = arith.extui %and3A_1024 : i1 to i32
      %cond3A_1026 = arith.constant 0 : i32
      %cond3A_1027 = arith.cmpi ne, %convert_element_type3A_1025, %cond3A_1026 : i32
      scf.if %cond3A_1027 {
        %add3A_1122 = arith.constant 4 : i32
        %add3A_1123 = arith.addi %add3A_952, %add3A_1122 : i32
        %sub3A_1124 = arith.constant 8 : i32
        %sub3A_1125 = arith.subi %add3A_1123, %sub3A_1124 : i32
        %mul3A_1126 = arith.constant 2 : i32
        %mul3A_1127 = arith.muli %sub3A_1125, %mul3A_1126 : i32
        %add3A_1128 = arith.addi %mul3A_4, %mul3A_1127 : i32
        %add3A_1129 = arith.constant 0 : i32
        %add3A_1130 = arith.addi %add3A_1128, %add3A_1129 : i32
        %add3A_1131 = arith.constant 1 : i32
        %add3A_1132 = arith.addi %add3A_1128, %add3A_1131 : i32
        %dma_wait3A_1133 = arith.constant 2 : i32
        %dma_wait3A_1134 = arith.constant 2 : i32
        %dma_wait3A_1135 = arith.constant 0 : i32
        %dma_wait3A_1136 = arith.constant 0 : i32
        %dma_wait3A_1137 = tpu.memref_slice %arg6[%dma_wait3A_1133, %dma_wait3A_1135, %dma_wait3A_1136] : memref<8x100x64xf32, #tpu.memory_space<vmem>> -> memref<1x50x64xf32, #tpu.memory_space<vmem>>
        %dma_wait3A_1138 = tpu.memref_squeeze %dma_wait3A_1137 : memref<1x50x64xf32, #tpu.memory_space<vmem>> -> memref<50x64xf32, #tpu.memory_space<vmem>>
        %dma_wait3A_1139 = arith.constant 0 : i32
        %dma_wait3A_1140 = arith.constant 0 : i32
        %dma_wait3A_1141 = tpu.memref_slice %arg4[%add3A_1130, %dma_wait3A_1139, %dma_wait3A_1140] : memref<16384x50x64xf32, #tpu.memory_space<hbm>> -> memref<1x50x64xf32, #tpu.memory_space<hbm>>
        %dma_wait3A_1142 = tpu.memref_squeeze %dma_wait3A_1141 : memref<1x50x64xf32, #tpu.memory_space<hbm>> -> memref<50x64xf32, #tpu.memory_space<hbm>>
        %dma_wait3A_1143 = tpu.memref_slice %arg8[%dma_wait3A_1134] : memref<8x!tpu.dma_semaphore, #tpu.memory_space<semaphore_mem>> -> memref<1x!tpu.dma_semaphore, #tpu.memory_space<semaphore_mem>>
        %dma_wait3A_1144 = tpu.memref_squeeze %dma_wait3A_1143 : memref<1x!tpu.dma_semaphore, #tpu.memory_space<semaphore_mem>> -> memref<!tpu.dma_semaphore, #tpu.memory_space<semaphore_mem>>
        %dma_wait3A_1145 = arith.constant 0 : i32
        %dma_wait3A_1146 = arith.constant 0 : i32
        %dma_wait3A_1147 = tpu.memref_slice %arg4[%add3A_1130, %dma_wait3A_1145, %dma_wait3A_1146] : memref<16384x50x64xf32, #tpu.memory_space<hbm>> -> memref<1x50x64xf32, #tpu.memory_space<hbm>>
        %dma_wait3A_1148 = tpu.memref_squeeze %dma_wait3A_1147 : memref<1x50x64xf32, #tpu.memory_space<hbm>> -> memref<50x64xf32, #tpu.memory_space<hbm>>
        %dma_wait3A_1149 = arith.constant 0 : i32
        %dma_wait3A_1150 = arith.constant 0 : i32
        %dma_wait3A_1151 = tpu.memref_slice %arg6[%dma_wait3A_1133, %dma_wait3A_1149, %dma_wait3A_1150] : memref<8x100x64xf32, #tpu.memory_space<vmem>> -> memref<1x50x64xf32, #tpu.memory_space<vmem>>
        %dma_wait3A_1152 = tpu.memref_squeeze %dma_wait3A_1151 : memref<1x50x64xf32, #tpu.memory_space<vmem>> -> memref<50x64xf32, #tpu.memory_space<vmem>>
        tpu.wait_dma2 semaphore(%dma_wait3A_1144 : memref<!tpu.dma_semaphore, #tpu.memory_space<semaphore_mem>>) src(%dma_wait3A_1152 : memref<50x64xf32, #tpu.memory_space<vmem>>) dst(%dma_wait3A_1148 : memref<50x64xf32, #tpu.memory_space<hbm>>)
        %dma_wait3A_1153 = arith.constant 2 : i32
        %dma_wait3A_1154 = arith.constant 2 : i32
        %dma_wait3A_1155 = arith.constant 50 : i32
        %dma_wait3A_1156 = arith.constant 0 : i32
        %dma_wait3A_1157 = tpu.memref_slice %arg6[%dma_wait3A_1153, %dma_wait3A_1155, %dma_wait3A_1156] : memref<8x100x64xf32, #tpu.memory_space<vmem>> -> memref<1x50x64xf32, #tpu.memory_space<vmem>>
        %dma_wait3A_1158 = tpu.memref_squeeze %dma_wait3A_1157 : memref<1x50x64xf32, #tpu.memory_space<vmem>> -> memref<50x64xf32, #tpu.memory_space<vmem>>
        %dma_wait3A_1159 = arith.constant 0 : i32
        %dma_wait3A_1160 = arith.constant 0 : i32
        %dma_wait3A_1161 = tpu.memref_slice %arg4[%add3A_1132, %dma_wait3A_1159, %dma_wait3A_1160] : memref<16384x50x64xf32, #tpu.memory_space<hbm>> -> memref<1x50x64xf32, #tpu.memory_space<hbm>>
        %dma_wait3A_1162 = tpu.memref_squeeze %dma_wait3A_1161 : memref<1x50x64xf32, #tpu.memory_space<hbm>> -> memref<50x64xf32, #tpu.memory_space<hbm>>
        %dma_wait3A_1163 = tpu.memref_slice %arg8[%dma_wait3A_1154] : memref<8x!tpu.dma_semaphore, #tpu.memory_space<semaphore_mem>> -> memref<1x!tpu.dma_semaphore, #tpu.memory_space<semaphore_mem>>
        %dma_wait3A_1164 = tpu.memref_squeeze %dma_wait3A_1163 : memref<1x!tpu.dma_semaphore, #tpu.memory_space<semaphore_mem>> -> memref<!tpu.dma_semaphore, #tpu.memory_space<semaphore_mem>>
        %dma_wait3A_1165 = arith.constant 0 : i32
        %dma_wait3A_1166 = arith.constant 0 : i32
        %dma_wait3A_1167 = tpu.memref_slice %arg4[%add3A_1132, %dma_wait3A_1165, %dma_wait3A_1166] : memref<16384x50x64xf32, #tpu.memory_space<hbm>> -> memref<1x50x64xf32, #tpu.memory_space<hbm>>
        %dma_wait3A_1168 = tpu.memref_squeeze %dma_wait3A_1167 : memref<1x50x64xf32, #tpu.memory_space<hbm>> -> memref<50x64xf32, #tpu.memory_space<hbm>>
        %dma_wait3A_1169 = arith.constant 50 : i32
        %dma_wait3A_1170 = arith.constant 0 : i32
        %dma_wait3A_1171 = tpu.memref_slice %arg6[%dma_wait3A_1153, %dma_wait3A_1169, %dma_wait3A_1170] : memref<8x100x64xf32, #tpu.memory_space<vmem>> -> memref<1x50x64xf32, #tpu.memory_space<vmem>>
        %dma_wait3A_1172 = tpu.memref_squeeze %dma_wait3A_1171 : memref<1x50x64xf32, #tpu.memory_space<vmem>> -> memref<50x64xf32, #tpu.memory_space<vmem>>
        tpu.wait_dma2 semaphore(%dma_wait3A_1164 : memref<!tpu.dma_semaphore, #tpu.memory_space<semaphore_mem>>) src(%dma_wait3A_1172 : memref<50x64xf32, #tpu.memory_space<vmem>>) dst(%dma_wait3A_1168 : memref<50x64xf32, #tpu.memory_space<hbm>>)
      } else {
      }
      %add3A_1028 = arith.constant 4 : i32
      %add3A_1029 = arith.addi %add3A_952, %add3A_1028 : i32
      %lt3A_1030 = arith.constant 256 : i32
      %lt3A_1031 = arith.cmpi slt, %add3A_1029, %lt3A_1030 : i32
      %convert_element_type3A_1032 = arith.extui %lt3A_1031 : i1 to i32
      %cond3A_1033 = arith.constant 0 : i32
      %cond3A_1034 = arith.cmpi ne, %convert_element_type3A_1032, %cond3A_1033 : i32
      scf.if %cond3A_1034 {
        %add3A_1122 = arith.constant 4 : i32
        %add3A_1123 = arith.addi %add3A_952, %add3A_1122 : i32
        %dma_start3A_1124 = arith.constant 2 : i32
        %dma_start3A_1125 = arith.constant 2 : i32
        %dma_start3A_1126 = arith.constant 0 : i32
        %dma_start3A_1127 = arith.constant 0 : i32
        %dma_start3A_1128 = tpu.memref_slice %arg6[%dma_start3A_1124, %dma_start3A_1126, %dma_start3A_1127] : memref<8x100x64xf32, #tpu.memory_space<vmem>> -> memref<1x100x64xf32, #tpu.memory_space<vmem>>
        %dma_start3A_1129 = tpu.memref_squeeze %dma_start3A_1128 : memref<1x100x64xf32, #tpu.memory_space<vmem>> -> memref<100x64xf32, #tpu.memory_space<vmem>>
        %dma_start3A_1130 = arith.constant 0 : i32
        %dma_start3A_1131 = tpu.memref_slice %arg5[%add3A_1123, %dma_start3A_1130] : memref<256x100xi32, #tpu.memory_space<vmem>> -> memref<1x100xi32, #tpu.memory_space<vmem>>
        %dma_start3A_1132 = tpu.memref_squeeze %dma_start3A_1131 : memref<1x100xi32, #tpu.memory_space<vmem>> -> memref<100xi32, #tpu.memory_space<vmem>>
        %dma_start3A_1133 = arith.constant 0 : i32
        %dma_start3A_1134 = arith.constant 0 : i32
        %dma_start3A_1135 = tpu.memref_slice %arg3[%dma_start3A_1133, %dma_start3A_1134] : memref<1000000x64xf32, #tpu.memory_space<hbm>> -> memref<1000000x64xf32, #tpu.memory_space<hbm>>
        %dma_start3A_1136 = tpu.memref_slice %arg7[%dma_start3A_1125] : memref<8x!tpu.dma_semaphore, #tpu.memory_space<semaphore_mem>> -> memref<1x!tpu.dma_semaphore, #tpu.memory_space<semaphore_mem>>
        %dma_start3A_1137 = tpu.memref_squeeze %dma_start3A_1136 : memref<1x!tpu.dma_semaphore, #tpu.memory_space<semaphore_mem>> -> memref<!tpu.dma_semaphore, #tpu.memory_space<semaphore_mem>>
        tpu.enqueue_indirect_dma source(%dma_start3A_1135 : memref<1000000x64xf32, #tpu.memory_space<hbm>>) target(%dma_start3A_1129 : memref<100x64xf32, #tpu.memory_space<vmem>>) offsets(%dma_start3A_1132 : memref<100xi32, #tpu.memory_space<vmem>>) semaphore(%dma_start3A_1137 : memref<!tpu.dma_semaphore, #tpu.memory_space<semaphore_mem>>)
      } else {
      }
      %mul3A_1035 = arith.constant 8 : i32
      %mul3A_1036 = arith.muli %scan3A_437, %mul3A_1035 : i32
      %add3A_1037 = arith.constant 7 : i32
      %add3A_1038 = arith.addi %mul3A_1036, %add3A_1037 : i32
      %dma_wait3A_1039 = arith.constant 7 : i32
      %dma_wait3A_1040 = arith.constant 7 : i32
      %dma_wait3A_1041 = arith.constant 0 : i32
      %dma_wait3A_1042 = arith.constant 0 : i32
      %dma_wait3A_1043 = tpu.memref_slice %arg6[%dma_wait3A_1039, %dma_wait3A_1041, %dma_wait3A_1042] : memref<8x100x64xf32, #tpu.memory_space<vmem>> -> memref<1x100x64xf32, #tpu.memory_space<vmem>>
      %dma_wait3A_1044 = tpu.memref_squeeze %dma_wait3A_1043 : memref<1x100x64xf32, #tpu.memory_space<vmem>> -> memref<100x64xf32, #tpu.memory_space<vmem>>
      %dma_wait3A_1045 = arith.constant 0 : i32
      %dma_wait3A_1046 = tpu.memref_slice %arg5[%add3A_1038, %dma_wait3A_1045] : memref<256x100xi32, #tpu.memory_space<vmem>> -> memref<1x100xi32, #tpu.memory_space<vmem>>
      %dma_wait3A_1047 = tpu.memref_squeeze %dma_wait3A_1046 : memref<1x100xi32, #tpu.memory_space<vmem>> -> memref<100xi32, #tpu.memory_space<vmem>>
      %dma_wait3A_1048 = arith.constant 0 : i32
      %dma_wait3A_1049 = arith.constant 0 : i32
      %dma_wait3A_1050 = tpu.memref_slice %arg3[%dma_wait3A_1048, %dma_wait3A_1049] : memref<1000000x64xf32, #tpu.memory_space<hbm>> -> memref<1000000x64xf32, #tpu.memory_space<hbm>>
      %dma_wait3A_1051 = tpu.memref_slice %arg7[%dma_wait3A_1040] : memref<8x!tpu.dma_semaphore, #tpu.memory_space<semaphore_mem>> -> memref<1x!tpu.dma_semaphore, #tpu.memory_space<semaphore_mem>>
      %dma_wait3A_1052 = tpu.memref_squeeze %dma_wait3A_1051 : memref<1x!tpu.dma_semaphore, #tpu.memory_space<semaphore_mem>> -> memref<!tpu.dma_semaphore, #tpu.memory_space<semaphore_mem>>
      tpu.wait_indirect_dma semaphore(%dma_wait3A_1052 : memref<!tpu.dma_semaphore, #tpu.memory_space<semaphore_mem>>) src(%dma_wait3A_1050 : memref<1000000x64xf32, #tpu.memory_space<hbm>>) dst(%dma_wait3A_1044 : memref<100x64xf32, #tpu.memory_space<vmem>>)
      %mul3A_1053 = arith.constant 2 : i32
      %mul3A_1054 = arith.muli %add3A_1038, %mul3A_1053 : i32
      %add3A_1055 = arith.addi %mul3A_4, %mul3A_1054 : i32
      %add3A_1056 = arith.constant 0 : i32
      %add3A_1057 = arith.addi %add3A_1055, %add3A_1056 : i32
      %add3A_1058 = arith.constant 1 : i32
      %add3A_1059 = arith.addi %add3A_1055, %add3A_1058 : i32
      %dma_start3A_1060 = arith.constant 7 : i32
      %dma_start3A_1061 = arith.constant 7 : i32
      %dma_start3A_1062 = arith.constant 0 : i32
      %dma_start3A_1063 = arith.constant 0 : i32
      %dma_start3A_1064 = tpu.memref_slice %arg6[%dma_start3A_1060, %dma_start3A_1062, %dma_start3A_1063] : memref<8x100x64xf32, #tpu.memory_space<vmem>> -> memref<1x50x64xf32, #tpu.memory_space<vmem>>
      %dma_start3A_1065 = tpu.memref_squeeze %dma_start3A_1064 : memref<1x50x64xf32, #tpu.memory_space<vmem>> -> memref<50x64xf32, #tpu.memory_space<vmem>>
      %dma_start3A_1066 = arith.constant 0 : i32
      %dma_start3A_1067 = arith.constant 0 : i32
      %dma_start3A_1068 = tpu.memref_slice %arg4[%add3A_1057, %dma_start3A_1066, %dma_start3A_1067] : memref<16384x50x64xf32, #tpu.memory_space<hbm>> -> memref<1x50x64xf32, #tpu.memory_space<hbm>>
      %dma_start3A_1069 = tpu.memref_squeeze %dma_start3A_1068 : memref<1x50x64xf32, #tpu.memory_space<hbm>> -> memref<50x64xf32, #tpu.memory_space<hbm>>
      %dma_start3A_1070 = tpu.memref_slice %arg8[%dma_start3A_1061] : memref<8x!tpu.dma_semaphore, #tpu.memory_space<semaphore_mem>> -> memref<1x!tpu.dma_semaphore, #tpu.memory_space<semaphore_mem>>
      %dma_start3A_1071 = tpu.memref_squeeze %dma_start3A_1070 : memref<1x!tpu.dma_semaphore, #tpu.memory_space<semaphore_mem>> -> memref<!tpu.dma_semaphore, #tpu.memory_space<semaphore_mem>>
      %dma_start3A_1072 = arith.constant 0 : i32
      %dma_start3A_1073 = arith.constant 0 : i32
      %dma_start3A_1074 = tpu.memref_slice %arg4[%add3A_1057, %dma_start3A_1072, %dma_start3A_1073] : memref<16384x50x64xf32, #tpu.memory_space<hbm>> -> memref<1x50x64xf32, #tpu.memory_space<hbm>>
      %dma_start3A_1075 = tpu.memref_squeeze %dma_start3A_1074 : memref<1x50x64xf32, #tpu.memory_space<hbm>> -> memref<50x64xf32, #tpu.memory_space<hbm>>
      %dma_start3A_1076 = arith.constant 0 : i32
      %dma_start3A_1077 = arith.constant 0 : i32
      %dma_start3A_1078 = tpu.memref_slice %arg6[%dma_start3A_1060, %dma_start3A_1076, %dma_start3A_1077] : memref<8x100x64xf32, #tpu.memory_space<vmem>> -> memref<1x50x64xf32, #tpu.memory_space<vmem>>
      %dma_start3A_1079 = tpu.memref_squeeze %dma_start3A_1078 : memref<1x50x64xf32, #tpu.memory_space<vmem>> -> memref<50x64xf32, #tpu.memory_space<vmem>>
      tpu.enqueue_dma source(%dma_start3A_1079 : memref<50x64xf32, #tpu.memory_space<vmem>>) target(%dma_start3A_1075 : memref<50x64xf32, #tpu.memory_space<hbm>>) target_semaphore(%dma_start3A_1071 : memref<!tpu.dma_semaphore, #tpu.memory_space<semaphore_mem>>)
      %dma_start3A_1080 = arith.constant 7 : i32
      %dma_start3A_1081 = arith.constant 7 : i32
      %dma_start3A_1082 = arith.constant 50 : i32
      %dma_start3A_1083 = arith.constant 0 : i32
      %dma_start3A_1084 = tpu.memref_slice %arg6[%dma_start3A_1080, %dma_start3A_1082, %dma_start3A_1083] : memref<8x100x64xf32, #tpu.memory_space<vmem>> -> memref<1x50x64xf32, #tpu.memory_space<vmem>>
      %dma_start3A_1085 = tpu.memref_squeeze %dma_start3A_1084 : memref<1x50x64xf32, #tpu.memory_space<vmem>> -> memref<50x64xf32, #tpu.memory_space<vmem>>
      %dma_start3A_1086 = arith.constant 0 : i32
      %dma_start3A_1087 = arith.constant 0 : i32
      %dma_start3A_1088 = tpu.memref_slice %arg4[%add3A_1059, %dma_start3A_1086, %dma_start3A_1087] : memref<16384x50x64xf32, #tpu.memory_space<hbm>> -> memref<1x50x64xf32, #tpu.memory_space<hbm>>
      %dma_start3A_1089 = tpu.memref_squeeze %dma_start3A_1088 : memref<1x50x64xf32, #tpu.memory_space<hbm>> -> memref<50x64xf32, #tpu.memory_space<hbm>>
      %dma_start3A_1090 = tpu.memref_slice %arg8[%dma_start3A_1081] : memref<8x!tpu.dma_semaphore, #tpu.memory_space<semaphore_mem>> -> memref<1x!tpu.dma_semaphore, #tpu.memory_space<semaphore_mem>>
      %dma_start3A_1091 = tpu.memref_squeeze %dma_start3A_1090 : memref<1x!tpu.dma_semaphore, #tpu.memory_space<semaphore_mem>> -> memref<!tpu.dma_semaphore, #tpu.memory_space<semaphore_mem>>
      %dma_start3A_1092 = arith.constant 0 : i32
      %dma_start3A_1093 = arith.constant 0 : i32
      %dma_start3A_1094 = tpu.memref_slice %arg4[%add3A_1059, %dma_start3A_1092, %dma_start3A_1093] : memref<16384x50x64xf32, #tpu.memory_space<hbm>> -> memref<1x50x64xf32, #tpu.memory_space<hbm>>
      %dma_start3A_1095 = tpu.memref_squeeze %dma_start3A_1094 : memref<1x50x64xf32, #tpu.memory_space<hbm>> -> memref<50x64xf32, #tpu.memory_space<hbm>>
      %dma_start3A_1096 = arith.constant 50 : i32
      %dma_start3A_1097 = arith.constant 0 : i32
      %dma_start3A_1098 = tpu.memref_slice %arg6[%dma_start3A_1080, %dma_start3A_1096, %dma_start3A_1097] : memref<8x100x64xf32, #tpu.memory_space<vmem>> -> memref<1x50x64xf32, #tpu.memory_space<vmem>>
      %dma_start3A_1099 = tpu.memref_squeeze %dma_start3A_1098 : memref<1x50x64xf32, #tpu.memory_space<vmem>> -> memref<50x64xf32, #tpu.memory_space<vmem>>
      tpu.enqueue_dma source(%dma_start3A_1099 : memref<50x64xf32, #tpu.memory_space<vmem>>) target(%dma_start3A_1095 : memref<50x64xf32, #tpu.memory_space<hbm>>) target_semaphore(%dma_start3A_1091 : memref<!tpu.dma_semaphore, #tpu.memory_space<semaphore_mem>>)
      %add3A_1100 = arith.constant 4 : i32
      %add3A_1101 = arith.addi %add3A_1038, %add3A_1100 : i32
      %lt3A_1102 = arith.constant 256 : i32
      %lt3A_1103 = arith.cmpi slt, %add3A_1101, %lt3A_1102 : i32
      %add3A_1104 = arith.constant 4 : i32
      %add3A_1105 = arith.addi %add3A_1038, %add3A_1104 : i32
      %sub3A_1106 = arith.constant 8 : i32
      %sub3A_1107 = arith.subi %add3A_1105, %sub3A_1106 : i32
      %ge3A_1108 = arith.constant 0 : i32
      %ge3A_1109 = arith.cmpi sge, %sub3A_1107, %ge3A_1108 : i32
      %and3A_1110 = arith.andi %lt3A_1103, %ge3A_1109 : i1
      %convert_element_type3A_1111 = arith.extui %and3A_1110 : i1 to i32
      %cond3A_1112 = arith.constant 0 : i32
      %cond3A_1113 = arith.cmpi ne, %convert_element_type3A_1111, %cond3A_1112 : i32
      scf.if %cond3A_1113 {
        %add3A_1122 = arith.constant 4 : i32
        %add3A_1123 = arith.addi %add3A_1038, %add3A_1122 : i32
        %sub3A_1124 = arith.constant 8 : i32
        %sub3A_1125 = arith.subi %add3A_1123, %sub3A_1124 : i32
        %mul3A_1126 = arith.constant 2 : i32
        %mul3A_1127 = arith.muli %sub3A_1125, %mul3A_1126 : i32
        %add3A_1128 = arith.addi %mul3A_4, %mul3A_1127 : i32
        %add3A_1129 = arith.constant 0 : i32
        %add3A_1130 = arith.addi %add3A_1128, %add3A_1129 : i32
        %add3A_1131 = arith.constant 1 : i32
        %add3A_1132 = arith.addi %add3A_1128, %add3A_1131 : i32
        %dma_wait3A_1133 = arith.constant 3 : i32
        %dma_wait3A_1134 = arith.constant 3 : i32
        %dma_wait3A_1135 = arith.constant 0 : i32
        %dma_wait3A_1136 = arith.constant 0 : i32
        %dma_wait3A_1137 = tpu.memref_slice %arg6[%dma_wait3A_1133, %dma_wait3A_1135, %dma_wait3A_1136] : memref<8x100x64xf32, #tpu.memory_space<vmem>> -> memref<1x50x64xf32, #tpu.memory_space<vmem>>
        %dma_wait3A_1138 = tpu.memref_squeeze %dma_wait3A_1137 : memref<1x50x64xf32, #tpu.memory_space<vmem>> -> memref<50x64xf32, #tpu.memory_space<vmem>>
        %dma_wait3A_1139 = arith.constant 0 : i32
        %dma_wait3A_1140 = arith.constant 0 : i32
        %dma_wait3A_1141 = tpu.memref_slice %arg4[%add3A_1130, %dma_wait3A_1139, %dma_wait3A_1140] : memref<16384x50x64xf32, #tpu.memory_space<hbm>> -> memref<1x50x64xf32, #tpu.memory_space<hbm>>
        %dma_wait3A_1142 = tpu.memref_squeeze %dma_wait3A_1141 : memref<1x50x64xf32, #tpu.memory_space<hbm>> -> memref<50x64xf32, #tpu.memory_space<hbm>>
        %dma_wait3A_1143 = tpu.memref_slice %arg8[%dma_wait3A_1134] : memref<8x!tpu.dma_semaphore, #tpu.memory_space<semaphore_mem>> -> memref<1x!tpu.dma_semaphore, #tpu.memory_space<semaphore_mem>>
        %dma_wait3A_1144 = tpu.memref_squeeze %dma_wait3A_1143 : memref<1x!tpu.dma_semaphore, #tpu.memory_space<semaphore_mem>> -> memref<!tpu.dma_semaphore, #tpu.memory_space<semaphore_mem>>
        %dma_wait3A_1145 = arith.constant 0 : i32
        %dma_wait3A_1146 = arith.constant 0 : i32
        %dma_wait3A_1147 = tpu.memref_slice %arg4[%add3A_1130, %dma_wait3A_1145, %dma_wait3A_1146] : memref<16384x50x64xf32, #tpu.memory_space<hbm>> -> memref<1x50x64xf32, #tpu.memory_space<hbm>>
        %dma_wait3A_1148 = tpu.memref_squeeze %dma_wait3A_1147 : memref<1x50x64xf32, #tpu.memory_space<hbm>> -> memref<50x64xf32, #tpu.memory_space<hbm>>
        %dma_wait3A_1149 = arith.constant 0 : i32
        %dma_wait3A_1150 = arith.constant 0 : i32
        %dma_wait3A_1151 = tpu.memref_slice %arg6[%dma_wait3A_1133, %dma_wait3A_1149, %dma_wait3A_1150] : memref<8x100x64xf32, #tpu.memory_space<vmem>> -> memref<1x50x64xf32, #tpu.memory_space<vmem>>
        %dma_wait3A_1152 = tpu.memref_squeeze %dma_wait3A_1151 : memref<1x50x64xf32, #tpu.memory_space<vmem>> -> memref<50x64xf32, #tpu.memory_space<vmem>>
        tpu.wait_dma2 semaphore(%dma_wait3A_1144 : memref<!tpu.dma_semaphore, #tpu.memory_space<semaphore_mem>>) src(%dma_wait3A_1152 : memref<50x64xf32, #tpu.memory_space<vmem>>) dst(%dma_wait3A_1148 : memref<50x64xf32, #tpu.memory_space<hbm>>)
        %dma_wait3A_1153 = arith.constant 3 : i32
        %dma_wait3A_1154 = arith.constant 3 : i32
        %dma_wait3A_1155 = arith.constant 50 : i32
        %dma_wait3A_1156 = arith.constant 0 : i32
        %dma_wait3A_1157 = tpu.memref_slice %arg6[%dma_wait3A_1153, %dma_wait3A_1155, %dma_wait3A_1156] : memref<8x100x64xf32, #tpu.memory_space<vmem>> -> memref<1x50x64xf32, #tpu.memory_space<vmem>>
        %dma_wait3A_1158 = tpu.memref_squeeze %dma_wait3A_1157 : memref<1x50x64xf32, #tpu.memory_space<vmem>> -> memref<50x64xf32, #tpu.memory_space<vmem>>
        %dma_wait3A_1159 = arith.constant 0 : i32
        %dma_wait3A_1160 = arith.constant 0 : i32
        %dma_wait3A_1161 = tpu.memref_slice %arg4[%add3A_1132, %dma_wait3A_1159, %dma_wait3A_1160] : memref<16384x50x64xf32, #tpu.memory_space<hbm>> -> memref<1x50x64xf32, #tpu.memory_space<hbm>>
        %dma_wait3A_1162 = tpu.memref_squeeze %dma_wait3A_1161 : memref<1x50x64xf32, #tpu.memory_space<hbm>> -> memref<50x64xf32, #tpu.memory_space<hbm>>
        %dma_wait3A_1163 = tpu.memref_slice %arg8[%dma_wait3A_1154] : memref<8x!tpu.dma_semaphore, #tpu.memory_space<semaphore_mem>> -> memref<1x!tpu.dma_semaphore, #tpu.memory_space<semaphore_mem>>
        %dma_wait3A_1164 = tpu.memref_squeeze %dma_wait3A_1163 : memref<1x!tpu.dma_semaphore, #tpu.memory_space<semaphore_mem>> -> memref<!tpu.dma_semaphore, #tpu.memory_space<semaphore_mem>>
        %dma_wait3A_1165 = arith.constant 0 : i32
        %dma_wait3A_1166 = arith.constant 0 : i32
        %dma_wait3A_1167 = tpu.memref_slice %arg4[%add3A_1132, %dma_wait3A_1165, %dma_wait3A_1166] : memref<16384x50x64xf32, #tpu.memory_space<hbm>> -> memref<1x50x64xf32, #tpu.memory_space<hbm>>
        %dma_wait3A_1168 = tpu.memref_squeeze %dma_wait3A_1167 : memref<1x50x64xf32, #tpu.memory_space<hbm>> -> memref<50x64xf32, #tpu.memory_space<hbm>>
        %dma_wait3A_1169 = arith.constant 50 : i32
        %dma_wait3A_1170 = arith.constant 0 : i32
        %dma_wait3A_1171 = tpu.memref_slice %arg6[%dma_wait3A_1153, %dma_wait3A_1169, %dma_wait3A_1170] : memref<8x100x64xf32, #tpu.memory_space<vmem>> -> memref<1x50x64xf32, #tpu.memory_space<vmem>>
        %dma_wait3A_1172 = tpu.memref_squeeze %dma_wait3A_1171 : memref<1x50x64xf32, #tpu.memory_space<vmem>> -> memref<50x64xf32, #tpu.memory_space<vmem>>
        tpu.wait_dma2 semaphore(%dma_wait3A_1164 : memref<!tpu.dma_semaphore, #tpu.memory_space<semaphore_mem>>) src(%dma_wait3A_1172 : memref<50x64xf32, #tpu.memory_space<vmem>>) dst(%dma_wait3A_1168 : memref<50x64xf32, #tpu.memory_space<hbm>>)
      } else {
      }
      %add3A_1114 = arith.constant 4 : i32
      %add3A_1115 = arith.addi %add3A_1038, %add3A_1114 : i32
      %lt3A_1116 = arith.constant 256 : i32
      %lt3A_1117 = arith.cmpi slt, %add3A_1115, %lt3A_1116 : i32
      %convert_element_type3A_1118 = arith.extui %lt3A_1117 : i1 to i32
      %cond3A_1119 = arith.constant 0 : i32
      %cond3A_1120 = arith.cmpi ne, %convert_element_type3A_1118, %cond3A_1119 : i32
      scf.if %cond3A_1120 {
        %add3A_1122 = arith.constant 4 : i32
        %add3A_1123 = arith.addi %add3A_1038, %add3A_1122 : i32
        %dma_start3A_1124 = arith.constant 3 : i32
        %dma_start3A_1125 = arith.constant 3 : i32
        %dma_start3A_1126 = arith.constant 0 : i32
        %dma_start3A_1127 = arith.constant 0 : i32
        %dma_start3A_1128 = tpu.memref_slice %arg6[%dma_start3A_1124, %dma_start3A_1126, %dma_start3A_1127] : memref<8x100x64xf32, #tpu.memory_space<vmem>> -> memref<1x100x64xf32, #tpu.memory_space<vmem>>
        %dma_start3A_1129 = tpu.memref_squeeze %dma_start3A_1128 : memref<1x100x64xf32, #tpu.memory_space<vmem>> -> memref<100x64xf32, #tpu.memory_space<vmem>>
        %dma_start3A_1130 = arith.constant 0 : i32
        %dma_start3A_1131 = tpu.memref_slice %arg5[%add3A_1123, %dma_start3A_1130] : memref<256x100xi32, #tpu.memory_space<vmem>> -> memref<1x100xi32, #tpu.memory_space<vmem>>
        %dma_start3A_1132 = tpu.memref_squeeze %dma_start3A_1131 : memref<1x100xi32, #tpu.memory_space<vmem>> -> memref<100xi32, #tpu.memory_space<vmem>>
        %dma_start3A_1133 = arith.constant 0 : i32
        %dma_start3A_1134 = arith.constant 0 : i32
        %dma_start3A_1135 = tpu.memref_slice %arg3[%dma_start3A_1133, %dma_start3A_1134] : memref<1000000x64xf32, #tpu.memory_space<hbm>> -> memref<1000000x64xf32, #tpu.memory_space<hbm>>
        %dma_start3A_1136 = tpu.memref_slice %arg7[%dma_start3A_1125] : memref<8x!tpu.dma_semaphore, #tpu.memory_space<semaphore_mem>> -> memref<1x!tpu.dma_semaphore, #tpu.memory_space<semaphore_mem>>
        %dma_start3A_1137 = tpu.memref_squeeze %dma_start3A_1136 : memref<1x!tpu.dma_semaphore, #tpu.memory_space<semaphore_mem>> -> memref<!tpu.dma_semaphore, #tpu.memory_space<semaphore_mem>>
        tpu.enqueue_indirect_dma source(%dma_start3A_1135 : memref<1000000x64xf32, #tpu.memory_space<hbm>>) target(%dma_start3A_1129 : memref<100x64xf32, #tpu.memory_space<vmem>>) offsets(%dma_start3A_1132 : memref<100xi32, #tpu.memory_space<vmem>>) semaphore(%dma_start3A_1137 : memref<!tpu.dma_semaphore, #tpu.memory_space<semaphore_mem>>)
      } else {
      }
      %scan3A_1121 = arith.constant 0 : i32
      scf.yield %scan3A_1121 : i32
    }
    %scan3A_69 = arith.constant 32 : i32
    %add3A_70 = arith.constant 496 : i32
    %add3A_71 = arith.addi %mul3A_4, %add3A_70 : i32
    %add3A_72 = arith.constant 0 : i32
    %add3A_73 = arith.addi %add3A_71, %add3A_72 : i32
    %add3A_74 = arith.constant 1 : i32
    %add3A_75 = arith.addi %add3A_71, %add3A_74 : i32
    %dma_wait3A = arith.constant 0 : i32
    %dma_wait3A_76 = arith.constant 0 : i32
    %dma_wait3A_77 = arith.constant 0 : i32
    %dma_wait3A_78 = arith.constant 0 : i32
    %dma_wait3A_79 = tpu.memref_slice %arg6[%dma_wait3A, %dma_wait3A_77, %dma_wait3A_78] : memref<8x100x64xf32, #tpu.memory_space<vmem>> -> memref<1x50x64xf32, #tpu.memory_space<vmem>>
    %dma_wait3A_80 = tpu.memref_squeeze %dma_wait3A_79 : memref<1x50x64xf32, #tpu.memory_space<vmem>> -> memref<50x64xf32, #tpu.memory_space<vmem>>
    %dma_wait3A_81 = arith.constant 0 : i32
    %dma_wait3A_82 = arith.constant 0 : i32
    %dma_wait3A_83 = tpu.memref_slice %arg4[%add3A_73, %dma_wait3A_81, %dma_wait3A_82] : memref<16384x50x64xf32, #tpu.memory_space<hbm>> -> memref<1x50x64xf32, #tpu.memory_space<hbm>>
    %dma_wait3A_84 = tpu.memref_squeeze %dma_wait3A_83 : memref<1x50x64xf32, #tpu.memory_space<hbm>> -> memref<50x64xf32, #tpu.memory_space<hbm>>
    %dma_wait3A_85 = tpu.memref_slice %arg8[%dma_wait3A_76] : memref<8x!tpu.dma_semaphore, #tpu.memory_space<semaphore_mem>> -> memref<1x!tpu.dma_semaphore, #tpu.memory_space<semaphore_mem>>
    %dma_wait3A_86 = tpu.memref_squeeze %dma_wait3A_85 : memref<1x!tpu.dma_semaphore, #tpu.memory_space<semaphore_mem>> -> memref<!tpu.dma_semaphore, #tpu.memory_space<semaphore_mem>>
    %dma_wait3A_87 = arith.constant 0 : i32
    %dma_wait3A_88 = arith.constant 0 : i32
    %dma_wait3A_89 = tpu.memref_slice %arg4[%add3A_73, %dma_wait3A_87, %dma_wait3A_88] : memref<16384x50x64xf32, #tpu.memory_space<hbm>> -> memref<1x50x64xf32, #tpu.memory_space<hbm>>
    %dma_wait3A_90 = tpu.memref_squeeze %dma_wait3A_89 : memref<1x50x64xf32, #tpu.memory_space<hbm>> -> memref<50x64xf32, #tpu.memory_space<hbm>>
    %dma_wait3A_91 = arith.constant 0 : i32
    %dma_wait3A_92 = arith.constant 0 : i32
    %dma_wait3A_93 = tpu.memref_slice %arg6[%dma_wait3A, %dma_wait3A_91, %dma_wait3A_92] : memref<8x100x64xf32, #tpu.memory_space<vmem>> -> memref<1x50x64xf32, #tpu.memory_space<vmem>>
    %dma_wait3A_94 = tpu.memref_squeeze %dma_wait3A_93 : memref<1x50x64xf32, #tpu.memory_space<vmem>> -> memref<50x64xf32, #tpu.memory_space<vmem>>
    tpu.wait_dma2 semaphore(%dma_wait3A_86 : memref<!tpu.dma_semaphore, #tpu.memory_space<semaphore_mem>>) src(%dma_wait3A_94 : memref<50x64xf32, #tpu.memory_space<vmem>>) dst(%dma_wait3A_90 : memref<50x64xf32, #tpu.memory_space<hbm>>)
    %dma_wait3A_95 = arith.constant 0 : i32
    %dma_wait3A_96 = arith.constant 0 : i32
    %dma_wait3A_97 = arith.constant 50 : i32
    %dma_wait3A_98 = arith.constant 0 : i32
    %dma_wait3A_99 = tpu.memref_slice %arg6[%dma_wait3A_95, %dma_wait3A_97, %dma_wait3A_98] : memref<8x100x64xf32, #tpu.memory_space<vmem>> -> memref<1x50x64xf32, #tpu.memory_space<vmem>>
    %dma_wait3A_100 = tpu.memref_squeeze %dma_wait3A_99 : memref<1x50x64xf32, #tpu.memory_space<vmem>> -> memref<50x64xf32, #tpu.memory_space<vmem>>
    %dma_wait3A_101 = arith.constant 0 : i32
    %dma_wait3A_102 = arith.constant 0 : i32
    %dma_wait3A_103 = tpu.memref_slice %arg4[%add3A_75, %dma_wait3A_101, %dma_wait3A_102] : memref<16384x50x64xf32, #tpu.memory_space<hbm>> -> memref<1x50x64xf32, #tpu.memory_space<hbm>>
    %dma_wait3A_104 = tpu.memref_squeeze %dma_wait3A_103 : memref<1x50x64xf32, #tpu.memory_space<hbm>> -> memref<50x64xf32, #tpu.memory_space<hbm>>
    %dma_wait3A_105 = tpu.memref_slice %arg8[%dma_wait3A_96] : memref<8x!tpu.dma_semaphore, #tpu.memory_space<semaphore_mem>> -> memref<1x!tpu.dma_semaphore, #tpu.memory_space<semaphore_mem>>
    %dma_wait3A_106 = tpu.memref_squeeze %dma_wait3A_105 : memref<1x!tpu.dma_semaphore, #tpu.memory_space<semaphore_mem>> -> memref<!tpu.dma_semaphore, #tpu.memory_space<semaphore_mem>>
    %dma_wait3A_107 = arith.constant 0 : i32
    %dma_wait3A_108 = arith.constant 0 : i32
    %dma_wait3A_109 = tpu.memref_slice %arg4[%add3A_75, %dma_wait3A_107, %dma_wait3A_108] : memref<16384x50x64xf32, #tpu.memory_space<hbm>> -> memref<1x50x64xf32, #tpu.memory_space<hbm>>
    %dma_wait3A_110 = tpu.memref_squeeze %dma_wait3A_109 : memref<1x50x64xf32, #tpu.memory_space<hbm>> -> memref<50x64xf32, #tpu.memory_space<hbm>>
    %dma_wait3A_111 = arith.constant 50 : i32
    %dma_wait3A_112 = arith.constant 0 : i32
    %dma_wait3A_113 = tpu.memref_slice %arg6[%dma_wait3A_95, %dma_wait3A_111, %dma_wait3A_112] : memref<8x100x64xf32, #tpu.memory_space<vmem>> -> memref<1x50x64xf32, #tpu.memory_space<vmem>>
    %dma_wait3A_114 = tpu.memref_squeeze %dma_wait3A_113 : memref<1x50x64xf32, #tpu.memory_space<vmem>> -> memref<50x64xf32, #tpu.memory_space<vmem>>
    tpu.wait_dma2 semaphore(%dma_wait3A_106 : memref<!tpu.dma_semaphore, #tpu.memory_space<semaphore_mem>>) src(%dma_wait3A_114 : memref<50x64xf32, #tpu.memory_space<vmem>>) dst(%dma_wait3A_110 : memref<50x64xf32, #tpu.memory_space<hbm>>)
    %add3A_115 = arith.constant 498 : i32
    %add3A_116 = arith.addi %mul3A_4, %add3A_115 : i32
    %add3A_117 = arith.constant 0 : i32
    %add3A_118 = arith.addi %add3A_116, %add3A_117 : i32
    %add3A_119 = arith.constant 1 : i32
    %add3A_120 = arith.addi %add3A_116, %add3A_119 : i32
    %dma_wait3A_121 = arith.constant 1 : i32
    %dma_wait3A_122 = arith.constant 1 : i32
    %dma_wait3A_123 = arith.constant 0 : i32
    %dma_wait3A_124 = arith.constant 0 : i32
    %dma_wait3A_125 = tpu.memref_slice %arg6[%dma_wait3A_121, %dma_wait3A_123, %dma_wait3A_124] : memref<8x100x64xf32, #tpu.memory_space<vmem>> -> memref<1x50x64xf32, #tpu.memory_space<vmem>>
    %dma_wait3A_126 = tpu.memref_squeeze %dma_wait3A_125 : memref<1x50x64xf32, #tpu.memory_space<vmem>> -> memref<50x64xf32, #tpu.memory_space<vmem>>
    %dma_wait3A_127 = arith.constant 0 : i32
    %dma_wait3A_128 = arith.constant 0 : i32
    %dma_wait3A_129 = tpu.memref_slice %arg4[%add3A_118, %dma_wait3A_127, %dma_wait3A_128] : memref<16384x50x64xf32, #tpu.memory_space<hbm>> -> memref<1x50x64xf32, #tpu.memory_space<hbm>>
    %dma_wait3A_130 = tpu.memref_squeeze %dma_wait3A_129 : memref<1x50x64xf32, #tpu.memory_space<hbm>> -> memref<50x64xf32, #tpu.memory_space<hbm>>
    %dma_wait3A_131 = tpu.memref_slice %arg8[%dma_wait3A_122] : memref<8x!tpu.dma_semaphore, #tpu.memory_space<semaphore_mem>> -> memref<1x!tpu.dma_semaphore, #tpu.memory_space<semaphore_mem>>
    %dma_wait3A_132 = tpu.memref_squeeze %dma_wait3A_131 : memref<1x!tpu.dma_semaphore, #tpu.memory_space<semaphore_mem>> -> memref<!tpu.dma_semaphore, #tpu.memory_space<semaphore_mem>>
    %dma_wait3A_133 = arith.constant 0 : i32
    %dma_wait3A_134 = arith.constant 0 : i32
    %dma_wait3A_135 = tpu.memref_slice %arg4[%add3A_118, %dma_wait3A_133, %dma_wait3A_134] : memref<16384x50x64xf32, #tpu.memory_space<hbm>> -> memref<1x50x64xf32, #tpu.memory_space<hbm>>
    %dma_wait3A_136 = tpu.memref_squeeze %dma_wait3A_135 : memref<1x50x64xf32, #tpu.memory_space<hbm>> -> memref<50x64xf32, #tpu.memory_space<hbm>>
    %dma_wait3A_137 = arith.constant 0 : i32
    %dma_wait3A_138 = arith.constant 0 : i32
    %dma_wait3A_139 = tpu.memref_slice %arg6[%dma_wait3A_121, %dma_wait3A_137, %dma_wait3A_138] : memref<8x100x64xf32, #tpu.memory_space<vmem>> -> memref<1x50x64xf32, #tpu.memory_space<vmem>>
    %dma_wait3A_140 = tpu.memref_squeeze %dma_wait3A_139 : memref<1x50x64xf32, #tpu.memory_space<vmem>> -> memref<50x64xf32, #tpu.memory_space<vmem>>
    tpu.wait_dma2 semaphore(%dma_wait3A_132 : memref<!tpu.dma_semaphore, #tpu.memory_space<semaphore_mem>>) src(%dma_wait3A_140 : memref<50x64xf32, #tpu.memory_space<vmem>>) dst(%dma_wait3A_136 : memref<50x64xf32, #tpu.memory_space<hbm>>)
    %dma_wait3A_141 = arith.constant 1 : i32
    %dma_wait3A_142 = arith.constant 1 : i32
    %dma_wait3A_143 = arith.constant 50 : i32
    %dma_wait3A_144 = arith.constant 0 : i32
    %dma_wait3A_145 = tpu.memref_slice %arg6[%dma_wait3A_141, %dma_wait3A_143, %dma_wait3A_144] : memref<8x100x64xf32, #tpu.memory_space<vmem>> -> memref<1x50x64xf32, #tpu.memory_space<vmem>>
    %dma_wait3A_146 = tpu.memref_squeeze %dma_wait3A_145 : memref<1x50x64xf32, #tpu.memory_space<vmem>> -> memref<50x64xf32, #tpu.memory_space<vmem>>
    %dma_wait3A_147 = arith.constant 0 : i32
    %dma_wait3A_148 = arith.constant 0 : i32
    %dma_wait3A_149 = tpu.memref_slice %arg4[%add3A_120, %dma_wait3A_147, %dma_wait3A_148] : memref<16384x50x64xf32, #tpu.memory_space<hbm>> -> memref<1x50x64xf32, #tpu.memory_space<hbm>>
    %dma_wait3A_150 = tpu.memref_squeeze %dma_wait3A_149 : memref<1x50x64xf32, #tpu.memory_space<hbm>> -> memref<50x64xf32, #tpu.memory_space<hbm>>
    %dma_wait3A_151 = tpu.memref_slice %arg8[%dma_wait3A_142] : memref<8x!tpu.dma_semaphore, #tpu.memory_space<semaphore_mem>> -> memref<1x!tpu.dma_semaphore, #tpu.memory_space<semaphore_mem>>
    %dma_wait3A_152 = tpu.memref_squeeze %dma_wait3A_151 : memref<1x!tpu.dma_semaphore, #tpu.memory_space<semaphore_mem>> -> memref<!tpu.dma_semaphore, #tpu.memory_space<semaphore_mem>>
    %dma_wait3A_153 = arith.constant 0 : i32
    %dma_wait3A_154 = arith.constant 0 : i32
    %dma_wait3A_155 = tpu.memref_slice %arg4[%add3A_120, %dma_wait3A_153, %dma_wait3A_154] : memref<16384x50x64xf32, #tpu.memory_space<hbm>> -> memref<1x50x64xf32, #tpu.memory_space<hbm>>
    %dma_wait3A_156 = tpu.memref_squeeze %dma_wait3A_155 : memref<1x50x64xf32, #tpu.memory_space<hbm>> -> memref<50x64xf32, #tpu.memory_space<hbm>>
    %dma_wait3A_157 = arith.constant 50 : i32
    %dma_wait3A_158 = arith.constant 0 : i32
    %dma_wait3A_159 = tpu.memref_slice %arg6[%dma_wait3A_141, %dma_wait3A_157, %dma_wait3A_158] : memref<8x100x64xf32, #tpu.memory_space<vmem>> -> memref<1x50x64xf32, #tpu.memory_space<vmem>>
    %dma_wait3A_160 = tpu.memref_squeeze %dma_wait3A_159 : memref<1x50x64xf32, #tpu.memory_space<vmem>> -> memref<50x64xf32, #tpu.memory_space<vmem>>
    tpu.wait_dma2 semaphore(%dma_wait3A_152 : memref<!tpu.dma_semaphore, #tpu.memory_space<semaphore_mem>>) src(%dma_wait3A_160 : memref<50x64xf32, #tpu.memory_space<vmem>>) dst(%dma_wait3A_156 : memref<50x64xf32, #tpu.memory_space<hbm>>)
    %add3A_161 = arith.constant 500 : i32
    %add3A_162 = arith.addi %mul3A_4, %add3A_161 : i32
    %add3A_163 = arith.constant 0 : i32
    %add3A_164 = arith.addi %add3A_162, %add3A_163 : i32
    %add3A_165 = arith.constant 1 : i32
    %add3A_166 = arith.addi %add3A_162, %add3A_165 : i32
    %dma_wait3A_167 = arith.constant 2 : i32
    %dma_wait3A_168 = arith.constant 2 : i32
    %dma_wait3A_169 = arith.constant 0 : i32
    %dma_wait3A_170 = arith.constant 0 : i32
    %dma_wait3A_171 = tpu.memref_slice %arg6[%dma_wait3A_167, %dma_wait3A_169, %dma_wait3A_170] : memref<8x100x64xf32, #tpu.memory_space<vmem>> -> memref<1x50x64xf32, #tpu.memory_space<vmem>>
    %dma_wait3A_172 = tpu.memref_squeeze %dma_wait3A_171 : memref<1x50x64xf32, #tpu.memory_space<vmem>> -> memref<50x64xf32, #tpu.memory_space<vmem>>
    %dma_wait3A_173 = arith.constant 0 : i32
    %dma_wait3A_174 = arith.constant 0 : i32
    %dma_wait3A_175 = tpu.memref_slice %arg4[%add3A_164, %dma_wait3A_173, %dma_wait3A_174] : memref<16384x50x64xf32, #tpu.memory_space<hbm>> -> memref<1x50x64xf32, #tpu.memory_space<hbm>>
    %dma_wait3A_176 = tpu.memref_squeeze %dma_wait3A_175 : memref<1x50x64xf32, #tpu.memory_space<hbm>> -> memref<50x64xf32, #tpu.memory_space<hbm>>
    %dma_wait3A_177 = tpu.memref_slice %arg8[%dma_wait3A_168] : memref<8x!tpu.dma_semaphore, #tpu.memory_space<semaphore_mem>> -> memref<1x!tpu.dma_semaphore, #tpu.memory_space<semaphore_mem>>
    %dma_wait3A_178 = tpu.memref_squeeze %dma_wait3A_177 : memref<1x!tpu.dma_semaphore, #tpu.memory_space<semaphore_mem>> -> memref<!tpu.dma_semaphore, #tpu.memory_space<semaphore_mem>>
    %dma_wait3A_179 = arith.constant 0 : i32
    %dma_wait3A_180 = arith.constant 0 : i32
    %dma_wait3A_181 = tpu.memref_slice %arg4[%add3A_164, %dma_wait3A_179, %dma_wait3A_180] : memref<16384x50x64xf32, #tpu.memory_space<hbm>> -> memref<1x50x64xf32, #tpu.memory_space<hbm>>
    %dma_wait3A_182 = tpu.memref_squeeze %dma_wait3A_181 : memref<1x50x64xf32, #tpu.memory_space<hbm>> -> memref<50x64xf32, #tpu.memory_space<hbm>>
    %dma_wait3A_183 = arith.constant 0 : i32
    %dma_wait3A_184 = arith.constant 0 : i32
    %dma_wait3A_185 = tpu.memref_slice %arg6[%dma_wait3A_167, %dma_wait3A_183, %dma_wait3A_184] : memref<8x100x64xf32, #tpu.memory_space<vmem>> -> memref<1x50x64xf32, #tpu.memory_space<vmem>>
    %dma_wait3A_186 = tpu.memref_squeeze %dma_wait3A_185 : memref<1x50x64xf32, #tpu.memory_space<vmem>> -> memref<50x64xf32, #tpu.memory_space<vmem>>
    tpu.wait_dma2 semaphore(%dma_wait3A_178 : memref<!tpu.dma_semaphore, #tpu.memory_space<semaphore_mem>>) src(%dma_wait3A_186 : memref<50x64xf32, #tpu.memory_space<vmem>>) dst(%dma_wait3A_182 : memref<50x64xf32, #tpu.memory_space<hbm>>)
    %dma_wait3A_187 = arith.constant 2 : i32
    %dma_wait3A_188 = arith.constant 2 : i32
    %dma_wait3A_189 = arith.constant 50 : i32
    %dma_wait3A_190 = arith.constant 0 : i32
    %dma_wait3A_191 = tpu.memref_slice %arg6[%dma_wait3A_187, %dma_wait3A_189, %dma_wait3A_190] : memref<8x100x64xf32, #tpu.memory_space<vmem>> -> memref<1x50x64xf32, #tpu.memory_space<vmem>>
    %dma_wait3A_192 = tpu.memref_squeeze %dma_wait3A_191 : memref<1x50x64xf32, #tpu.memory_space<vmem>> -> memref<50x64xf32, #tpu.memory_space<vmem>>
    %dma_wait3A_193 = arith.constant 0 : i32
    %dma_wait3A_194 = arith.constant 0 : i32
    %dma_wait3A_195 = tpu.memref_slice %arg4[%add3A_166, %dma_wait3A_193, %dma_wait3A_194] : memref<16384x50x64xf32, #tpu.memory_space<hbm>> -> memref<1x50x64xf32, #tpu.memory_space<hbm>>
    %dma_wait3A_196 = tpu.memref_squeeze %dma_wait3A_195 : memref<1x50x64xf32, #tpu.memory_space<hbm>> -> memref<50x64xf32, #tpu.memory_space<hbm>>
    %dma_wait3A_197 = tpu.memref_slice %arg8[%dma_wait3A_188] : memref<8x!tpu.dma_semaphore, #tpu.memory_space<semaphore_mem>> -> memref<1x!tpu.dma_semaphore, #tpu.memory_space<semaphore_mem>>
    %dma_wait3A_198 = tpu.memref_squeeze %dma_wait3A_197 : memref<1x!tpu.dma_semaphore, #tpu.memory_space<semaphore_mem>> -> memref<!tpu.dma_semaphore, #tpu.memory_space<semaphore_mem>>
    %dma_wait3A_199 = arith.constant 0 : i32
    %dma_wait3A_200 = arith.constant 0 : i32
    %dma_wait3A_201 = tpu.memref_slice %arg4[%add3A_166, %dma_wait3A_199, %dma_wait3A_200] : memref<16384x50x64xf32, #tpu.memory_space<hbm>> -> memref<1x50x64xf32, #tpu.memory_space<hbm>>
    %dma_wait3A_202 = tpu.memref_squeeze %dma_wait3A_201 : memref<1x50x64xf32, #tpu.memory_space<hbm>> -> memref<50x64xf32, #tpu.memory_space<hbm>>
    %dma_wait3A_203 = arith.constant 50 : i32
    %dma_wait3A_204 = arith.constant 0 : i32
    %dma_wait3A_205 = tpu.memref_slice %arg6[%dma_wait3A_187, %dma_wait3A_203, %dma_wait3A_204] : memref<8x100x64xf32, #tpu.memory_space<vmem>> -> memref<1x50x64xf32, #tpu.memory_space<vmem>>
    %dma_wait3A_206 = tpu.memref_squeeze %dma_wait3A_205 : memref<1x50x64xf32, #tpu.memory_space<vmem>> -> memref<50x64xf32, #tpu.memory_space<vmem>>
    tpu.wait_dma2 semaphore(%dma_wait3A_198 : memref<!tpu.dma_semaphore, #tpu.memory_space<semaphore_mem>>) src(%dma_wait3A_206 : memref<50x64xf32, #tpu.memory_space<vmem>>) dst(%dma_wait3A_202 : memref<50x64xf32, #tpu.memory_space<hbm>>)
    %add3A_207 = arith.constant 502 : i32
    %add3A_208 = arith.addi %mul3A_4, %add3A_207 : i32
    %add3A_209 = arith.constant 0 : i32
    %add3A_210 = arith.addi %add3A_208, %add3A_209 : i32
    %add3A_211 = arith.constant 1 : i32
    %add3A_212 = arith.addi %add3A_208, %add3A_211 : i32
    %dma_wait3A_213 = arith.constant 3 : i32
    %dma_wait3A_214 = arith.constant 3 : i32
    %dma_wait3A_215 = arith.constant 0 : i32
    %dma_wait3A_216 = arith.constant 0 : i32
    %dma_wait3A_217 = tpu.memref_slice %arg6[%dma_wait3A_213, %dma_wait3A_215, %dma_wait3A_216] : memref<8x100x64xf32, #tpu.memory_space<vmem>> -> memref<1x50x64xf32, #tpu.memory_space<vmem>>
    %dma_wait3A_218 = tpu.memref_squeeze %dma_wait3A_217 : memref<1x50x64xf32, #tpu.memory_space<vmem>> -> memref<50x64xf32, #tpu.memory_space<vmem>>
    %dma_wait3A_219 = arith.constant 0 : i32
    %dma_wait3A_220 = arith.constant 0 : i32
    %dma_wait3A_221 = tpu.memref_slice %arg4[%add3A_210, %dma_wait3A_219, %dma_wait3A_220] : memref<16384x50x64xf32, #tpu.memory_space<hbm>> -> memref<1x50x64xf32, #tpu.memory_space<hbm>>
    %dma_wait3A_222 = tpu.memref_squeeze %dma_wait3A_221 : memref<1x50x64xf32, #tpu.memory_space<hbm>> -> memref<50x64xf32, #tpu.memory_space<hbm>>
    %dma_wait3A_223 = tpu.memref_slice %arg8[%dma_wait3A_214] : memref<8x!tpu.dma_semaphore, #tpu.memory_space<semaphore_mem>> -> memref<1x!tpu.dma_semaphore, #tpu.memory_space<semaphore_mem>>
    %dma_wait3A_224 = tpu.memref_squeeze %dma_wait3A_223 : memref<1x!tpu.dma_semaphore, #tpu.memory_space<semaphore_mem>> -> memref<!tpu.dma_semaphore, #tpu.memory_space<semaphore_mem>>
    %dma_wait3A_225 = arith.constant 0 : i32
    %dma_wait3A_226 = arith.constant 0 : i32
    %dma_wait3A_227 = tpu.memref_slice %arg4[%add3A_210, %dma_wait3A_225, %dma_wait3A_226] : memref<16384x50x64xf32, #tpu.memory_space<hbm>> -> memref<1x50x64xf32, #tpu.memory_space<hbm>>
    %dma_wait3A_228 = tpu.memref_squeeze %dma_wait3A_227 : memref<1x50x64xf32, #tpu.memory_space<hbm>> -> memref<50x64xf32, #tpu.memory_space<hbm>>
    %dma_wait3A_229 = arith.constant 0 : i32
    %dma_wait3A_230 = arith.constant 0 : i32
    %dma_wait3A_231 = tpu.memref_slice %arg6[%dma_wait3A_213, %dma_wait3A_229, %dma_wait3A_230] : memref<8x100x64xf32, #tpu.memory_space<vmem>> -> memref<1x50x64xf32, #tpu.memory_space<vmem>>
    %dma_wait3A_232 = tpu.memref_squeeze %dma_wait3A_231 : memref<1x50x64xf32, #tpu.memory_space<vmem>> -> memref<50x64xf32, #tpu.memory_space<vmem>>
    tpu.wait_dma2 semaphore(%dma_wait3A_224 : memref<!tpu.dma_semaphore, #tpu.memory_space<semaphore_mem>>) src(%dma_wait3A_232 : memref<50x64xf32, #tpu.memory_space<vmem>>) dst(%dma_wait3A_228 : memref<50x64xf32, #tpu.memory_space<hbm>>)
    %dma_wait3A_233 = arith.constant 3 : i32
    %dma_wait3A_234 = arith.constant 3 : i32
    %dma_wait3A_235 = arith.constant 50 : i32
    %dma_wait3A_236 = arith.constant 0 : i32
    %dma_wait3A_237 = tpu.memref_slice %arg6[%dma_wait3A_233, %dma_wait3A_235, %dma_wait3A_236] : memref<8x100x64xf32, #tpu.memory_space<vmem>> -> memref<1x50x64xf32, #tpu.memory_space<vmem>>
    %dma_wait3A_238 = tpu.memref_squeeze %dma_wait3A_237 : memref<1x50x64xf32, #tpu.memory_space<vmem>> -> memref<50x64xf32, #tpu.memory_space<vmem>>
    %dma_wait3A_239 = arith.constant 0 : i32
    %dma_wait3A_240 = arith.constant 0 : i32
    %dma_wait3A_241 = tpu.memref_slice %arg4[%add3A_212, %dma_wait3A_239, %dma_wait3A_240] : memref<16384x50x64xf32, #tpu.memory_space<hbm>> -> memref<1x50x64xf32, #tpu.memory_space<hbm>>
    %dma_wait3A_242 = tpu.memref_squeeze %dma_wait3A_241 : memref<1x50x64xf32, #tpu.memory_space<hbm>> -> memref<50x64xf32, #tpu.memory_space<hbm>>
    %dma_wait3A_243 = tpu.memref_slice %arg8[%dma_wait3A_234] : memref<8x!tpu.dma_semaphore, #tpu.memory_space<semaphore_mem>> -> memref<1x!tpu.dma_semaphore, #tpu.memory_space<semaphore_mem>>
    %dma_wait3A_244 = tpu.memref_squeeze %dma_wait3A_243 : memref<1x!tpu.dma_semaphore, #tpu.memory_space<semaphore_mem>> -> memref<!tpu.dma_semaphore, #tpu.memory_space<semaphore_mem>>
    %dma_wait3A_245 = arith.constant 0 : i32
    %dma_wait3A_246 = arith.constant 0 : i32
    %dma_wait3A_247 = tpu.memref_slice %arg4[%add3A_212, %dma_wait3A_245, %dma_wait3A_246] : memref<16384x50x64xf32, #tpu.memory_space<hbm>> -> memref<1x50x64xf32, #tpu.memory_space<hbm>>
    %dma_wait3A_248 = tpu.memref_squeeze %dma_wait3A_247 : memref<1x50x64xf32, #tpu.memory_space<hbm>> -> memref<50x64xf32, #tpu.memory_space<hbm>>
    %dma_wait3A_249 = arith.constant 50 : i32
    %dma_wait3A_250 = arith.constant 0 : i32
    %dma_wait3A_251 = tpu.memref_slice %arg6[%dma_wait3A_233, %dma_wait3A_249, %dma_wait3A_250] : memref<8x100x64xf32, #tpu.memory_space<vmem>> -> memref<1x50x64xf32, #tpu.memory_space<vmem>>
    %dma_wait3A_252 = tpu.memref_squeeze %dma_wait3A_251 : memref<1x50x64xf32, #tpu.memory_space<vmem>> -> memref<50x64xf32, #tpu.memory_space<vmem>>
    tpu.wait_dma2 semaphore(%dma_wait3A_244 : memref<!tpu.dma_semaphore, #tpu.memory_space<semaphore_mem>>) src(%dma_wait3A_252 : memref<50x64xf32, #tpu.memory_space<vmem>>) dst(%dma_wait3A_248 : memref<50x64xf32, #tpu.memory_space<hbm>>)
    %add3A_253 = arith.constant 504 : i32
    %add3A_254 = arith.addi %mul3A_4, %add3A_253 : i32
    %add3A_255 = arith.constant 0 : i32
    %add3A_256 = arith.addi %add3A_254, %add3A_255 : i32
    %add3A_257 = arith.constant 1 : i32
    %add3A_258 = arith.addi %add3A_254, %add3A_257 : i32
    %dma_wait3A_259 = arith.constant 4 : i32
    %dma_wait3A_260 = arith.constant 4 : i32
    %dma_wait3A_261 = arith.constant 0 : i32
    %dma_wait3A_262 = arith.constant 0 : i32
    %dma_wait3A_263 = tpu.memref_slice %arg6[%dma_wait3A_259, %dma_wait3A_261, %dma_wait3A_262] : memref<8x100x64xf32, #tpu.memory_space<vmem>> -> memref<1x50x64xf32, #tpu.memory_space<vmem>>
    %dma_wait3A_264 = tpu.memref_squeeze %dma_wait3A_263 : memref<1x50x64xf32, #tpu.memory_space<vmem>> -> memref<50x64xf32, #tpu.memory_space<vmem>>
    %dma_wait3A_265 = arith.constant 0 : i32
    %dma_wait3A_266 = arith.constant 0 : i32
    %dma_wait3A_267 = tpu.memref_slice %arg4[%add3A_256, %dma_wait3A_265, %dma_wait3A_266] : memref<16384x50x64xf32, #tpu.memory_space<hbm>> -> memref<1x50x64xf32, #tpu.memory_space<hbm>>
    %dma_wait3A_268 = tpu.memref_squeeze %dma_wait3A_267 : memref<1x50x64xf32, #tpu.memory_space<hbm>> -> memref<50x64xf32, #tpu.memory_space<hbm>>
    %dma_wait3A_269 = tpu.memref_slice %arg8[%dma_wait3A_260] : memref<8x!tpu.dma_semaphore, #tpu.memory_space<semaphore_mem>> -> memref<1x!tpu.dma_semaphore, #tpu.memory_space<semaphore_mem>>
    %dma_wait3A_270 = tpu.memref_squeeze %dma_wait3A_269 : memref<1x!tpu.dma_semaphore, #tpu.memory_space<semaphore_mem>> -> memref<!tpu.dma_semaphore, #tpu.memory_space<semaphore_mem>>
    %dma_wait3A_271 = arith.constant 0 : i32
    %dma_wait3A_272 = arith.constant 0 : i32
    %dma_wait3A_273 = tpu.memref_slice %arg4[%add3A_256, %dma_wait3A_271, %dma_wait3A_272] : memref<16384x50x64xf32, #tpu.memory_space<hbm>> -> memref<1x50x64xf32, #tpu.memory_space<hbm>>
    %dma_wait3A_274 = tpu.memref_squeeze %dma_wait3A_273 : memref<1x50x64xf32, #tpu.memory_space<hbm>> -> memref<50x64xf32, #tpu.memory_space<hbm>>
    %dma_wait3A_275 = arith.constant 0 : i32
    %dma_wait3A_276 = arith.constant 0 : i32
    %dma_wait3A_277 = tpu.memref_slice %arg6[%dma_wait3A_259, %dma_wait3A_275, %dma_wait3A_276] : memref<8x100x64xf32, #tpu.memory_space<vmem>> -> memref<1x50x64xf32, #tpu.memory_space<vmem>>
    %dma_wait3A_278 = tpu.memref_squeeze %dma_wait3A_277 : memref<1x50x64xf32, #tpu.memory_space<vmem>> -> memref<50x64xf32, #tpu.memory_space<vmem>>
    tpu.wait_dma2 semaphore(%dma_wait3A_270 : memref<!tpu.dma_semaphore, #tpu.memory_space<semaphore_mem>>) src(%dma_wait3A_278 : memref<50x64xf32, #tpu.memory_space<vmem>>) dst(%dma_wait3A_274 : memref<50x64xf32, #tpu.memory_space<hbm>>)
    %dma_wait3A_279 = arith.constant 4 : i32
    %dma_wait3A_280 = arith.constant 4 : i32
    %dma_wait3A_281 = arith.constant 50 : i32
    %dma_wait3A_282 = arith.constant 0 : i32
    %dma_wait3A_283 = tpu.memref_slice %arg6[%dma_wait3A_279, %dma_wait3A_281, %dma_wait3A_282] : memref<8x100x64xf32, #tpu.memory_space<vmem>> -> memref<1x50x64xf32, #tpu.memory_space<vmem>>
    %dma_wait3A_284 = tpu.memref_squeeze %dma_wait3A_283 : memref<1x50x64xf32, #tpu.memory_space<vmem>> -> memref<50x64xf32, #tpu.memory_space<vmem>>
    %dma_wait3A_285 = arith.constant 0 : i32
    %dma_wait3A_286 = arith.constant 0 : i32
    %dma_wait3A_287 = tpu.memref_slice %arg4[%add3A_258, %dma_wait3A_285, %dma_wait3A_286] : memref<16384x50x64xf32, #tpu.memory_space<hbm>> -> memref<1x50x64xf32, #tpu.memory_space<hbm>>
    %dma_wait3A_288 = tpu.memref_squeeze %dma_wait3A_287 : memref<1x50x64xf32, #tpu.memory_space<hbm>> -> memref<50x64xf32, #tpu.memory_space<hbm>>
    %dma_wait3A_289 = tpu.memref_slice %arg8[%dma_wait3A_280] : memref<8x!tpu.dma_semaphore, #tpu.memory_space<semaphore_mem>> -> memref<1x!tpu.dma_semaphore, #tpu.memory_space<semaphore_mem>>
    %dma_wait3A_290 = tpu.memref_squeeze %dma_wait3A_289 : memref<1x!tpu.dma_semaphore, #tpu.memory_space<semaphore_mem>> -> memref<!tpu.dma_semaphore, #tpu.memory_space<semaphore_mem>>
    %dma_wait3A_291 = arith.constant 0 : i32
    %dma_wait3A_292 = arith.constant 0 : i32
    %dma_wait3A_293 = tpu.memref_slice %arg4[%add3A_258, %dma_wait3A_291, %dma_wait3A_292] : memref<16384x50x64xf32, #tpu.memory_space<hbm>> -> memref<1x50x64xf32, #tpu.memory_space<hbm>>
    %dma_wait3A_294 = tpu.memref_squeeze %dma_wait3A_293 : memref<1x50x64xf32, #tpu.memory_space<hbm>> -> memref<50x64xf32, #tpu.memory_space<hbm>>
    %dma_wait3A_295 = arith.constant 50 : i32
    %dma_wait3A_296 = arith.constant 0 : i32
    %dma_wait3A_297 = tpu.memref_slice %arg6[%dma_wait3A_279, %dma_wait3A_295, %dma_wait3A_296] : memref<8x100x64xf32, #tpu.memory_space<vmem>> -> memref<1x50x64xf32, #tpu.memory_space<vmem>>
    %dma_wait3A_298 = tpu.memref_squeeze %dma_wait3A_297 : memref<1x50x64xf32, #tpu.memory_space<vmem>> -> memref<50x64xf32, #tpu.memory_space<vmem>>
    tpu.wait_dma2 semaphore(%dma_wait3A_290 : memref<!tpu.dma_semaphore, #tpu.memory_space<semaphore_mem>>) src(%dma_wait3A_298 : memref<50x64xf32, #tpu.memory_space<vmem>>) dst(%dma_wait3A_294 : memref<50x64xf32, #tpu.memory_space<hbm>>)
    %add3A_299 = arith.constant 506 : i32
    %add3A_300 = arith.addi %mul3A_4, %add3A_299 : i32
    %add3A_301 = arith.constant 0 : i32
    %add3A_302 = arith.addi %add3A_300, %add3A_301 : i32
    %add3A_303 = arith.constant 1 : i32
    %add3A_304 = arith.addi %add3A_300, %add3A_303 : i32
    %dma_wait3A_305 = arith.constant 5 : i32
    %dma_wait3A_306 = arith.constant 5 : i32
    %dma_wait3A_307 = arith.constant 0 : i32
    %dma_wait3A_308 = arith.constant 0 : i32
    %dma_wait3A_309 = tpu.memref_slice %arg6[%dma_wait3A_305, %dma_wait3A_307, %dma_wait3A_308] : memref<8x100x64xf32, #tpu.memory_space<vmem>> -> memref<1x50x64xf32, #tpu.memory_space<vmem>>
    %dma_wait3A_310 = tpu.memref_squeeze %dma_wait3A_309 : memref<1x50x64xf32, #tpu.memory_space<vmem>> -> memref<50x64xf32, #tpu.memory_space<vmem>>
    %dma_wait3A_311 = arith.constant 0 : i32
    %dma_wait3A_312 = arith.constant 0 : i32
    %dma_wait3A_313 = tpu.memref_slice %arg4[%add3A_302, %dma_wait3A_311, %dma_wait3A_312] : memref<16384x50x64xf32, #tpu.memory_space<hbm>> -> memref<1x50x64xf32, #tpu.memory_space<hbm>>
    %dma_wait3A_314 = tpu.memref_squeeze %dma_wait3A_313 : memref<1x50x64xf32, #tpu.memory_space<hbm>> -> memref<50x64xf32, #tpu.memory_space<hbm>>
    %dma_wait3A_315 = tpu.memref_slice %arg8[%dma_wait3A_306] : memref<8x!tpu.dma_semaphore, #tpu.memory_space<semaphore_mem>> -> memref<1x!tpu.dma_semaphore, #tpu.memory_space<semaphore_mem>>
    %dma_wait3A_316 = tpu.memref_squeeze %dma_wait3A_315 : memref<1x!tpu.dma_semaphore, #tpu.memory_space<semaphore_mem>> -> memref<!tpu.dma_semaphore, #tpu.memory_space<semaphore_mem>>
    %dma_wait3A_317 = arith.constant 0 : i32
    %dma_wait3A_318 = arith.constant 0 : i32
    %dma_wait3A_319 = tpu.memref_slice %arg4[%add3A_302, %dma_wait3A_317, %dma_wait3A_318] : memref<16384x50x64xf32, #tpu.memory_space<hbm>> -> memref<1x50x64xf32, #tpu.memory_space<hbm>>
    %dma_wait3A_320 = tpu.memref_squeeze %dma_wait3A_319 : memref<1x50x64xf32, #tpu.memory_space<hbm>> -> memref<50x64xf32, #tpu.memory_space<hbm>>
    %dma_wait3A_321 = arith.constant 0 : i32
    %dma_wait3A_322 = arith.constant 0 : i32
    %dma_wait3A_323 = tpu.memref_slice %arg6[%dma_wait3A_305, %dma_wait3A_321, %dma_wait3A_322] : memref<8x100x64xf32, #tpu.memory_space<vmem>> -> memref<1x50x64xf32, #tpu.memory_space<vmem>>
    %dma_wait3A_324 = tpu.memref_squeeze %dma_wait3A_323 : memref<1x50x64xf32, #tpu.memory_space<vmem>> -> memref<50x64xf32, #tpu.memory_space<vmem>>
    tpu.wait_dma2 semaphore(%dma_wait3A_316 : memref<!tpu.dma_semaphore, #tpu.memory_space<semaphore_mem>>) src(%dma_wait3A_324 : memref<50x64xf32, #tpu.memory_space<vmem>>) dst(%dma_wait3A_320 : memref<50x64xf32, #tpu.memory_space<hbm>>)
    %dma_wait3A_325 = arith.constant 5 : i32
    %dma_wait3A_326 = arith.constant 5 : i32
    %dma_wait3A_327 = arith.constant 50 : i32
    %dma_wait3A_328 = arith.constant 0 : i32
    %dma_wait3A_329 = tpu.memref_slice %arg6[%dma_wait3A_325, %dma_wait3A_327, %dma_wait3A_328] : memref<8x100x64xf32, #tpu.memory_space<vmem>> -> memref<1x50x64xf32, #tpu.memory_space<vmem>>
    %dma_wait3A_330 = tpu.memref_squeeze %dma_wait3A_329 : memref<1x50x64xf32, #tpu.memory_space<vmem>> -> memref<50x64xf32, #tpu.memory_space<vmem>>
    %dma_wait3A_331 = arith.constant 0 : i32
    %dma_wait3A_332 = arith.constant 0 : i32
    %dma_wait3A_333 = tpu.memref_slice %arg4[%add3A_304, %dma_wait3A_331, %dma_wait3A_332] : memref<16384x50x64xf32, #tpu.memory_space<hbm>> -> memref<1x50x64xf32, #tpu.memory_space<hbm>>
    %dma_wait3A_334 = tpu.memref_squeeze %dma_wait3A_333 : memref<1x50x64xf32, #tpu.memory_space<hbm>> -> memref<50x64xf32, #tpu.memory_space<hbm>>
    %dma_wait3A_335 = tpu.memref_slice %arg8[%dma_wait3A_326] : memref<8x!tpu.dma_semaphore, #tpu.memory_space<semaphore_mem>> -> memref<1x!tpu.dma_semaphore, #tpu.memory_space<semaphore_mem>>
    %dma_wait3A_336 = tpu.memref_squeeze %dma_wait3A_335 : memref<1x!tpu.dma_semaphore, #tpu.memory_space<semaphore_mem>> -> memref<!tpu.dma_semaphore, #tpu.memory_space<semaphore_mem>>
    %dma_wait3A_337 = arith.constant 0 : i32
    %dma_wait3A_338 = arith.constant 0 : i32
    %dma_wait3A_339 = tpu.memref_slice %arg4[%add3A_304, %dma_wait3A_337, %dma_wait3A_338] : memref<16384x50x64xf32, #tpu.memory_space<hbm>> -> memref<1x50x64xf32, #tpu.memory_space<hbm>>
    %dma_wait3A_340 = tpu.memref_squeeze %dma_wait3A_339 : memref<1x50x64xf32, #tpu.memory_space<hbm>> -> memref<50x64xf32, #tpu.memory_space<hbm>>
    %dma_wait3A_341 = arith.constant 50 : i32
    %dma_wait3A_342 = arith.constant 0 : i32
    %dma_wait3A_343 = tpu.memref_slice %arg6[%dma_wait3A_325, %dma_wait3A_341, %dma_wait3A_342] : memref<8x100x64xf32, #tpu.memory_space<vmem>> -> memref<1x50x64xf32, #tpu.memory_space<vmem>>
    %dma_wait3A_344 = tpu.memref_squeeze %dma_wait3A_343 : memref<1x50x64xf32, #tpu.memory_space<vmem>> -> memref<50x64xf32, #tpu.memory_space<vmem>>
    tpu.wait_dma2 semaphore(%dma_wait3A_336 : memref<!tpu.dma_semaphore, #tpu.memory_space<semaphore_mem>>) src(%dma_wait3A_344 : memref<50x64xf32, #tpu.memory_space<vmem>>) dst(%dma_wait3A_340 : memref<50x64xf32, #tpu.memory_space<hbm>>)
    %add3A_345 = arith.constant 508 : i32
    %add3A_346 = arith.addi %mul3A_4, %add3A_345 : i32
    %add3A_347 = arith.constant 0 : i32
    %add3A_348 = arith.addi %add3A_346, %add3A_347 : i32
    %add3A_349 = arith.constant 1 : i32
    %add3A_350 = arith.addi %add3A_346, %add3A_349 : i32
    %dma_wait3A_351 = arith.constant 6 : i32
    %dma_wait3A_352 = arith.constant 6 : i32
    %dma_wait3A_353 = arith.constant 0 : i32
    %dma_wait3A_354 = arith.constant 0 : i32
    %dma_wait3A_355 = tpu.memref_slice %arg6[%dma_wait3A_351, %dma_wait3A_353, %dma_wait3A_354] : memref<8x100x64xf32, #tpu.memory_space<vmem>> -> memref<1x50x64xf32, #tpu.memory_space<vmem>>
    %dma_wait3A_356 = tpu.memref_squeeze %dma_wait3A_355 : memref<1x50x64xf32, #tpu.memory_space<vmem>> -> memref<50x64xf32, #tpu.memory_space<vmem>>
    %dma_wait3A_357 = arith.constant 0 : i32
    %dma_wait3A_358 = arith.constant 0 : i32
    %dma_wait3A_359 = tpu.memref_slice %arg4[%add3A_348, %dma_wait3A_357, %dma_wait3A_358] : memref<16384x50x64xf32, #tpu.memory_space<hbm>> -> memref<1x50x64xf32, #tpu.memory_space<hbm>>
    %dma_wait3A_360 = tpu.memref_squeeze %dma_wait3A_359 : memref<1x50x64xf32, #tpu.memory_space<hbm>> -> memref<50x64xf32, #tpu.memory_space<hbm>>
    %dma_wait3A_361 = tpu.memref_slice %arg8[%dma_wait3A_352] : memref<8x!tpu.dma_semaphore, #tpu.memory_space<semaphore_mem>> -> memref<1x!tpu.dma_semaphore, #tpu.memory_space<semaphore_mem>>
    %dma_wait3A_362 = tpu.memref_squeeze %dma_wait3A_361 : memref<1x!tpu.dma_semaphore, #tpu.memory_space<semaphore_mem>> -> memref<!tpu.dma_semaphore, #tpu.memory_space<semaphore_mem>>
    %dma_wait3A_363 = arith.constant 0 : i32
    %dma_wait3A_364 = arith.constant 0 : i32
    %dma_wait3A_365 = tpu.memref_slice %arg4[%add3A_348, %dma_wait3A_363, %dma_wait3A_364] : memref<16384x50x64xf32, #tpu.memory_space<hbm>> -> memref<1x50x64xf32, #tpu.memory_space<hbm>>
    %dma_wait3A_366 = tpu.memref_squeeze %dma_wait3A_365 : memref<1x50x64xf32, #tpu.memory_space<hbm>> -> memref<50x64xf32, #tpu.memory_space<hbm>>
    %dma_wait3A_367 = arith.constant 0 : i32
    %dma_wait3A_368 = arith.constant 0 : i32
    %dma_wait3A_369 = tpu.memref_slice %arg6[%dma_wait3A_351, %dma_wait3A_367, %dma_wait3A_368] : memref<8x100x64xf32, #tpu.memory_space<vmem>> -> memref<1x50x64xf32, #tpu.memory_space<vmem>>
    %dma_wait3A_370 = tpu.memref_squeeze %dma_wait3A_369 : memref<1x50x64xf32, #tpu.memory_space<vmem>> -> memref<50x64xf32, #tpu.memory_space<vmem>>
    tpu.wait_dma2 semaphore(%dma_wait3A_362 : memref<!tpu.dma_semaphore, #tpu.memory_space<semaphore_mem>>) src(%dma_wait3A_370 : memref<50x64xf32, #tpu.memory_space<vmem>>) dst(%dma_wait3A_366 : memref<50x64xf32, #tpu.memory_space<hbm>>)
    %dma_wait3A_371 = arith.constant 6 : i32
    %dma_wait3A_372 = arith.constant 6 : i32
    %dma_wait3A_373 = arith.constant 50 : i32
    %dma_wait3A_374 = arith.constant 0 : i32
    %dma_wait3A_375 = tpu.memref_slice %arg6[%dma_wait3A_371, %dma_wait3A_373, %dma_wait3A_374] : memref<8x100x64xf32, #tpu.memory_space<vmem>> -> memref<1x50x64xf32, #tpu.memory_space<vmem>>
    %dma_wait3A_376 = tpu.memref_squeeze %dma_wait3A_375 : memref<1x50x64xf32, #tpu.memory_space<vmem>> -> memref<50x64xf32, #tpu.memory_space<vmem>>
    %dma_wait3A_377 = arith.constant 0 : i32
    %dma_wait3A_378 = arith.constant 0 : i32
    %dma_wait3A_379 = tpu.memref_slice %arg4[%add3A_350, %dma_wait3A_377, %dma_wait3A_378] : memref<16384x50x64xf32, #tpu.memory_space<hbm>> -> memref<1x50x64xf32, #tpu.memory_space<hbm>>
    %dma_wait3A_380 = tpu.memref_squeeze %dma_wait3A_379 : memref<1x50x64xf32, #tpu.memory_space<hbm>> -> memref<50x64xf32, #tpu.memory_space<hbm>>
    %dma_wait3A_381 = tpu.memref_slice %arg8[%dma_wait3A_372] : memref<8x!tpu.dma_semaphore, #tpu.memory_space<semaphore_mem>> -> memref<1x!tpu.dma_semaphore, #tpu.memory_space<semaphore_mem>>
    %dma_wait3A_382 = tpu.memref_squeeze %dma_wait3A_381 : memref<1x!tpu.dma_semaphore, #tpu.memory_space<semaphore_mem>> -> memref<!tpu.dma_semaphore, #tpu.memory_space<semaphore_mem>>
    %dma_wait3A_383 = arith.constant 0 : i32
    %dma_wait3A_384 = arith.constant 0 : i32
    %dma_wait3A_385 = tpu.memref_slice %arg4[%add3A_350, %dma_wait3A_383, %dma_wait3A_384] : memref<16384x50x64xf32, #tpu.memory_space<hbm>> -> memref<1x50x64xf32, #tpu.memory_space<hbm>>
    %dma_wait3A_386 = tpu.memref_squeeze %dma_wait3A_385 : memref<1x50x64xf32, #tpu.memory_space<hbm>> -> memref<50x64xf32, #tpu.memory_space<hbm>>
    %dma_wait3A_387 = arith.constant 50 : i32
    %dma_wait3A_388 = arith.constant 0 : i32
    %dma_wait3A_389 = tpu.memref_slice %arg6[%dma_wait3A_371, %dma_wait3A_387, %dma_wait3A_388] : memref<8x100x64xf32, #tpu.memory_space<vmem>> -> memref<1x50x64xf32, #tpu.memory_space<vmem>>
    %dma_wait3A_390 = tpu.memref_squeeze %dma_wait3A_389 : memref<1x50x64xf32, #tpu.memory_space<vmem>> -> memref<50x64xf32, #tpu.memory_space<vmem>>
    tpu.wait_dma2 semaphore(%dma_wait3A_382 : memref<!tpu.dma_semaphore, #tpu.memory_space<semaphore_mem>>) src(%dma_wait3A_390 : memref<50x64xf32, #tpu.memory_space<vmem>>) dst(%dma_wait3A_386 : memref<50x64xf32, #tpu.memory_space<hbm>>)
    %add3A_391 = arith.constant 510 : i32
    %add3A_392 = arith.addi %mul3A_4, %add3A_391 : i32
    %add3A_393 = arith.constant 0 : i32
    %add3A_394 = arith.addi %add3A_392, %add3A_393 : i32
    %add3A_395 = arith.constant 1 : i32
    %add3A_396 = arith.addi %add3A_392, %add3A_395 : i32
    %dma_wait3A_397 = arith.constant 7 : i32
    %dma_wait3A_398 = arith.constant 7 : i32
    %dma_wait3A_399 = arith.constant 0 : i32
    %dma_wait3A_400 = arith.constant 0 : i32
    %dma_wait3A_401 = tpu.memref_slice %arg6[%dma_wait3A_397, %dma_wait3A_399, %dma_wait3A_400] : memref<8x100x64xf32, #tpu.memory_space<vmem>> -> memref<1x50x64xf32, #tpu.memory_space<vmem>>
    %dma_wait3A_402 = tpu.memref_squeeze %dma_wait3A_401 : memref<1x50x64xf32, #tpu.memory_space<vmem>> -> memref<50x64xf32, #tpu.memory_space<vmem>>
    %dma_wait3A_403 = arith.constant 0 : i32
    %dma_wait3A_404 = arith.constant 0 : i32
    %dma_wait3A_405 = tpu.memref_slice %arg4[%add3A_394, %dma_wait3A_403, %dma_wait3A_404] : memref<16384x50x64xf32, #tpu.memory_space<hbm>> -> memref<1x50x64xf32, #tpu.memory_space<hbm>>
    %dma_wait3A_406 = tpu.memref_squeeze %dma_wait3A_405 : memref<1x50x64xf32, #tpu.memory_space<hbm>> -> memref<50x64xf32, #tpu.memory_space<hbm>>
    %dma_wait3A_407 = tpu.memref_slice %arg8[%dma_wait3A_398] : memref<8x!tpu.dma_semaphore, #tpu.memory_space<semaphore_mem>> -> memref<1x!tpu.dma_semaphore, #tpu.memory_space<semaphore_mem>>
    %dma_wait3A_408 = tpu.memref_squeeze %dma_wait3A_407 : memref<1x!tpu.dma_semaphore, #tpu.memory_space<semaphore_mem>> -> memref<!tpu.dma_semaphore, #tpu.memory_space<semaphore_mem>>
    %dma_wait3A_409 = arith.constant 0 : i32
    %dma_wait3A_410 = arith.constant 0 : i32
    %dma_wait3A_411 = tpu.memref_slice %arg4[%add3A_394, %dma_wait3A_409, %dma_wait3A_410] : memref<16384x50x64xf32, #tpu.memory_space<hbm>> -> memref<1x50x64xf32, #tpu.memory_space<hbm>>
    %dma_wait3A_412 = tpu.memref_squeeze %dma_wait3A_411 : memref<1x50x64xf32, #tpu.memory_space<hbm>> -> memref<50x64xf32, #tpu.memory_space<hbm>>
    %dma_wait3A_413 = arith.constant 0 : i32
    %dma_wait3A_414 = arith.constant 0 : i32
    %dma_wait3A_415 = tpu.memref_slice %arg6[%dma_wait3A_397, %dma_wait3A_413, %dma_wait3A_414] : memref<8x100x64xf32, #tpu.memory_space<vmem>> -> memref<1x50x64xf32, #tpu.memory_space<vmem>>
    %dma_wait3A_416 = tpu.memref_squeeze %dma_wait3A_415 : memref<1x50x64xf32, #tpu.memory_space<vmem>> -> memref<50x64xf32, #tpu.memory_space<vmem>>
    tpu.wait_dma2 semaphore(%dma_wait3A_408 : memref<!tpu.dma_semaphore, #tpu.memory_space<semaphore_mem>>) src(%dma_wait3A_416 : memref<50x64xf32, #tpu.memory_space<vmem>>) dst(%dma_wait3A_412 : memref<50x64xf32, #tpu.memory_space<hbm>>)
    %dma_wait3A_417 = arith.constant 7 : i32
    %dma_wait3A_418 = arith.constant 7 : i32
    %dma_wait3A_419 = arith.constant 50 : i32
    %dma_wait3A_420 = arith.constant 0 : i32
    %dma_wait3A_421 = tpu.memref_slice %arg6[%dma_wait3A_417, %dma_wait3A_419, %dma_wait3A_420] : memref<8x100x64xf32, #tpu.memory_space<vmem>> -> memref<1x50x64xf32, #tpu.memory_space<vmem>>
    %dma_wait3A_422 = tpu.memref_squeeze %dma_wait3A_421 : memref<1x50x64xf32, #tpu.memory_space<vmem>> -> memref<50x64xf32, #tpu.memory_space<vmem>>
    %dma_wait3A_423 = arith.constant 0 : i32
    %dma_wait3A_424 = arith.constant 0 : i32
    %dma_wait3A_425 = tpu.memref_slice %arg4[%add3A_396, %dma_wait3A_423, %dma_wait3A_424] : memref<16384x50x64xf32, #tpu.memory_space<hbm>> -> memref<1x50x64xf32, #tpu.memory_space<hbm>>
    %dma_wait3A_426 = tpu.memref_squeeze %dma_wait3A_425 : memref<1x50x64xf32, #tpu.memory_space<hbm>> -> memref<50x64xf32, #tpu.memory_space<hbm>>
    %dma_wait3A_427 = tpu.memref_slice %arg8[%dma_wait3A_418] : memref<8x!tpu.dma_semaphore, #tpu.memory_space<semaphore_mem>> -> memref<1x!tpu.dma_semaphore, #tpu.memory_space<semaphore_mem>>
    %dma_wait3A_428 = tpu.memref_squeeze %dma_wait3A_427 : memref<1x!tpu.dma_semaphore, #tpu.memory_space<semaphore_mem>> -> memref<!tpu.dma_semaphore, #tpu.memory_space<semaphore_mem>>
    %dma_wait3A_429 = arith.constant 0 : i32
    %dma_wait3A_430 = arith.constant 0 : i32
    %dma_wait3A_431 = tpu.memref_slice %arg4[%add3A_396, %dma_wait3A_429, %dma_wait3A_430] : memref<16384x50x64xf32, #tpu.memory_space<hbm>> -> memref<1x50x64xf32, #tpu.memory_space<hbm>>
    %dma_wait3A_432 = tpu.memref_squeeze %dma_wait3A_431 : memref<1x50x64xf32, #tpu.memory_space<hbm>> -> memref<50x64xf32, #tpu.memory_space<hbm>>
    %dma_wait3A_433 = arith.constant 50 : i32
    %dma_wait3A_434 = arith.constant 0 : i32
    %dma_wait3A_435 = tpu.memref_slice %arg6[%dma_wait3A_417, %dma_wait3A_433, %dma_wait3A_434] : memref<8x100x64xf32, #tpu.memory_space<vmem>> -> memref<1x50x64xf32, #tpu.memory_space<vmem>>
    %dma_wait3A_436 = tpu.memref_squeeze %dma_wait3A_435 : memref<1x50x64xf32, #tpu.memory_space<vmem>> -> memref<50x64xf32, #tpu.memory_space<vmem>>
    tpu.wait_dma2 semaphore(%dma_wait3A_428 : memref<!tpu.dma_semaphore, #tpu.memory_space<semaphore_mem>>) src(%dma_wait3A_436 : memref<50x64xf32, #tpu.memory_space<vmem>>) dst(%dma_wait3A_432 : memref<50x64xf32, #tpu.memory_space<hbm>>)
    return
  }
}

</mosaic_0001>

<sc_bundles>
// kernel: _embedding_lookup.3.cloned.1.call-start
scs
__scs_entry_jumppad:
0x0: {  	(pc) =	sbr.rel $0x88, $3  }
0x1: {  	(tag) =	ssettag $0x0;
	lr =	simm.s32 $0x1  }
0x2: {  	[smem:$0x3F9F] =	sst lr;
	_ =	strace $0xD0000000  }
0x3: {  	_ = 	snop  }
0x4: {  	_ = 	snop  }
0x5: {  	_ = 	snop  }
0x6: {  	_ = 	snop  }
0x7: {  	_ = 	snop  }
__scs_overlays_trampoline_lowered:
0x8: {  	[smem:$0x3FAE] =	sst s0  }
0x9: {  	[smem:$0x3FAF] =	sst s1  }
0xa: {  	[smem:$0x3FB0] =	sst s2  }
0xb: {  	[smem:$0x3FB1] =	sst s3  }
0xc: {  	[smem:$0x3FB2] =	sst s4  }
0xd: {  	[smem:$0x3FB3] =	sst s5  }
0xe: {  	[smem:$0x3FB4] =	sst s6  }
0xf: {  	[smem:$0x3FB5] =	sst s7  }
0x10: {  	[smem:$0x3FB6] =	sst s8  }
0x11: {  	[smem:$0x3FB7] =	sst s9;
	s0 =	simm.s32 @!p0 $0x0  }
0x12: {  	s1 =	sld [smem:$0x3F9D];
	s0 =	simm.s32 @p0 $0x1  }
0x13: {  	[smem:$0x3FB8] =	sst s0;
	s0 =	simm.s32 @!p1 $0x0  }
0x14: {  	s2 =	sld [smem:$0x3F9C];
	s0 =	simm.s32 @p1 $0x1  }
0x15: {  	[smem:$0x3FB9] =	sst s0;
	s0 =	simm.s32 @!p2 $0x0  }
0x16: {  	s3 =	sld [smem:$0x3FDB];
	s0 =	simm.s32 @p2 $0x1  }
0x17: {  	s4 =	simm.s32 $0x1BF5;
	[smem:$0x3FBB] =	sst s0  }
0x18: {  	s0 =	sld [smem:$0x3F9E];
	_ =	swait.ge [sflag:s4], $0x0  }
0x19: {  	s7 =	sld [smem:$0x3F9F]  }
0x1a: {  	s8 =	sadd.s32 $0xFFFFE003, lr  }
0x1b: {  	s9 =	sadd.s32 $0xFFFFFEF7, lr;
	s5 =	simm.s32 $0xFFFFFFFF;
	p2 =	slt.u32 s8, $0xFFFFF086  }
0x1c: {  	p1 =	slt.u32 s9, $0xF7A;
	s5 =	simm.s32 @!p2 $0x0  }
0x1d: {  	s5 =	simm.s32 @p1 $0x1;
	p0 =	seq.s32 s7, s2  }
0x1e: {  	s7 =	smul.u32 @!p0 $0xF7A, s2;
	p2 =	seq.s32 @!p0 s5, $0x0  }
0x1f: {  	s9 =	smul.u32 $0xF7A, s1;
	s8 =	simm.s32 @!p0 $0x1BF5;
	p2 =	por !p2, p0  }
0x20: {  	[sflag:s8] =	ssyncset.s32 @!p0 $0xFFFFF086;
	s6 =	sadd.s32 @!p0 s3, s7;
	s7 =	simm.s32 @!p0 $0x108  }
0x21: {  	s3 =	sadd.s32 s3, s9;
	s6 =	sadd.s32 @!p0 $0x88, s6;
	s7 =	simm.s32 @p2 $0x1082  }
0x22: {  	[simem:s7], [sflag:s8] =	dma.local @!p0 [hbm:s6], $0xF7A  }
0x23: {  	s9 =	sor.u32 $0xD0000000, s2;
	s6 =	simm.s32 $0x108;
	_ =	swait.ge @!p0 [sflag:s8], $0x0  }
0x24: {  	s3 =	sadd.s32 $0x88, s3;
	s6 =	simm.s32 @!p1 $0x1082;
	[sflag:s4] =	ssyncset.s32 $0xFFFFF086  }
0x25: {  	[simem:s6], [sflag:s4] =	dma.local [hbm:s3], $0xF7A  }
0x26: {  	[smem:$0x3F9F] =	sst s1;
	(tag) =	ssettag s2;
	_ =	strace s9  }
0x27: {  	s1 =	sld [smem:$0x3FAF]  }
0x28: {  	s2 =	sld [smem:$0x3FB0]  }
0x29: {  	s4 =	sld [smem:$0x3FB2]  }
0x2a: {  	p0 =	seq.s32 s5, $0x0;
	s5 =	sld [smem:$0x3FB3]  }
0x2b: {  	s6 =	sld [smem:$0x3FB4]  }
0x2c: {  	s7 =	sld [smem:$0x3FB5]  }
0x2d: {  	s3 =	simm.s32 $0x108;
	s8 =	sld [smem:$0x3FB6]  }
0x2e: {  	s3 =	simm.s32 @!p0 $0x1082;
	s9 =	sld [smem:$0x3FB7]  }
0x2f: {  	lr =	sadd.s32 s0, s3;
	s0 =	sld [smem:$0x3FAE]  }
0x30: {  	s3 =	sld [smem:$0x3FB1]  }
0x31: {  	[smem:$0x3FBA] =	sst s10  }
0x32: {  	s10 =	sld [smem:$0x3FB8];
	_ =	sdelay $0x3  }
0x33: {  	p0 =	seq.s32 s10, $0x1;
	s10 =	sld [smem:$0x3FBA];
	_ =	sdelay $0x3  }
0x34: {  	[smem:$0x3FBA] =	sst s10  }
0x35: {  	s10 =	sld [smem:$0x3FB9];
	_ =	sdelay $0x3  }
0x36: {  	p1 =	seq.s32 s10, $0x1;
	s10 =	sld [smem:$0x3FBA];
	_ =	sdelay $0x3  }
0x37: {  	[smem:$0x3FBA] =	sst s10  }
0x38: {  	s10 =	sld [smem:$0x3FBB]  }
0x39: {  	_ = 	snop;
	(pc) =	sbr.ind lr, $3  }
0x3a: {  	_ = 	snop  }
0x3b: {  	_ = 	snop  }
0x3c: {  	p2 =	seq.s32 s10, $0x1;
	s10 =	sld [smem:$0x3FBA]  }
0x3d: {  	_ =	shalt  }
0x3e: {  	_ =	shalt  }
0x3f: {  	_ =	shalt  }
0x40: {  	_ =	shalt  }
0x41: {  	_ =	shalt  }
0x42: {  	_ =	shalt  }
0x43: {  	_ =	shalt  }
0x44: {  	_ =	shalt  }
0x45: {  	_ =	shalt  }
0x46: {  	_ =	shalt  }
0x47: {  	_ =	shalt  }
0x48: {  	_ =	shalt  }
0x49: {  	_ =	shalt  }
0x4a: {  	_ =	shalt  }
0x4b: {  	_ =	shalt  }
0x4c: {  	_ =	shalt  }
0x4d: {  	_ =	shalt  }
0x4e: {  	_ =	shalt  }
0x4f: {  	_ =	shalt  }
0x50: {  	_ =	shalt  }
0x51: {  	_ =	shalt  }
0x52: {  	_ =	shalt  }
0x53: {  	_ =	shalt  }
0x54: {  	_ =	shalt  }
0x55: {  	_ =	shalt  }
0x56: {  	_ =	shalt  }
0x57: {  	_ =	shalt  }
0x58: {  	_ =	shalt  }
0x59: {  	_ =	shalt  }
0x5a: {  	_ =	shalt  }
0x5b: {  	_ =	shalt  }
0x5c: {  	_ =	shalt  }
0x5d: {  	_ =	shalt  }
0x5e: {  	_ =	shalt  }
0x5f: {  	_ =	shalt  }
0x60: {  	_ =	shalt  }
0x61: {  	_ =	shalt  }
0x62: {  	_ =	shalt  }
0x63: {  	_ =	shalt  }
0x64: {  	_ =	shalt  }
0x65: {  	_ =	shalt  }
0x66: {  	_ =	shalt  }
0x67: {  	_ =	shalt  }
0x68: {  	_ =	shalt  }
0x69: {  	_ =	shalt  }
0x6a: {  	_ =	shalt  }
0x6b: {  	_ =	shalt  }
0x6c: {  	_ =	shalt  }
0x6d: {  	_ =	shalt  }
0x6e: {  	_ =	shalt  }
0x6f: {  	_ =	shalt  }
0x70: {  	_ =	shalt  }
0x71: {  	_ =	shalt  }
0x72: {  	_ =	shalt  }
0x73: {  	_ =	shalt  }
0x74: {  	_ =	shalt  }
0x75: {  	_ =	shalt  }
0x76: {  	_ =	shalt  }
0x77: {  	_ =	shalt  }
0x78: {  	_ =	shalt  }
0x79: {  	_ =	shalt  }
0x7a: {  	_ =	shalt  }
0x7b: {  	_ =	shalt  }
0x7c: {  	_ =	shalt  }
0x7d: {  	_ =	shalt  }
0x7e: {  	_ =	shalt  }
0x7f: {  	_ =	shalt  }
0x80: {  	_ =	shalt  }
0x81: {  	_ =	shalt  }
0x82: {  	_ =	shalt  }
0x83: {  	_ =	shalt  }
0x84: {  	_ =	shalt  }
0x85: {  	_ =	shalt  }
0x86: {  	_ =	shalt  }
0x87: {  	_ =	shalt  }
.Lfunc_end0:
.L_simem_size_0:
called_computation.1_lowered:
.L_overlay_start_0:
0x88: {  	s2 =	sld [smem:$0x3FD9]  }
0x89: {  	s3 =	sld [smem:$0x3FFE];
	_ =	sdelay $0x1  }
0x8a: {  	s1 =	srdreg.scid  }
0x8b: {  	s0 =	sand.u32 $0x1, s1  }
0x8c: {  	s17 =	sshll.u32 s0, $0xA;
	s2 =	sadd.s32 s3, s2  }
0x8d: {  	s2 =	sadd.s32 s2, s17  }
0x8e: {  	[smem:$0x3FC6] =	sst s2  }
0x8f: {  	_ = 	snop  }
0x90: {  	s2 =	sld [smem:$0x3FD0];
	(tm) =	ssettm $0x1  }
0x91: {  	s18 =	sld [smem:$0x3FFB];
	_ =	sdelay $0x3  }
0x92: {  	_ =	strace s18  }
0x93: {  	s3 =	sld [smem:$0x3FFC];
	_ =	sdelay $0x3  }
0x94: {  	_ =	strace s3  }
0x95: {  	s3 =	sld [smem:$0x3FFD];
	_ =	sdelay $0x3  }
0x96: {  	_ =	strace s3  }
0x97: {  	_ =	strace $0x8FFFFFFF  }
0x98: {  	s19 =	sld [smem:$0x3FDB];
	_ =	sdelay $0x1  }
0x99: {  	s4 =	simm.s32 $_scs_section_size  }
0x9a: {  	s5 =	simm.s32 $_size__tile_overlayer_lowered;
	s6 =	simm.s32 $_tile_overlayer_lowered  }
0x9b: {  	s22 =	simm.s32 $0x1BFF;
	s21 =	sshll.u32 s6, $0x1;
	s3 =	sadd.s32 s4, s19  }
0x9c: {  	s7 =	simm.s32 $0x0;
	s20 =	sshll.u32 s5, $0x1;
	s5 =	sadd.s32 s21, s3  }
0x9d: {  	[timem:s7], [sflag:s22] =	dma.local [hbm:s5], s20  }
0x9e: {  	_ =	swait.ge [sflag:s22], s20  }
0x9f: {  	s4 =	ssub.s32 $0x0, s20;
	[sflag:s22] =	ssyncset.done $0x0  }
0xa0: {  	[sflag:s22] =	ssyncadd.s32 s4;
	_ =	sdelay $0x1  }
0xa1: {  	s23 =	simm.s32 $0x1B8B  }
0xa2: {  	_ =	swait.ge [sflag:s23], $0x1  }
0xa3: {  	[sflag:s23] =	ssyncset.done $0x0  }
0xa4: {  	s25 =	simm.s32 $0x1B8E;
	s24 =	sld [smem:$0x3FFE];
	[sflag:s23] =	ssyncadd.s32 $0xFFFFFFFF  }
0xa5: {  	s26 =	simm.s32 $execute0_lowered;
	[smem:$0x3FD2] =	sst s25  }
0xa6: {  	s5 =	sshll.u32 s26, $0x1;
	_ =	strace $0x80000046;
	[dreg:$0x1] =	wrdreg $0xFFFFFFFF  }
0xa7: {  	s28 =	simm.s32 $_size_execute0_lowered;
	s3 =	sadd.s32 s3, s5;
	[dreg:$0x0] =	wrdreg $0x0  }
0xa8: {  	s5 =	sshll.u32 s28, $0x1;
	[dreg:$0x2] =	wrdreg s3  }
0xa9: {  	[dreg:$0x3] =	wrdreg s5  }
0xaa: {  	[dreg:$0x4] =	wrdreg $0xC0  }
0xab: {  	_ =	task [dreg:s7], $0x5FFFF  }
0xac: {  	[dreg:$0x1] =	wrdreg $0xFFFFFFFF  }
0xad: {  	[dreg:$0x0] =	wrdreg $0x60  }
0xae: {  	[dreg:$0x2] =	wrdreg s24  }
0xaf: {  	[dreg:$0x3] =	wrdreg s2  }
0xb0: {  	[dreg:$0x4] =	wrdreg $0x9  }
0xb1: {  	_ =	task.clear_ibuf [dreg:s7], $0x5FFFF;
	_ =	strace $0x90000046  }
0xb2: {  	s29 =	simm.s32 $0x9;
	_ =	strace $0x80000048  }
0xb3: {  	_ =	swait.ge [sflag:s29], $0x1  }
0xb4: {  	[sflag:s29] =	ssyncadd.s32 $0xFFFFFFFF  }
0xb5: {  	_ =	strace $0x90000048  }
0xb6: {  	_ =	sfence  }
0xb7: {  	s30 =	sld [smem:$0x0];
	_ =	sdelay $0x2  }
0xb8: {  	s31 =	sshll.u32 s1, $0xD;
	s1 =	sshrl.u32 s1, $0x2  }
0xb9: {  	s3 =	sand.u32 $0x4000, s31;
	s1 =	sadd.s32 s1, s30  }
0xba: {  	s0 =	sor.u32 s3, s0;
	s1 =	sshll.u32 s1, $0x11  }
0xbb: {  	s0 =	sor.u32 s1, s0  }
0xbc: {  	s0 =	sadd.s32 $0x8F2B, s0  }
0xbd: {  	[sflag:s0] =	ssyncadd.remote.s32 $0x1  }
0xbe: {  	_ =	sfence.sel $0xFFFF  }
0xbf: {  	[dreg:$0x0] =	wrdreg $0xFFFFFFFF;
	(pc) =	sbr.abs _section_cstart, $3  }
0xc0: {  	[dreg:$0x1] =	wrdreg $0xFFFFFFFF  }
0xc1: {  	_ =	task.clear_ibuf [dreg:s7], $0x2FFFF;
	_ =	strace $0x9FFFFFFF  }
0xc2: {  	(tm) =	ssettm $0x7FFFFFFF  }
0xc3: {  	_ =	shalt  }
tec
execute0_lowered:
.L_overlay_start_1:
0x0: {  	(tag) =	ssettag $0x1  }
0x1: {  	s0 =	srdreg.scid  }
0x2: {  	s10 =	stileid.u32;
	s1 =	rddreg [dreg:$0x0]  }
0x3: {  	s4 =	rddreg [dreg:$0x1];
	s28 =	simm.s32 $0x2;
	s6 =	smul.u32 $0x320000, s10  }
0x4: {  	s30 =	simm.s32 $0xE500;
	s0 =	sand.u32 $0x1, s0;
	s17 =	smul.u32 $0x64000, s10  }
0x5: {  	s31 =	simm.s32 $0x3;
	s2 =	sshll.u32 s10, $0x1;
	s8 =	smul.u32 $0x190000, s0  }
0x6: {  	s3 =	sor.u32 s0, s2;
	s5 =	ssub.s32 $0x2, s0;
	s0 =	smul.u32 $0x32000, s0  }
0x7: {  	s29 =	simm.s32 $0x8;
	s2 =	simm.s32 $0x0;
	s3 =	smul.u32 $0xD00, s3  }
0x8: {  	[smem:$0x7FF] =	sst s2;
	s7 =	sshrl.u32 s5, $0x1;
	s19 =	sadd.s32 s17, s4  }
0x9: {  	s17 =	simm.s32 $0x0;
	_ =	strace $0x80000047;
	s14 =	ssub.s32 s5, s7  }
0xa: {  	s16 =	sadd.s32 s8, s6;
	s7 =	sadd.s32 s0, s19;
	s9 =	sadd.s32 s3, s1  }
0xb: {  	s3 =	sadd.s32 $0xF42E00, s1;
	s1 =	smax.u32 s14, $0x1;
	s18 =	sor.u32 $0x5780, s16  }
0xc: {  	s8 =	sor.u32 $0x3E80, s16;
	s21 =	sor.u32 $0x2580, s16;
	s22 =	sor.u32 $0xC80, s16  }
0xd: {  	s11 =	sor.u32 $0xBB80, s16;
	s24 =	sor.u32 $0xA280, s16;
	s25 =	sor.u32 $0x8980, s16  }
0xe: {  	s5 =	sor.u32 $0x7080, s16;
	s16 =	simm.s32 $0x64;
	s15 =	sadd.s32 $0xA00, s9  }
0xf: {  	[dreg:$0x4] =	wrdreg s1;
	s1 =	sshrl.u32 s18, $0x3;
	s20 =	sshrl.u32 s8, $0x3  }
0x10: {  	s0 =	sshrl.u32 s21, $0x3;
	s23 =	sshrl.u32 s11, $0x3;
	s26 =	sshrl.u32 s5, $0x3  }
0x11: {  	s18 =	simm.s32 $0x4;
	[dreg:$0x3] =	wrdreg s15;
	s1 =	sadd.s32 s1, s4  }
0x12: {  	s8 =	sadd.s32 s20, s4;
	s9 =	sadd.s32 s0, s4;
	s11 =	sadd.s32 s23, s4  }
0x13: {  	s0 =	sshrl.u32 s24, $0x3;
	s14 =	sadd.s32 s26, s4;
	s23 =	simm.s32 $0xB300  }
.Ltmp0:
0x14: {  	s24 =	simm.s32 $0x1;
	s26 =	simm.s32 $0xCC00;
	(pc) =	sbr.rel .LBB2_1-.Ltmp0, $4  }
0x15: {  	s15 =	simm.s32 $0x6;
	[dreg:$0x5] =	wrdreg s1;
	s1 =	sshrl.u32 s22, $0x3  }
0x16: {  	s12 =	sadd.s32 s0, s4;
	s0 =	simm.s32 $0xFE00;
	s22 =	simm.s32 $0x11700  }
0x17: {  	s10 =	sadd.s32 s1, s4;
	s1 =	sshrl.u32 s25, $0x3;
	s25 =	simm.s32 $0x7  }
0x18: {  	s13 =	sadd.s32 s1, s4;
	s4 =	simm.s32 $0x5;
	s1 =	simm.s32 $0xC  }
.LBB2_4:
0x19: {  	s5 =	simm.s32 $0x9  }
0x1a: {  	_ =	swait.ge [sflag:s5], $0xC80  }
0x1b: {  	[sflag:s5] =	ssyncset.done $0x0  }
0x1c: {  	[sflag:s5] =	ssyncadd.s32 $0xFFFFF380  }
0x1d: {  	_ =	swait.ge [sflag:s5], $0xC80  }
0x1e: {  	[sflag:s5] =	ssyncset.done $0x0  }
0x1f: {  	s21 =	simm.s32 $0xA;
	[sflag:s5] =	ssyncadd.s32 $0xFFFFF380  }
0x20: {  	_ =	swait.ge [sflag:s21], $0xC80  }
0x21: {  	[sflag:s21] =	ssyncset.done $0x0  }
0x22: {  	[sflag:s21] =	ssyncadd.s32 $0xFFFFF380  }
0x23: {  	_ =	swait.ge [sflag:s21], $0xC80  }
0x24: {  	[sflag:s21] =	ssyncset.done $0x0  }
0x25: {  	s6 =	simm.s32 $0xB;
	[sflag:s21] =	ssyncadd.s32 $0xFFFFF380  }
0x26: {  	_ =	swait.ge [sflag:s6], $0xC80  }
0x27: {  	[sflag:s6] =	ssyncset.done $0x0  }
0x28: {  	[sflag:s6] =	ssyncadd.s32 $0xFFFFF380  }
0x29: {  	_ =	swait.ge [sflag:s6], $0xC80  }
0x2a: {  	[sflag:s6] =	ssyncset.done $0x0  }
0x2b: {  	[sflag:s6] =	ssyncadd.s32 $0xFFFFF380  }
0x2c: {  	_ =	swait.ge [sflag:s1], $0xC80  }
0x2d: {  	[sflag:s1] =	ssyncset.done $0x0  }
0x2e: {  	[sflag:s1] =	ssyncadd.s32 $0xFFFFF380  }
0x2f: {  	_ =	swait.ge [sflag:s1], $0xC80  }
0x30: {  	[sflag:s1] =	ssyncset.done $0x0  }
0x31: {  	s17 =	simm.s32 $0xD;
	[sflag:s1] =	ssyncadd.s32 $0xFFFFF380  }
0x32: {  	_ =	swait.ge [sflag:s17], $0xC80  }
0x33: {  	[sflag:s17] =	ssyncset.done $0x0  }
0x34: {  	[sflag:s17] =	ssyncadd.s32 $0xFFFFF380  }
0x35: {  	_ =	swait.ge [sflag:s17], $0xC80  }
0x36: {  	[sflag:s17] =	ssyncset.done $0x0  }
0x37: {  	s19 =	simm.s32 $0xE;
	[sflag:s17] =	ssyncadd.s32 $0xFFFFF380  }
0x38: {  	_ =	swait.ge [sflag:s19], $0xC80  }
0x39: {  	[sflag:s19] =	ssyncset.done $0x0  }
0x3a: {  	[sflag:s19] =	ssyncadd.s32 $0xFFFFF380  }
0x3b: {  	_ =	swait.ge [sflag:s19], $0xC80  }
0x3c: {  	[sflag:s19] =	ssyncset.done $0x0  }
0x3d: {  	s20 =	simm.s32 $0xF;
	[sflag:s19] =	ssyncadd.s32 $0xFFFFF380  }
0x3e: {  	_ =	swait.ge [sflag:s20], $0xC80  }
0x3f: {  	[sflag:s20] =	ssyncset.done $0x0  }
0x40: {  	[sflag:s20] =	ssyncadd.s32 $0xFFFFF380  }
0x41: {  	_ =	swait.ge [sflag:s20], $0xC80  }
0x42: {  	[sflag:s20] =	ssyncset.done $0x0  }
0x43: {  	s6 =	simm.s32 $0x10;
	[sflag:s20] =	ssyncadd.s32 $0xFFFFF380  }
0x44: {  	_ =	swait.ge [sflag:s6], $0xC80  }
0x45: {  	[sflag:s6] =	ssyncset.done $0x0  }
0x46: {  	[sflag:s6] =	ssyncadd.s32 $0xFFFFF380  }
0x47: {  	_ =	swait.ge [sflag:s6], $0xC80  }
0x48: {  	s17 =	rddreg [dreg:$0x6]  }
0x49: {  	s21 =	rddreg [dreg:$0x4];
	s17 =	sadd.s32 $0x1, s17  }
0x4a: {  	p0 =	sne.s32 s17, s21  }
.Ltmp1:
0x4b: {  	_ = 	snop;
	(pc) =	sbr.rel @!p0 .LBB2_5-.Ltmp1, $3  }
0x4c: {  	_ =	sdelay $0x1  }
0x4d: {  	[sflag:s6] =	ssyncset.done $0x0  }
0x4e: {  	[sflag:s6] =	ssyncadd.s32 $0xFFFFF380  }
.LBB2_1:
0x4f: {  	[dreg:$0x6] =	wrdreg s17  }
0x50: {  	s5 =	rddreg [dreg:$0x3];
	s21 =	simm.s32 $0x11  }
0x51: {  	[tilespmem:s2], [sflag:$0x11] =	stream.linear.gather [hbm4b:s5+s2], $0x6800, $0x38;
	[tilespmem:$0x13000] =	vst v63  }
0x52: {  	_ =	swait.ge [sflag:s21], $0x6800  }
0x53: {  	[sflag:s21] =	ssyncset.done $0x0  }
0x54: {  	s6 =	simm.s32 $0x6800;
	[sflag:s21] =	ssyncadd.s32 $0xFFFF9800  }
0x55: {  	[tilespmem:s6], [sflag:$0x1] =	stream.indirect.gather [hbm4b:s3+s16], $0x40, s2, s16, $0xb8;
	[tilespmem:$0x13000] =	vst v63  }
0x56: {  	s17 =	simm.s32 $0x68;
	s6 =	simm.s32 $0x8100  }
0x57: {  	[tilespmem:s6], [sflag:$0x2] =	stream.indirect.gather [hbm4b:s3+s16], $0x40, s17, s16, $0xb8;
	[tilespmem:$0x13000] =	vst v63  }
0x58: {  	s19 =	simm.s32 $0xD0;
	s20 =	simm.s32 $0x9A00  }
0x59: {  	[tilespmem:s20], [sflag:$0x3] =	stream.indirect.gather [hbm4b:s3+s16], $0x40, s19, s16, $0xb8;
	[tilespmem:$0x13000] =	vst v63  }
0x5a: {  	s5 =	simm.s32 $0x0;
	s21 =	simm.s32 $0x138;
	s20 =	simm.s32 $0x478  }
0x5b: {  	[tilespmem:s23], [sflag:$0x4] =	stream.indirect.gather [hbm4b:s3+s16], $0x40, s21, s16, $0xb8;
	[tilespmem:$0x13000] =	vst v63  }
.LBB2_2:
0x5c: {  	_ =	swait.ge [sflag:s24], $0x1900  }
0x5d: {  	[sflag:s24] =	ssyncset.done $0x0  }
0x5e: {  	s17 =	sadd.s32 s5, s7;
	s6 =	simm.s32 $0x6800;
	[sflag:s24] =	ssyncadd.s32 $0xFFFFE700  }
0x5f: {  	[hbm4b:s17+s2] =	stream.linear.scatter [tilespmem:s6], [sflag:$0x9], $0xC80, $0x38;
	[tilespmem:$0x13000] =	vst v63  }
0x60: {  	s19 =	sadd.s32 s5, s10;
	s21 =	simm.s32 $0x7480;
	p0 =	seq.s32 s5, $0x0  }
0x61: {  	[hbm4b:s19+s2] =	stream.linear.scatter [tilespmem:s21], [sflag:$0x9], $0xC80, $0x38;
	[tilespmem:$0x13000] =	vst v63  }
0x62: {  	s19 =	simm.s32 @!p0 $0xD  }
0x63: {  	_ =	swait.ge @!p0 [sflag:s19], $0xC80  }
0x64: {  	[sflag:s19] =	ssyncset.done @!p0 $0x0  }
0x65: {  	[sflag:s19] =	ssyncadd.s32 @!p0 $0xFFFFF380  }
0x66: {  	_ =	swait.ge @!p0 [sflag:s19], $0xC80  }
0x67: {  	[sflag:s19] =	ssyncset.done @!p0 $0x0  }
0x68: {  	s21 =	sadd.s32 $0xFFFFFD28, s20;
	[sflag:s19] =	ssyncadd.s32 @!p0 $0xFFFFF380  }
0x69: {  	[tilespmem:s26], [sflag:$0x5] =	stream.indirect.gather [hbm4b:s3+s16], $0x40, s21, s16, $0xb8;
	[tilespmem:$0x13000] =	vst v63  }
0x6a: {  	_ =	swait.ge [sflag:s28], $0x1900  }
0x6b: {  	[sflag:s28] =	ssyncset.done $0x0  }
0x6c: {  	s6 =	sadd.s32 $0x320, s17;
	s21 =	simm.s32 $0x8100;
	[sflag:s28] =	ssyncadd.s32 $0xFFFFE700  }
0x6d: {  	[hbm4b:s6+s2] =	stream.linear.scatter [tilespmem:s21], [sflag:$0xA], $0xC80, $0x38;
	[tilespmem:$0x13000] =	vst v63  }
0x6e: {  	s19 =	simm.s32 @!p0 $0xE;
	s6 =	sadd.s32 s5, s9;
	s21 =	simm.s32 $0x8D80  }
0x6f: {  	[hbm4b:s6+s2] =	stream.linear.scatter [tilespmem:s21], [sflag:$0xA], $0xC80, $0x38;
	[tilespmem:$0x13000] =	vst v63  }
0x70: {  	_ =	swait.ge @!p0 [sflag:s19], $0xC80  }
0x71: {  	[sflag:s19] =	ssyncset.done @!p0 $0x0  }
0x72: {  	[sflag:s19] =	ssyncadd.s32 @!p0 $0xFFFFF380  }
0x73: {  	_ =	swait.ge @!p0 [sflag:s19], $0xC80  }
0x74: {  	[sflag:s19] =	ssyncset.done @!p0 $0x0  }
0x75: {  	s21 =	sadd.s32 $0xFFFFFD90, s20;
	[sflag:s19] =	ssyncadd.s32 @!p0 $0xFFFFF380  }
0x76: {  	[tilespmem:s30], [sflag:$0x6] =	stream.indirect.gather [hbm4b:s3+s16], $0x40, s21, s16, $0xb8;
	[tilespmem:$0x13000] =	vst v63  }
0x77: {  	_ =	swait.ge [sflag:s31], $0x1900  }
0x78: {  	[sflag:s31] =	ssyncset.done $0x0  }
0x79: {  	s6 =	sadd.s32 $0x640, s17;
	s21 =	simm.s32 $0x9A00;
	[sflag:s31] =	ssyncadd.s32 $0xFFFFE700  }
0x7a: {  	[hbm4b:s6+s2] =	stream.linear.scatter [tilespmem:s21], [sflag:$0xB], $0xC80, $0x38;
	[tilespmem:$0x13000] =	vst v63  }
0x7b: {  	s19 =	simm.s32 @!p0 $0xF;
	s6 =	sadd.s32 s5, s8;
	s21 =	simm.s32 $0xA680  }
0x7c: {  	[hbm4b:s6+s2] =	stream.linear.scatter [tilespmem:s21], [sflag:$0xB], $0xC80, $0x38;
	[tilespmem:$0x13000] =	vst v63  }
0x7d: {  	_ =	swait.ge @!p0 [sflag:s19], $0xC80  }
0x7e: {  	[sflag:s19] =	ssyncset.done @!p0 $0x0  }
0x7f: {  	[sflag:s19] =	ssyncadd.s32 @!p0 $0xFFFFF380  }
0x80: {  	_ =	swait.ge @!p0 [sflag:s19], $0xC80  }
0x81: {  	[sflag:s19] =	ssyncset.done @!p0 $0x0  }
0x82: {  	s21 =	sadd.s32 $0xFFFFFDF8, s20;
	[sflag:s19] =	ssyncadd.s32 @!p0 $0xFFFFF380  }
0x83: {  	[tilespmem:s0], [sflag:$0x7] =	stream.indirect.gather [hbm4b:s3+s16], $0x40, s21, s16, $0xb8;
	[tilespmem:$0x13000] =	vst v63  }
0x84: {  	_ =	swait.ge [sflag:s18], $0x1900  }
0x85: {  	[sflag:s18] =	ssyncset.done $0x0  }
0x86: {  	s6 =	sadd.s32 $0x960, s17;
	s21 =	rddreg [dreg:$0x5];
	[sflag:s18] =	ssyncadd.s32 $0xFFFFE700  }
0x87: {  	[hbm4b:s6+s2] =	stream.linear.scatter [tilespmem:s23], [sflag:$0xC], $0xC80, $0x38;
	[tilespmem:$0x13000] =	vst v63  }
0x88: {  	s19 =	simm.s32 @!p0 $0x10;
	s6 =	sadd.s32 s5, s21;
	s21 =	simm.s32 $0xBF80  }
0x89: {  	[hbm4b:s6+s2] =	stream.linear.scatter [tilespmem:s21], [sflag:$0xC], $0xC80, $0x38;
	[tilespmem:$0x13000] =	vst v63  }
0x8a: {  	_ =	swait.ge @!p0 [sflag:s19], $0xC80  }
0x8b: {  	[sflag:s19] =	ssyncset.done @!p0 $0x0  }
0x8c: {  	[sflag:s19] =	ssyncadd.s32 @!p0 $0xFFFFF380  }
0x8d: {  	_ =	swait.ge @!p0 [sflag:s19], $0xC80  }
0x8e: {  	[sflag:s19] =	ssyncset.done @!p0 $0x0  }
0x8f: {  	s6 =	sadd.s32 $0xFFFFFE60, s20;
	[sflag:s19] =	ssyncadd.s32 @!p0 $0xFFFFF380  }
0x90: {  	[tilespmem:s22], [sflag:$0x8] =	stream.indirect.gather [hbm4b:s3+s16], $0x40, s6, s16, $0xb8;
	[tilespmem:$0x13000] =	vst v63  }
0x91: {  	_ =	swait.ge [sflag:s4], $0x1900  }
0x92: {  	[sflag:s4] =	ssyncset.done $0x0  }
0x93: {  	s21 =	sadd.s32 $0xC80, s17;
	p0 =	seq.s32 s5, $0x30700;
	[sflag:s4] =	ssyncadd.s32 $0xFFFFE700  }
0x94: {  	[hbm4b:s21+s2] =	stream.linear.scatter [tilespmem:s26], [sflag:$0xD], $0xC80, $0x38;
	[tilespmem:$0x13000] =	vst v63  }
0x95: {  	s6 =	sadd.s32 s5, s14;
	s19 =	simm.s32 @!p0 $0x9;
	s21 =	simm.s32 $0xD880  }
0x96: {  	[hbm4b:s6+s2] =	stream.linear.scatter [tilespmem:s21], [sflag:$0xD], $0xC80, $0x38;
	[tilespmem:$0x13000] =	vst v63  }
0x97: {  	_ =	swait.ge @!p0 [sflag:s19], $0xC80  }
0x98: {  	[sflag:s19] =	ssyncset.done @!p0 $0x0  }
0x99: {  	[sflag:s19] =	ssyncadd.s32 @!p0 $0xFFFFF380  }
0x9a: {  	_ =	swait.ge @!p0 [sflag:s19], $0xC80  }
0x9b: {  	s21 =	simm.s32 @!p0 $0x64;
	[sflag:s19] =	ssyncset.done @!p0 $0x0  }
0x9c: {  	s6 =	simm.s32 @!p0 $0x6800;
	[sflag:s19] =	ssyncadd.s32 @!p0 $0xFFFFF380;
	s19 =	sadd.s32 @!p0 $0xFFFFFEC8, s20  }
0x9d: {  	[tilespmem:s6], [sflag:$0x1] =	stream.indirect.gather @!p0 [hbm4b:s3+s21], $0x40, s19, s21, $0xb8;
	[tilespmem:$0x13000] =	vst v63  }
0x9e: {  	_ =	swait.ge [sflag:s15], $0x1900  }
0x9f: {  	[sflag:s15] =	ssyncset.done $0x0  }
0xa0: {  	s19 =	sadd.s32 $0xFA0, s17;
	[sflag:s15] =	ssyncadd.s32 $0xFFFFE700  }
0xa1: {  	[hbm4b:s19+s2] =	stream.linear.scatter [tilespmem:s30], [sflag:$0xE], $0xC80, $0x38;
	[tilespmem:$0x13000] =	vst v63  }
0xa2: {  	s6 =	sadd.s32 s5, s13;
	s19 =	simm.s32 $0xF180  }
0xa3: {  	[hbm4b:s6+s2] =	stream.linear.scatter [tilespmem:s19], [sflag:$0xE], $0xC80, $0x38;
	[tilespmem:$0x13000] =	vst v63  }
0xa4: {  	s6 =	simm.s32 @!p0 $0xA  }
0xa5: {  	_ =	swait.ge @!p0 [sflag:s6], $0xC80  }
0xa6: {  	[sflag:s6] =	ssyncset.done @!p0 $0x0  }
0xa7: {  	[sflag:s6] =	ssyncadd.s32 @!p0 $0xFFFFF380  }
0xa8: {  	_ =	swait.ge @!p0 [sflag:s6], $0xC80  }
0xa9: {  	[sflag:s6] =	ssyncset.done @!p0 $0x0  }
0xaa: {  	s19 =	simm.s32 @!p0 $0x8100;
	[sflag:s6] =	ssyncadd.s32 @!p0 $0xFFFFF380;
	s6 =	sadd.s32 @!p0 $0xFFFFFF30, s20  }
0xab: {  	[tilespmem:s19], [sflag:$0x2] =	stream.indirect.gather @!p0 [hbm4b:s3+s21], $0x40, s6, s21, $0xb8;
	[tilespmem:$0x13000] =	vst v63  }
0xac: {  	_ =	swait.ge [sflag:s25], $0x1900  }
0xad: {  	[sflag:s25] =	ssyncset.done $0x0  }
0xae: {  	s19 =	sadd.s32 $0x12C0, s17;
	[sflag:s25] =	ssyncadd.s32 $0xFFFFE700  }
0xaf: {  	[hbm4b:s19+s2] =	stream.linear.scatter [tilespmem:s0], [sflag:$0xF], $0xC80, $0x38;
	[tilespmem:$0x13000] =	vst v63  }
0xb0: {  	s6 =	sadd.s32 s5, s12;
	s19 =	simm.s32 $0x10A80  }
0xb1: {  	[hbm4b:s6+s2] =	stream.linear.scatter [tilespmem:s19], [sflag:$0xF], $0xC80, $0x38;
	[tilespmem:$0x13000] =	vst v63  }
0xb2: {  	s6 =	simm.s32 @!p0 $0xB  }
0xb3: {  	_ =	swait.ge @!p0 [sflag:s6], $0xC80  }
0xb4: {  	[sflag:s6] =	ssyncset.done @!p0 $0x0  }
0xb5: {  	[sflag:s6] =	ssyncadd.s32 @!p0 $0xFFFFF380  }
0xb6: {  	_ =	swait.ge @!p0 [sflag:s6], $0xC80  }
0xb7: {  	[sflag:s6] =	ssyncset.done @!p0 $0x0  }
0xb8: {  	s19 =	simm.s32 @!p0 $0x9A00;
	[sflag:s6] =	ssyncadd.s32 @!p0 $0xFFFFF380;
	s6 =	sadd.s32 @!p0 $0xFFFFFF98, s20  }
0xb9: {  	[tilespmem:s19], [sflag:$0x3] =	stream.indirect.gather @!p0 [hbm4b:s3+s21], $0x40, s6, s21, $0xb8;
	[tilespmem:$0x13000] =	vst v63  }
0xba: {  	_ =	swait.ge [sflag:s29], $0x1900  }
.Ltmp2:
0xbb: {  	[sflag:s29] =	ssyncset.done $0x0;
	(pc) =	sbr.rel @p0 .LBB2_4-.Ltmp2, $4  }
0xbc: {  	s17 =	sadd.s32 $0x15E0, s17;
	[sflag:s29] =	ssyncadd.s32 $0xFFFFE700  }
0xbd: {  	[hbm4b:s17+s2] =	stream.linear.scatter [tilespmem:s22], [sflag:$0x10], $0xC80, $0x38;
	[tilespmem:$0x13000] =	vst v63  }
0xbe: {  	s19 =	sadd.s32 s5, s11;
	s21 =	simm.s32 $0x12380  }
0xbf: {  	[hbm4b:s19+s2] =	stream.linear.scatter [tilespmem:s21], [sflag:$0x10], $0xC80, $0x38;
	[tilespmem:$0x13000] =	vst v63  }
0xc0: {  	_ =	swait.ge [sflag:s1], $0xC80  }
0xc1: {  	[sflag:s1] =	ssyncset.done $0x0  }
0xc2: {  	[sflag:s1] =	ssyncadd.s32 $0xFFFFF380  }
.Ltmp3:
0xc3: {  	_ =	swait.ge [sflag:s1], $0xC80;
	(pc) =	sbr.rel .LBB2_2-.Ltmp3, $4  }
0xc4: {  	[sflag:s1] =	ssyncset.done $0x0  }
0xc5: {  	[sflag:s1] =	ssyncadd.s32 $0xFFFFF380  }
0xc6: {  	[tilespmem:s23], [sflag:$0x4] =	stream.indirect.gather [hbm4b:s3+s16], $0x40, s20, s16, $0xb8;
	[tilespmem:$0x13000] =	vst v63  }
0xc7: {  	s5 =	sadd.s32 $0x1900, s5;
	s20 =	sadd.s32 $0x340, s20  }
.LBB2_5:
0xc8: {  	_ =	sfence.sel $0x180000  }
0xc9: {  	[bflag:$0x0] =	sbarrier.arrive $0xFFFF  }
0xca: {  	_ =	strace $0x90000047  }
0xcb: {  	s0 =	stileid.u32;
	[bflag:$0x2] =	sbarrier.arrive $0xFFFF  }
0xcc: {  	p0 =	sne.s32 s0, $0x0;
	s0 =	rddreg [dreg:$0x2]  }
0xcd: {  	s0 =	sadd.s32 @!p0 $0x100000, s0  }
0xce: {  	[sflag:s0] =	ssyncadd.tile.s32 @!p0 $0x1;
	_ =	shalt  }
.Lfunc_end2:
_tile_overlayer_lowered:
.L_overlay_start_2:
0xcf: {  	(tag) =	ssettag $0x2  }
0xd0: {  	s0 =	rddreg [dreg:$0x0];
	s2 =	stileid.u32  }
0xd1: {  	s1 =	rddreg [dreg:$0x1];
	p0 =	sne.s32 s2, $0x0  }
0xd2: {  	s3 =	rddreg [dreg:$0x2];
	[bflag:$0x3] =	sbarrier.arrive $0xFFFF;
	s2 =	simm.s32 @!p0 $0x1C11  }
0xd3: {  	[timem:s3], [sflag:s2] =	dma.local @!p0 [hbm:s0], s1  }
0xd4: {  	s0 =	simm.s32 @!p0 $0x11  }
0xd5: {  	_ =	swait.ge @!p0 [sflag:s0], s1  }
0xd6: {  	s1 =	ssub.s32 @!p0 $0x0, s1;
	[sflag:s0] =	ssyncset.done @!p0 $0x0  }
0xd7: {  	[sflag:s0] =	ssyncadd.s32 @!p0 s1  }
0xd8: {  	[bflag:$0x3] =	sbarrier.arrive $0xFFFF  }
0xd9: {  	_ =	shalt  }

// kernel: sparse-core-data-format-call.cloned.1.call-start
scs
called_computation_lowered:
.L_overlay_start_0:
0x0: {  	s2 =	sld [smem:$0x3FD9]  }
0x1: {  	s3 =	sld [smem:$0x3FFE];
	_ =	sdelay $0x1  }
0x2: {  	s1 =	srdreg.scid  }
0x3: {  	s0 =	sand.u32 $0x1, s1  }
0x4: {  	s18 =	sshll.u32 s0, $0xA;
	s2 =	sadd.s32 s3, s2  }
0x5: {  	s2 =	sadd.s32 s2, s18  }
0x6: {  	[smem:$0x3FC6] =	sst s2  }
0x7: {  	_ = 	snop  }
0x8: {  	s2 =	sld [smem:$0x3FD0];
	(tm) =	ssettm $0x1  }
0x9: {  	s19 =	sld [smem:$0x3FFB];
	_ =	sdelay $0x3  }
0xa: {  	_ =	strace s19  }
0xb: {  	s3 =	sld [smem:$0x3FFC];
	_ =	sdelay $0x3  }
0xc: {  	_ =	strace s3  }
0xd: {  	s3 =	sld [smem:$0x3FFD];
	_ =	sdelay $0x3  }
0xe: {  	_ =	strace s3  }
0xf: {  	_ =	strace $0x8FFFFFFF  }
0x10: {  	s20 =	sld [smem:$0x3FDB];
	_ =	sdelay $0x1  }
0x11: {  	s4 =	simm.s32 $_scs_section_size  }
0x12: {  	s5 =	simm.s32 $_size__tile_overlayer_lowered;
	s6 =	simm.s32 $_tile_overlayer_lowered  }
0x13: {  	s23 =	simm.s32 $0x1BFF;
	s22 =	sshll.u32 s6, $0x1;
	s3 =	sadd.s32 s4, s20  }
0x14: {  	s7 =	simm.s32 $0x0;
	s21 =	sshll.u32 s5, $0x1;
	s5 =	sadd.s32 s22, s3  }
0x15: {  	[timem:s7], [sflag:s23] =	dma.local [hbm:s5], s21  }
0x16: {  	_ =	swait.ge [sflag:s23], s21  }
0x17: {  	s4 =	ssub.s32 $0x0, s21;
	[sflag:s23] =	ssyncset.done $0x0  }
0x18: {  	[sflag:s23] =	ssyncadd.s32 s4;
	_ =	sdelay $0x1  }
0x19: {  	s24 =	simm.s32 $0x1B8B  }
0x1a: {  	_ =	swait.ge [sflag:s24], $0x1  }
0x1b: {  	[sflag:s24] =	ssyncset.done $0x0  }
0x1c: {  	s26 =	simm.s32 $0x1B8E;
	s25 =	sld [smem:$0x3FFE];
	[sflag:s24] =	ssyncadd.s32 $0xFFFFFFFF  }
0x1d: {  	s27 =	simm.s32 $execute0_lowered;
	[smem:$0x3FD2] =	sst s26  }
0x1e: {  	s5 =	sshll.u32 s27, $0x1;
	_ =	strace $0x80000049;
	[dreg:$0x1] =	wrdreg $0xFFFFFFFF  }
0x1f: {  	s28 =	simm.s32 $_size_execute0_lowered;
	s3 =	sadd.s32 s3, s5;
	[dreg:$0x0] =	wrdreg $0x0  }
0x20: {  	s5 =	sshll.u32 s28, $0x1;
	[dreg:$0x2] =	wrdreg s3  }
0x21: {  	[dreg:$0x3] =	wrdreg s5  }
0x22: {  	[dreg:$0x4] =	wrdreg $0xC0  }
0x23: {  	_ =	task [dreg:s7], $0x5FFFF  }
0x24: {  	[dreg:$0x1] =	wrdreg $0xFFFFFFFF  }
0x25: {  	[dreg:$0x0] =	wrdreg $0x60  }
0x26: {  	[dreg:$0x2] =	wrdreg s25  }
0x27: {  	[dreg:$0x3] =	wrdreg s2  }
0x28: {  	[dreg:$0x4] =	wrdreg $0x9  }
0x29: {  	_ =	task.clear_ibuf [dreg:s7], $0x5FFFF;
	_ =	strace $0x90000049  }
0x2a: {  	s29 =	simm.s32 $0x9;
	_ =	strace $0x8000004B  }
0x2b: {  	_ =	swait.ge [sflag:s29], $0x1  }
0x2c: {  	[sflag:s29] =	ssyncadd.s32 $0xFFFFFFFF  }
0x2d: {  	_ =	strace $0x9000004B  }
0x2e: {  	_ =	sfence  }
0x2f: {  	s30 =	sld [smem:$0x0];
	_ =	sdelay $0x2  }
0x30: {  	s31 =	sshll.u32 s1, $0xD;
	s1 =	sshrl.u32 s1, $0x2  }
0x31: {  	s3 =	sand.u32 $0x4000, s31;
	s1 =	sadd.s32 s1, s30  }
0x32: {  	s0 =	sor.u32 s3, s0;
	s1 =	sshll.u32 s1, $0x11  }
0x33: {  	s0 =	sor.u32 s1, s0  }
0x34: {  	s0 =	sadd.s32 $0x8F2B, s0  }
0x35: {  	[sflag:s0] =	ssyncadd.remote.s32 $0x1  }
0x36: {  	_ =	sfence.sel $0xFFFF  }
0x37: {  	[dreg:$0x0] =	wrdreg $0xFFFFFFFF;
	(pc) =	sbr.abs _section_cstart, $3  }
0x38: {  	[dreg:$0x1] =	wrdreg $0xFFFFFFFF  }
0x39: {  	_ =	task.clear_ibuf [dreg:s7], $0x2FFFF;
	_ =	strace $0x9FFFFFFF  }
0x3a: {  	(tm) =	ssettm $0x7FFFFFFF  }
0x3b: {  	_ =	shalt  }
tec
execute0_lowered:
.L_overlay_start_1:
0x0: {  	(tag) =	ssettag $0x1  }
0x1: {  	s0 =	srdreg.scid  }
0x2: {  	s1 =	sshll.u32 s0, $0x4  }
0x3: {  	s0 =	stileid.u32;
	s1 =	sand.u32 $0x10, s1  }
0x4: {  	s1 =	sor.u32 s0, s1  }
0x5: {  	s6 =	rddreg [dreg:$0x0];
	s4 =	simm.s32 $0x1;
	s2 =	sshll.u32 s1, $0x7  }
0x6: {  	s7 =	simm.s32 $0x2;
	s12 =	simm.s32 $0x0;
	s1 =	ssub.s32 $0x4000, s2  }
0x7: {  	s8 =	simm.s32 $0x20000;
	s13 =	simm.s32 $0x0;
	s3 =	sand.u32 $0xF80, s1  }
0x8: {  	s9 =	simm.s32 $0x0;
	s5 =	sshrl.u32 s1, $0xC;
	p0 =	sne.s32 s3, $0x0  }
.Ltmp0:
0x9: {  	s1 =	rddreg [dreg:$0x2];
	s4 =	simm.s32 @!p0 $0x0;
	(pc) =	sbr.rel .LBB1_1-.Ltmp0, $4  }
0xa: {  	s11 =	simm.s32 $0x0;
	s3 =	rddreg [dreg:$0x1];
	s5 =	sadd.s32 s4, s5  }
0xb: {  	_ =	strace $0x8000004A;
	s4 =	simm.s32 $0x1;
	s5 =	smul.u32 $0x32, s5  }
0xc: {  	s6 =	sadd.s32 $0xA00, s6;
	s10 =	smov.u32 s2;
	[sflag:s4] =	ssyncpa.u1 $0x0  }
0xd: {  	p0 =	por $0x0, $0x0;
	[sflag:s7] =	ssyncpa.u1 $0x0;
	s7 =	sor.u32 $0x1, s5  }
.LBB1_4:
0xe: {  	s16 =	sshll.u32 s13, $0x3;
	s17 =	sand.u32 $0x78, s13  }
0xf: {  	s30 =	sand.u32 $0x1F800, s13;
	s12 =	sshll.u32 s12, $0x11;
	s16 =	sand.u32 $0x3C00, s16  }
0x10: {  	[tilespmem:s15+$0x810 ss:$0x81] =	vst.msk $0xffff, v2;
	s31 =	sand.u32 $0x7, s13;
	s16 =	sor.u32 s17, s16;
	s17 =	sadd.s32 s3, s30  }
0x11: {  	[tilespmem:s15+$0x1020 ss:$0x81] =	vst.msk $0xffff, v0;
	s13 =	sshll.u32 s31, $0x12;
	s12 =	sadd.s32 s12, s17;
	s16 =	sshrl.u32 s16, $0x3  }
0x12: {  	[tilespmem:s15+$0x0 ss:$0x81] =	vst.msk $0xffff, v1;
	s13 =	sor.u32 $0x400, s13;
	s12 =	sadd.s32 s16, s12  }
0x13: {  	[hbm4b:s12+s13] =	stream.strided.scatter [tilespmem:s14], [sflag:$0x2], $0x2000, s8, s13, $0x20;
	[tilespmem:$0x8080] =	vst v63  }
.LBB1_5:
0x14: {  	s14 =	sadd.s32 $0x1, s9  }
0x15: {  	s12 =	sadd.s32 $0x1000, s10;
	s16 =	smov.u32 s10;
	p2 =	sgt.s32 s14, $0x31  }
0x16: {  	s16 =	smov.u32 @p2 s12  }
0x17: {  	s14 =	simm.s32 @p2 $0x0;
	p2 =	sgt.s32 s16, $0x3FFF  }
0x18: {  	s16 =	smov.u32 @p2 s2;
	p2 =	sne.s32 s11, s7  }
.Ltmp1:
0x19: {  	p1 =	slt.u32 s11, $0x2;
	(pc) =	sbr.rel @!p2 .LBB1_6-.Ltmp1, $4  }
0x1a: {  	s15 =	simm.s32 @!p1 $0x2  }
0x1b: {  	s13 =	smov.u32 s10;
	p0 =	por !p0, !p0;
	_ =	swait.ge @!p1 [sflag:s15], $0x2000  }
0x1c: {  	s12 =	smov.u32 s9;
	[sflag:s15] =	ssyncset.done @!p1 $0x0;
	s9 =	smov.u32 s14  }
0x1d: {  	s11 =	sadd.s32 $0x1, s11;
	[sflag:s15] =	ssyncadd.s32 @!p1 $0xFFFFE000;
	s10 =	smov.u32 s16  }
.LBB1_1:
0x1e: {  	p1 =	sge.u32 s11, s5  }
0x1f: {  	s14 =	sand.u32 @!p1 $0x1FFFFFF, s9  }
0x20: {  	s15 =	smulhi.u32 @!p1 $0x4924925, s14;
	_ =	sdelay $0x1  }
0x21: {  	s15 =	smul.u32 @!p1 $0x38, s15  }
0x22: {  	s16 =	sxor.u32 @!p1 $0xFFFFFFFF, s11;
	s17 =	smul.u32 @!p1 $0x380, s10  }
0x23: {  	s31 =	sadd.s32 $0xFFFFFFFF, s11;
	s16 =	sshll.u32 @!p1 s16, $0xD;
	s14 =	ssub.s32 @!p1 s14, s15  }
0x24: {  	s15 =	sand.u32 @!p1 $0x2000, s16;
	s16 =	sadd.s32 @!p1 s6, s17;
	s14 =	sshll.u32 @!p1 s14, $0x4  }
0x25: {  	s17 =	simm.s32 @!p1 $0x1C00;
	s14 =	sadd.s32 @!p1 s14, s16;
	s16 =	simm.s32 @!p1 $0x40  }
0x26: {  	[tilespmem:s15], [sflag:$0x1] =	stream.strided.gather @!p1 [hbm4b:s14+s16], $0x2000, s17, s16, $0x38;
	[tilespmem:$0x8080] =	vst v63  }
0x27: {  	p1 =	sge.u32 s31, s5  }
.Ltmp2:
0x28: {  	_ = 	snop;
	(pc) =	sbr.rel @p1 .LBB1_5-.Ltmp2, $1  }
0x29: {  	_ =	sdelay $0x3  }
0x2a: {  	s14 =	simm.s32 $0x1  }
0x2b: {  	_ =	swait.ge [sflag:s4], $0x2000;
	s14 =	simm.s32 @!p0 $0x0  }
0x2c: {  	[sflag:s4] =	ssyncset.done $0x0;
	s15 =	sshll.u32 s14, $0xD  }
0x2d: {  	[sflag:s4] =	ssyncadd.s32 $0xFFFFE000;
	s18 =	sor.u32 $0x20, s15  }
0x2e: {  	s14 =	smul.u32 $0x8100, s14;
	v3 =	vld [tilespmem:s18+$0x10]  }
0x2f: {  	s30 =	sand.u32 $0x1, s11;
	v2 =	vld [tilespmem:s18+$0xFFFFFFF0]  }
0x30: {  	s15 =	smul.u32 $0x8100, s30;
	s14 =	sshrl.u32 s14, $0x2;
	v0 =	vld [tilespmem:s18+$0x0]  }
0x31: {  	v1 =	vld [tilespmem:s18+$0xFFFFFFE0];
	s16 =	sor.u32 $0x4000, s14  }
0x32: {  	s31 =	sshrl.u32 s15, $0x2;
	s15 =	sadd.s32 $0x0, s16  }
0x33: {  	s17 =	simm.s32 $0x4;
	s18 =	sadd.s32 $0x40, s18;
	s14 =	sor.u32 $0x4000, s31;
	[tilespmem:s15+$0x1830 ss:$0x81] =	vst.msk $0xffff, v3  }
.LBB1_3:
0x34: {  	v3 =	vld [tilespmem:s18+$0x10];
	p1 =	sne.s32 s17, $0x1FC;
	[tilespmem:s15+$0x810 ss:$0x81] =	vst.msk $0xffff, v2;
	s19 =	smov.u32 s17;
	s17 =	sadd.s32 $0x4, s17  }
.Ltmp3:
0x35: {  	v2 =	vld [tilespmem:s18+$0xFFFFFFF0];
	[tilespmem:s15+$0x1020 ss:$0x81] =	vst.msk $0xffff, v0;
	(pc) =	sbr.rel @p1 .LBB1_3-.Ltmp3, $4  }
0x36: {  	v0 =	vld [tilespmem:s18+$0x0];
	[tilespmem:s15+$0x0 ss:$0x81] =	vst.msk $0xffff, v1  }
0x37: {  	s15 =	sshra.s32 s19, $0x2;
	v1 =	vld [tilespmem:s18+$0xFFFFFFE0]  }
0x38: {  	s15 =	sadd.s32 s15, s16  }
0x39: {  	s18 =	sadd.s32 $0x40, s18;
	[tilespmem:s15+$0x1830 ss:$0x81] =	vst.msk $0xffff, v3  }
.Ltmp4:
0x3a: {  	_ = 	snop;
	(pc) =	sbr.rel .LBB1_4-.Ltmp4, $1  }
0x3b: {  	_ =	sdelay $0x3  }
.LBB1_6:
0x3c: {  	_ =	sfence.sel $0x180000  }
0x3d: {  	s2 =	simm.s32 $0x1;
	[bflag:$0x0] =	sbarrier.arrive $0xFFFF  }
0x3e: {  	s31 =	simm.s32 $0x2;
	[sflag:s2] =	ssyncpa.u1 $0x1  }
0x3f: {  	[sflag:s31] =	ssyncpa.u1 $0x1  }
0x40: {  	p0 =	sne.s32 s0, $0x0;
	_ =	strace $0x9000004A  }
0x41: {  	s0 =	sadd.s32 @!p0 $0x100000, s1;
	[bflag:$0x2] =	sbarrier.arrive $0xFFFF  }
0x42: {  	[sflag:s0] =	ssyncadd.tile.s32 @!p0 $0x1;
	_ =	shalt  }
.Lfunc_end1:
_tile_overlayer_lowered:
.L_overlay_start_2:
0x43: {  	(tag) =	ssettag $0x2  }
0x44: {  	s0 =	rddreg [dreg:$0x0];
	s2 =	stileid.u32  }
0x45: {  	s1 =	rddreg [dreg:$0x1];
	p0 =	sne.s32 s2, $0x0  }
0x46: {  	s3 =	rddreg [dreg:$0x2];
	[bflag:$0x3] =	sbarrier.arrive $0xFFFF;
	s2 =	simm.s32 @!p0 $0x1C01  }
0x47: {  	[timem:s3], [sflag:s2] =	dma.local @!p0 [hbm:s0], s1  }
0x48: {  	s0 =	simm.s32 @!p0 $0x1  }
0x49: {  	_ =	swait.ge @!p0 [sflag:s0], s1  }
0x4a: {  	s1 =	ssub.s32 @!p0 $0x0, s1;
	[sflag:s0] =	ssyncset.done @!p0 $0x0  }
0x4b: {  	[sflag:s0] =	ssyncadd.s32 @!p0 s1  }
0x4c: {  	[bflag:$0x3] =	sbarrier.arrive $0xFFFF  }
0x4d: {  	_ =	shalt  }

</sc_bundles>
